<compile_context>
chip_gen: v7x
topology: tpu7x:2x2x1
jax: 0.10.2.dev20260603
libtpu: 0.0.44.dev20260713+nightly
codegen_flags: <defaults>
</compile_context>

<pallas_src>
import functools

import jax
import jax.numpy as jnp
from jax import lax
from jax.experimental import pallas as pl
from jax.experimental.pallas import tpu as pltpu
from jax.experimental.pallas import tpu_sc as plsc

B = 16384
D = 64
CTX = 10
NEG = 5
NV = 1 + NEG
NC = 2
NS = 16
NW = NC * NS
PERW = B // NW
C = 32
NCHUNK = PERW // C

U_GROUPS = [(0, 128), (128, 128), (256, 64)]
V_GROUPS = [(0, 128), (128, 64)]

_mesh = plsc.VectorSubcoreMesh(
    core_axis_name="c", subcore_axis_name="s", num_cores=NC, num_subcores=NS)

_SC_PARAMS = pltpu.CompilerParams(
    needs_layout_passes=False, use_tc_tiling_on_sc=False,
    skip_device_barrier=True)


@functools.partial(
    pl.kernel,
    out_type=jax.ShapeDtypeStruct((B * D,), jnp.float32),
    mesh=_mesh,
    scratch_types=[
        pltpu.VMEM((PERW * CTX,), jnp.int32),
        pltpu.VMEM((2, C * CTX, D), jnp.float32),
        pltpu.VMEM((PERW * D,), jnp.float32),
        pltpu.SemaphoreType.DMA,
        pltpu.SemaphoreType.DMA,
    ],
    compiler_params=_SC_PARAMS,
)
def _sc_pool(uidx_hbm, u_tab, out_hbm, uidx_v, urows, uemb, sem0, sem1):
    wid = lax.axis_index("s") * NC + lax.axis_index("c")
    base = wid * PERW
    pltpu.sync_copy(uidx_hbm.at[pl.ds(base * CTX, PERW * CTX)], uidx_v)

    def issue(ch, par, sem):
        for off, n in U_GROUPS:
            pltpu.async_copy(
                u_tab.at[uidx_v.at[pl.ds(ch * (C * CTX) + off, n)]],
                urows.at[par, pl.ds(off, n)], sem)

    def drain(ch, par, sem):
        for off, n in U_GROUPS:
            pltpu.make_async_copy(
                u_tab.at[uidx_v.at[pl.ds(ch * (C * CTX) + off, n)]],
                urows.at[par, pl.ds(off, n)], sem).wait()

    def compute(ch, par):
        def elem(e, carry2):
            urow0 = e * CTX
            acc = [urows[par, urow0, pl.ds(k * 16, 16)] for k in range(4)]
            for c in range(1, CTX):
                for k in range(4):
                    acc[k] = acc[k] + urows[par, urow0 + c, pl.ds(k * 16, 16)]
            ebase = (ch * C + e) * D
            for k in range(4):
                uemb[pl.ds(ebase + k * 16, 16)] = acc[k] * (1.0 / CTX)
            return carry2

        lax.fori_loop(0, C, elem, 0)

    issue(0, 0, sem0)
    issue(1, 1, sem1)

    def pair(i, carry):
        ch0 = i * 2
        drain(ch0, 0, sem0)

        @pl.when(ch0 + 2 < NCHUNK)
        def _n0():
            issue(ch0 + 2, 0, sem0)

        compute(ch0, 0)
        drain(ch0 + 1, 1, sem1)

        @pl.when(ch0 + 3 < NCHUNK)
        def _n1():
            issue(ch0 + 3, 1, sem1)

        compute(ch0 + 1, 1)
        return carry

    lax.fori_loop(0, NCHUNK // 2, pair, 0)
    pltpu.sync_copy(uemb, out_hbm.at[pl.ds(base * D, PERW * D)])


@functools.partial(
    pl.kernel,
    out_type=jax.ShapeDtypeStruct((B * NV,), jnp.float32),
    mesh=_mesh,
    scratch_types=[
        pltpu.VMEM((PERW * NV,), jnp.int32),
        pltpu.VMEM((2, C * NV, D), jnp.float32),
        pltpu.VMEM((PERW * D,), jnp.float32),
        pltpu.VMEM((PERW * NV,), jnp.float32),
        pltpu.SemaphoreType.DMA,
        pltpu.SemaphoreType.DMA,
    ],
    compiler_params=_SC_PARAMS,
)
def _sc_dots(vidx_hbm, uemb_hbm, v_tab, out_hbm,
             vidx_v, vrows, uemb, scores, sem0, sem1):
    wid = lax.axis_index("s") * NC + lax.axis_index("c")
    base = wid * PERW
    lane0 = lax.iota(jnp.int32, 16) == 0
    pltpu.sync_copy(vidx_hbm.at[pl.ds(base * NV, PERW * NV)], vidx_v)
    pltpu.sync_copy(uemb_hbm.at[pl.ds(base * D, PERW * D)], uemb)

    def issue(ch, par, sem):
        for off, n in V_GROUPS:
            pltpu.async_copy(
                v_tab.at[vidx_v.at[pl.ds(ch * (C * NV) + off, n)]],
                vrows.at[par, pl.ds(off, n)], sem)

    def drain(ch, par, sem):
        for off, n in V_GROUPS:
            pltpu.make_async_copy(
                v_tab.at[vidx_v.at[pl.ds(ch * (C * NV) + off, n)]],
                vrows.at[par, pl.ds(off, n)], sem).wait()

    def compute(ch, par):
        def elem(e, carry2):
            ebase = (ch * C + e) * D
            acc = [uemb[pl.ds(ebase + k * 16, 16)] for k in range(4)]
            vrow0 = e * NV
            sbase = (ch * C + e) * NV
            for t in range(NV):
                prods = [vrows[par, vrow0 + t, pl.ds(k * 16, 16)] * acc[k]
                         for k in range(4)]
                s = (prods[0] + prods[1]) + (prods[2] + prods[3])
                dot = jnp.sum(s)
                dot = dot if t == 0 else -dot
                plsc.store_scatter(
                    scores,
                    [jnp.full((16,), sbase + t, dtype=jnp.int32)],
                    jnp.full((16,), dot, dtype=jnp.float32),
                    mask=lane0)
            return carry2

        lax.fori_loop(0, C, elem, 0)

    issue(0, 0, sem0)
    issue(1, 1, sem1)

    def pair(i, carry):
        ch0 = i * 2
        drain(ch0, 0, sem0)

        @pl.when(ch0 + 2 < NCHUNK)
        def _n0():
            issue(ch0 + 2, 0, sem0)

        compute(ch0, 0)
        drain(ch0 + 1, 1, sem1)

        @pl.when(ch0 + 3 < NCHUNK)
        def _n1():
            issue(ch0 + 3, 1, sem1)

        compute(ch0 + 1, 1)
        return carry

    lax.fori_loop(0, NCHUNK // 2, pair, 0)
    pltpu.sync_copy(scores, out_hbm.at[pl.ds(base * NV, PERW * NV)])


def _loss_body(x_ref, o_ref):
    o_ref[0, 0] = -jnp.sum(jax.nn.log_sigmoid(x_ref[...]))


_loss = pl.pallas_call(
    _loss_body,
    out_shape=jax.ShapeDtypeStruct((1, 1), jnp.float32),
    out_specs=pl.BlockSpec(memory_space=pltpu.SMEM),
)


def kernel(batch_0, batch_1, batch_2, u_table, v_table):
    uidx = batch_0.astype(jnp.int32).reshape(B * CTX)
    vidx = jnp.concatenate(
        [batch_1[:, None], batch_2], axis=1).astype(jnp.int32).reshape(B * NV)
    uemb = _sc_pool(uidx, u_table)
    scores = _sc_dots(vidx, uemb, v_table)
    loss = _loss(scores.reshape(B * NV // 128, 128))
    return loss.reshape(())

# --- scband reference (transcript-rebuilt; emitter-appended) ---
"""Pipeline reference for scband-word2vec-35115652612765 (READ-ONLY COPY).

The authoritative reference and input builder live on the scoring server;
editing this copy changes nothing except your own understanding.
"""

import jax, jax.numpy as jnp
import numpy as np

VOCAB = 1000000 + 1  # module adds 1 to vocab_size internally
DIM = 64
B = 16384
CTX = 10
NEG = 5

def setup_inputs(seed: int = 0) -> dict:
    key = jax.random.key(seed)
    k0, k1, k2, k3, k4 = jax.random.split(key, 5)
    batch_0 = jax.random.randint(k0, (B, CTX), 0, 1000000)
    batch_1 = jax.random.randint(k1, (B,), 0, 1000000)
    batch_2 = jax.random.randint(k2, (B, NEG), 0, 1000000)
    initrange = 0.5 / DIM
    u_table = jax.random.uniform(k3, (VOCAB, DIM), minval=-initrange, maxval=initrange, dtype=jnp.float32)
    # original inits v to zeros; use small uniform for a numerically non-trivial reference
    v_table = jax.random.uniform(k4, (VOCAB, DIM), minval=-initrange, maxval=initrange, dtype=jnp.float32)
    return {"batch_0": batch_0, "batch_1": batch_1, "batch_2": batch_2, "u_table": u_table, "v_table": v_table}

def reference(batch_0, batch_1, batch_2, u_table, v_table):
    # ns == 1 path (skip-gram with negative sampling)
    u_emb = jnp.mean(jnp.take(u_table, batch_0, axis=0), axis=1)          # [B, D]
    v_emb = jnp.take(v_table, batch_1, axis=0)                            # [B, D]
    score = jnp.sum(u_emb * v_emb, axis=1)                                # [B]
    log_target = jax.nn.log_sigmoid(score)
    v_neg = jnp.take(v_table, batch_2, axis=0)                            # [B, NEG, D]
    neg_score = -1.0 * jnp.sum(u_emb[:, None, :] * v_neg, axis=2)         # [B, NEG]
    log_neg_sample = jax.nn.log_sigmoid(neg_score)
    loss = -1.0 * (jnp.sum(log_target) + jnp.sum(log_neg_sample))
    return loss

if __name__ == "__main__":
    import jax
    _d = setup_inputs()
    print(jax.jit(kernel)(*tuple(_d.values())))

</pallas_src>

<mosaic_0001>
#map = affine_map<(d0, d1) -> (0)>
#map1 = affine_map<(d0, d1) -> (0, 0)>
module attributes {stable_mosaic.version = 14 : i64} {
  func.func @_sc_dots(%arg0: i32, %arg1: i32, %arg2: memref<98304xi32, #tpu.memory_space<hbm>>, %arg3: memref<1048576xf32, #tpu.memory_space<hbm>>, %arg4: memref<1000001x64xf32, #tpu.memory_space<hbm>>, %arg5: memref<98304xf32, #tpu.memory_space<hbm>>, %arg6: memref<3072xi32, #tpu.memory_space<vmem>>, %arg7: memref<2x192x64xf32, #tpu.memory_space<vmem>>, %arg8: memref<32768xf32, #tpu.memory_space<vmem>>, %arg9: memref<3072xf32, #tpu.memory_space<vmem>>, %arg10: memref<!tpu.dma_semaphore, #tpu.memory_space<semaphore_mem>>, %arg11: memref<!tpu.dma_semaphore, #tpu.memory_space<semaphore_mem>>) attributes {dimension_semantics = [#tpu.dimension_semantics<core_parallel>, #tpu.dimension_semantics<subcore_parallel>], iteration_bounds = array<i64: 2, 16>, scalar_prefetch = 0 : i64, scratch_operands = 6 : i64, tpu.core_type = #tpu.core_type<sc_vector_subcore>, window_params = [{transform_indices = #map}, {transform_indices = #map}, {transform_indices = #map1}, {transform_indices = #map}]} {
    %mul3A = arith.constant 2 : i32
    %mul3A_0 = arith.muli %arg1, %mul3A : i32
    %add3A = arith.addi %mul3A_0, %arg0 : i32
    %mul3A_1 = arith.constant 512 : i32
    %mul3A_2 = arith.muli %add3A, %mul3A_1 : i32
    %iota3A = tpu.iota {dimensions = array<i32: 0>} : vector<16xi32>
    %eq3A = arith.constant 0 : i32
    %eq3A_3 = vector.broadcast %eq3A : i32 to vector<16xi32>
    %eq3A_4 = arith.cmpi eq, %iota3A, %eq3A_3 : vector<16xi32>
    %mul3A_5 = arith.constant 6 : i32
    %mul3A_6 = arith.muli %mul3A_2, %mul3A_5 : i32
    "tpu.region"() ({
      %run_scoped3A = tpu.sem_alloc : memref<!tpu.dma_semaphore, #tpu.memory_space<semaphore_mem>>
      %dma_start3A_55 = tpu.memref_slice %arg2[%mul3A_6] : memref<98304xi32, #tpu.memory_space<hbm>> -> memref<3072xi32, #tpu.memory_space<hbm>>
      %dma_start3A_56 = tpu.memref_slice %arg2[%mul3A_6] : memref<98304xi32, #tpu.memory_space<hbm>> -> memref<3072xi32, #tpu.memory_space<hbm>>
      tpu.enqueue_dma source(%dma_start3A_56 : memref<3072xi32, #tpu.memory_space<hbm>>) target(%arg6 : memref<3072xi32, #tpu.memory_space<vmem>>) target_semaphore(%run_scoped3A : memref<!tpu.dma_semaphore, #tpu.memory_space<semaphore_mem>>)
      %dma_wait3A = tpu.memref_slice %arg2[%mul3A_6] : memref<98304xi32, #tpu.memory_space<hbm>> -> memref<3072xi32, #tpu.memory_space<hbm>>
      %dma_wait3A_57 = tpu.memref_slice %arg2[%mul3A_6] : memref<98304xi32, #tpu.memory_space<hbm>> -> memref<3072xi32, #tpu.memory_space<hbm>>
      tpu.wait_dma2 semaphore(%run_scoped3A : memref<!tpu.dma_semaphore, #tpu.memory_space<semaphore_mem>>) src(%dma_wait3A_57 : memref<3072xi32, #tpu.memory_space<hbm>>) dst(%arg6 : memref<3072xi32, #tpu.memory_space<vmem>>)
      tpu.yield
    }) : () -> ()
    %mul3A_7 = arith.constant 64 : i32
    %mul3A_8 = arith.muli %mul3A_2, %mul3A_7 : i32
    "tpu.region"() ({
      %run_scoped3A = tpu.sem_alloc : memref<!tpu.dma_semaphore, #tpu.memory_space<semaphore_mem>>
      %dma_start3A_55 = tpu.memref_slice %arg3[%mul3A_8] : memref<1048576xf32, #tpu.memory_space<hbm>> -> memref<32768xf32, #tpu.memory_space<hbm>>
      %dma_start3A_56 = tpu.memref_slice %arg3[%mul3A_8] : memref<1048576xf32, #tpu.memory_space<hbm>> -> memref<32768xf32, #tpu.memory_space<hbm>>
      tpu.enqueue_dma source(%dma_start3A_56 : memref<32768xf32, #tpu.memory_space<hbm>>) target(%arg8 : memref<32768xf32, #tpu.memory_space<vmem>>) target_semaphore(%run_scoped3A : memref<!tpu.dma_semaphore, #tpu.memory_space<semaphore_mem>>)
      %dma_wait3A = tpu.memref_slice %arg3[%mul3A_8] : memref<1048576xf32, #tpu.memory_space<hbm>> -> memref<32768xf32, #tpu.memory_space<hbm>>
      %dma_wait3A_57 = tpu.memref_slice %arg3[%mul3A_8] : memref<1048576xf32, #tpu.memory_space<hbm>> -> memref<32768xf32, #tpu.memory_space<hbm>>
      tpu.wait_dma2 semaphore(%run_scoped3A : memref<!tpu.dma_semaphore, #tpu.memory_space<semaphore_mem>>) src(%dma_wait3A_57 : memref<32768xf32, #tpu.memory_space<hbm>>) dst(%arg8 : memref<32768xf32, #tpu.memory_space<vmem>>)
      tpu.yield
    }) : () -> ()
    %dma_start3A = arith.constant 0 : i32
    %dma_start3A_9 = arith.constant 0 : i32
    %dma_start3A_10 = arith.constant 0 : i32
    %dma_start3A_11 = tpu.memref_slice %arg7[%dma_start3A, %dma_start3A_9, %dma_start3A_10] : memref<2x192x64xf32, #tpu.memory_space<vmem>> -> memref<1x128x64xf32, #tpu.memory_space<vmem>>
    %dma_start3A_12 = tpu.memref_squeeze %dma_start3A_11 : memref<1x128x64xf32, #tpu.memory_space<vmem>> -> memref<128x64xf32, #tpu.memory_space<vmem>>
    %dma_start3A_13 = arith.constant 0 : i32
    %dma_start3A_14 = tpu.memref_slice %arg6[%dma_start3A_13] : memref<3072xi32, #tpu.memory_space<vmem>> -> memref<128xi32, #tpu.memory_space<vmem>>
    %dma_start3A_15 = arith.constant 0 : i32
    %dma_start3A_16 = arith.constant 0 : i32
    %dma_start3A_17 = tpu.memref_slice %arg4[%dma_start3A_15, %dma_start3A_16] : memref<1000001x64xf32, #tpu.memory_space<hbm>> -> memref<1000001x64xf32, #tpu.memory_space<hbm>>
    tpu.enqueue_indirect_dma source(%dma_start3A_17 : memref<1000001x64xf32, #tpu.memory_space<hbm>>) target(%dma_start3A_12 : memref<128x64xf32, #tpu.memory_space<vmem>>) offsets(%dma_start3A_14 : memref<128xi32, #tpu.memory_space<vmem>>) semaphore(%arg10 : memref<!tpu.dma_semaphore, #tpu.memory_space<semaphore_mem>>)
    %dma_start3A_18 = arith.constant 0 : i32
    %dma_start3A_19 = arith.constant 128 : i32
    %dma_start3A_20 = arith.constant 0 : i32
    %dma_start3A_21 = tpu.memref_slice %arg7[%dma_start3A_18, %dma_start3A_19, %dma_start3A_20] : memref<2x192x64xf32, #tpu.memory_space<vmem>> -> memref<1x64x64xf32, #tpu.memory_space<vmem>>
    %dma_start3A_22 = tpu.memref_squeeze %dma_start3A_21 : memref<1x64x64xf32, #tpu.memory_space<vmem>> -> memref<64x64xf32, #tpu.memory_space<vmem>>
    %dma_start3A_23 = arith.constant 128 : i32
    %dma_start3A_24 = tpu.memref_slice %arg6[%dma_start3A_23] : memref<3072xi32, #tpu.memory_space<vmem>> -> memref<64xi32, #tpu.memory_space<vmem>>
    %dma_start3A_25 = arith.constant 0 : i32
    %dma_start3A_26 = arith.constant 0 : i32
    %dma_start3A_27 = tpu.memref_slice %arg4[%dma_start3A_25, %dma_start3A_26] : memref<1000001x64xf32, #tpu.memory_space<hbm>> -> memref<1000001x64xf32, #tpu.memory_space<hbm>>
    tpu.enqueue_indirect_dma source(%dma_start3A_27 : memref<1000001x64xf32, #tpu.memory_space<hbm>>) target(%dma_start3A_22 : memref<64x64xf32, #tpu.memory_space<vmem>>) offsets(%dma_start3A_24 : memref<64xi32, #tpu.memory_space<vmem>>) semaphore(%arg10 : memref<!tpu.dma_semaphore, #tpu.memory_space<semaphore_mem>>)
    %dma_start3A_28 = arith.constant 1 : i32
    %dma_start3A_29 = arith.constant 0 : i32
    %dma_start3A_30 = arith.constant 0 : i32
    %dma_start3A_31 = tpu.memref_slice %arg7[%dma_start3A_28, %dma_start3A_29, %dma_start3A_30] : memref<2x192x64xf32, #tpu.memory_space<vmem>> -> memref<1x128x64xf32, #tpu.memory_space<vmem>>
    %dma_start3A_32 = tpu.memref_squeeze %dma_start3A_31 : memref<1x128x64xf32, #tpu.memory_space<vmem>> -> memref<128x64xf32, #tpu.memory_space<vmem>>
    %dma_start3A_33 = arith.constant 192 : i32
    %dma_start3A_34 = tpu.memref_slice %arg6[%dma_start3A_33] : memref<3072xi32, #tpu.memory_space<vmem>> -> memref<128xi32, #tpu.memory_space<vmem>>
    %dma_start3A_35 = arith.constant 0 : i32
    %dma_start3A_36 = arith.constant 0 : i32
    %dma_start3A_37 = tpu.memref_slice %arg4[%dma_start3A_35, %dma_start3A_36] : memref<1000001x64xf32, #tpu.memory_space<hbm>> -> memref<1000001x64xf32, #tpu.memory_space<hbm>>
    tpu.enqueue_indirect_dma source(%dma_start3A_37 : memref<1000001x64xf32, #tpu.memory_space<hbm>>) target(%dma_start3A_32 : memref<128x64xf32, #tpu.memory_space<vmem>>) offsets(%dma_start3A_34 : memref<128xi32, #tpu.memory_space<vmem>>) semaphore(%arg11 : memref<!tpu.dma_semaphore, #tpu.memory_space<semaphore_mem>>)
    %dma_start3A_38 = arith.constant 1 : i32
    %dma_start3A_39 = arith.constant 128 : i32
    %dma_start3A_40 = arith.constant 0 : i32
    %dma_start3A_41 = tpu.memref_slice %arg7[%dma_start3A_38, %dma_start3A_39, %dma_start3A_40] : memref<2x192x64xf32, #tpu.memory_space<vmem>> -> memref<1x64x64xf32, #tpu.memory_space<vmem>>
    %dma_start3A_42 = tpu.memref_squeeze %dma_start3A_41 : memref<1x64x64xf32, #tpu.memory_space<vmem>> -> memref<64x64xf32, #tpu.memory_space<vmem>>
    %dma_start3A_43 = arith.constant 320 : i32
    %dma_start3A_44 = tpu.memref_slice %arg6[%dma_start3A_43] : memref<3072xi32, #tpu.memory_space<vmem>> -> memref<64xi32, #tpu.memory_space<vmem>>
    %dma_start3A_45 = arith.constant 0 : i32
    %dma_start3A_46 = arith.constant 0 : i32
    %dma_start3A_47 = tpu.memref_slice %arg4[%dma_start3A_45, %dma_start3A_46] : memref<1000001x64xf32, #tpu.memory_space<hbm>> -> memref<1000001x64xf32, #tpu.memory_space<hbm>>
    tpu.enqueue_indirect_dma source(%dma_start3A_47 : memref<1000001x64xf32, #tpu.memory_space<hbm>>) target(%dma_start3A_42 : memref<64x64xf32, #tpu.memory_space<vmem>>) offsets(%dma_start3A_44 : memref<64xi32, #tpu.memory_space<vmem>>) semaphore(%arg11 : memref<!tpu.dma_semaphore, #tpu.memory_space<semaphore_mem>>)
    %scan3A = arith.constant 0 : i32
    %scan3A_48 = arith.constant 0 : i32
    %scan3A_49 = arith.constant 8 : i32
    %scan3A_50 = arith.addi %scan3A_48, %scan3A_49 : i32
    %scan3A_51 = arith.constant 1 : i32
    scf.for %scan3A_55 = %scan3A_48 to %scan3A_50 step %scan3A_51  : i32 {
      %mul3A_56 = arith.constant 2 : i32
      %mul3A_57 = arith.muli %scan3A_55, %mul3A_56 : i32
      %mul3A_58 = arith.constant 192 : i32
      %mul3A_59 = arith.muli %mul3A_57, %mul3A_58 : i32
      %add3A_60 = arith.constant 0 : i32
      %add3A_61 = arith.addi %mul3A_59, %add3A_60 : i32
      %dma_wait3A = arith.constant 0 : i32
      %dma_wait3A_62 = arith.constant 0 : i32
      %dma_wait3A_63 = arith.constant 0 : i32
      %dma_wait3A_64 = tpu.memref_slice %arg7[%dma_wait3A, %dma_wait3A_62, %dma_wait3A_63] : memref<2x192x64xf32, #tpu.memory_space<vmem>> -> memref<1x128x64xf32, #tpu.memory_space<vmem>>
      %dma_wait3A_65 = tpu.memref_squeeze %dma_wait3A_64 : memref<1x128x64xf32, #tpu.memory_space<vmem>> -> memref<128x64xf32, #tpu.memory_space<vmem>>
      %dma_wait3A_66 = tpu.memref_slice %arg6[%add3A_61] : memref<3072xi32, #tpu.memory_space<vmem>> -> memref<128xi32, #tpu.memory_space<vmem>>
      %dma_wait3A_67 = arith.constant 0 : i32
      %dma_wait3A_68 = arith.constant 0 : i32
      %dma_wait3A_69 = tpu.memref_slice %arg4[%dma_wait3A_67, %dma_wait3A_68] : memref<1000001x64xf32, #tpu.memory_space<hbm>> -> memref<1000001x64xf32, #tpu.memory_space<hbm>>
      tpu.wait_indirect_dma semaphore(%arg10 : memref<!tpu.dma_semaphore, #tpu.memory_space<semaphore_mem>>) src(%dma_wait3A_69 : memref<1000001x64xf32, #tpu.memory_space<hbm>>) dst(%dma_wait3A_65 : memref<128x64xf32, #tpu.memory_space<vmem>>)
      %mul3A_70 = arith.constant 192 : i32
      %mul3A_71 = arith.muli %mul3A_57, %mul3A_70 : i32
      %add3A_72 = arith.constant 128 : i32
      %add3A_73 = arith.addi %mul3A_71, %add3A_72 : i32
      %dma_wait3A_74 = arith.constant 0 : i32
      %dma_wait3A_75 = arith.constant 128 : i32
      %dma_wait3A_76 = arith.constant 0 : i32
      %dma_wait3A_77 = tpu.memref_slice %arg7[%dma_wait3A_74, %dma_wait3A_75, %dma_wait3A_76] : memref<2x192x64xf32, #tpu.memory_space<vmem>> -> memref<1x64x64xf32, #tpu.memory_space<vmem>>
      %dma_wait3A_78 = tpu.memref_squeeze %dma_wait3A_77 : memref<1x64x64xf32, #tpu.memory_space<vmem>> -> memref<64x64xf32, #tpu.memory_space<vmem>>
      %dma_wait3A_79 = tpu.memref_slice %arg6[%add3A_73] : memref<3072xi32, #tpu.memory_space<vmem>> -> memref<64xi32, #tpu.memory_space<vmem>>
      %dma_wait3A_80 = arith.constant 0 : i32
      %dma_wait3A_81 = arith.constant 0 : i32
      %dma_wait3A_82 = tpu.memref_slice %arg4[%dma_wait3A_80, %dma_wait3A_81] : memref<1000001x64xf32, #tpu.memory_space<hbm>> -> memref<1000001x64xf32, #tpu.memory_space<hbm>>
      tpu.wait_indirect_dma semaphore(%arg10 : memref<!tpu.dma_semaphore, #tpu.memory_space<semaphore_mem>>) src(%dma_wait3A_82 : memref<1000001x64xf32, #tpu.memory_space<hbm>>) dst(%dma_wait3A_78 : memref<64x64xf32, #tpu.memory_space<vmem>>)
      %add3A_83 = arith.constant 2 : i32
      %add3A_84 = arith.addi %mul3A_57, %add3A_83 : i32
      %lt3A = arith.constant 16 : i32
      %lt3A_85 = arith.cmpi slt, %add3A_84, %lt3A : i32
      %convert_element_type3A = arith.extui %lt3A_85 : i1 to i32
      %cond3A = arith.constant 0 : i32
      %cond3A_86 = arith.cmpi ne, %convert_element_type3A, %cond3A : i32
      scf.if %cond3A_86 {
        %add3A_136 = arith.constant 2 : i32
        %add3A_137 = arith.addi %mul3A_57, %add3A_136 : i32
        %mul3A_138 = arith.constant 192 : i32
        %mul3A_139 = arith.muli %add3A_137, %mul3A_138 : i32
        %add3A_140 = arith.constant 0 : i32
        %add3A_141 = arith.addi %mul3A_139, %add3A_140 : i32
        %dma_start3A_142 = arith.constant 0 : i32
        %dma_start3A_143 = arith.constant 0 : i32
        %dma_start3A_144 = arith.constant 0 : i32
        %dma_start3A_145 = tpu.memref_slice %arg7[%dma_start3A_142, %dma_start3A_143, %dma_start3A_144] : memref<2x192x64xf32, #tpu.memory_space<vmem>> -> memref<1x128x64xf32, #tpu.memory_space<vmem>>
        %dma_start3A_146 = tpu.memref_squeeze %dma_start3A_145 : memref<1x128x64xf32, #tpu.memory_space<vmem>> -> memref<128x64xf32, #tpu.memory_space<vmem>>
        %dma_start3A_147 = tpu.memref_slice %arg6[%add3A_141] : memref<3072xi32, #tpu.memory_space<vmem>> -> memref<128xi32, #tpu.memory_space<vmem>>
        %dma_start3A_148 = arith.constant 0 : i32
        %dma_start3A_149 = arith.constant 0 : i32
        %dma_start3A_150 = tpu.memref_slice %arg4[%dma_start3A_148, %dma_start3A_149] : memref<1000001x64xf32, #tpu.memory_space<hbm>> -> memref<1000001x64xf32, #tpu.memory_space<hbm>>
        tpu.enqueue_indirect_dma source(%dma_start3A_150 : memref<1000001x64xf32, #tpu.memory_space<hbm>>) target(%dma_start3A_146 : memref<128x64xf32, #tpu.memory_space<vmem>>) offsets(%dma_start3A_147 : memref<128xi32, #tpu.memory_space<vmem>>) semaphore(%arg10 : memref<!tpu.dma_semaphore, #tpu.memory_space<semaphore_mem>>)
        %mul3A_151 = arith.constant 192 : i32
        %mul3A_152 = arith.muli %add3A_137, %mul3A_151 : i32
        %add3A_153 = arith.constant 128 : i32
        %add3A_154 = arith.addi %mul3A_152, %add3A_153 : i32
        %dma_start3A_155 = arith.constant 0 : i32
        %dma_start3A_156 = arith.constant 128 : i32
        %dma_start3A_157 = arith.constant 0 : i32
        %dma_start3A_158 = tpu.memref_slice %arg7[%dma_start3A_155, %dma_start3A_156, %dma_start3A_157] : memref<2x192x64xf32, #tpu.memory_space<vmem>> -> memref<1x64x64xf32, #tpu.memory_space<vmem>>
        %dma_start3A_159 = tpu.memref_squeeze %dma_start3A_158 : memref<1x64x64xf32, #tpu.memory_space<vmem>> -> memref<64x64xf32, #tpu.memory_space<vmem>>
        %dma_start3A_160 = tpu.memref_slice %arg6[%add3A_154] : memref<3072xi32, #tpu.memory_space<vmem>> -> memref<64xi32, #tpu.memory_space<vmem>>
        %dma_start3A_161 = arith.constant 0 : i32
        %dma_start3A_162 = arith.constant 0 : i32
        %dma_start3A_163 = tpu.memref_slice %arg4[%dma_start3A_161, %dma_start3A_162] : memref<1000001x64xf32, #tpu.memory_space<hbm>> -> memref<1000001x64xf32, #tpu.memory_space<hbm>>
        tpu.enqueue_indirect_dma source(%dma_start3A_163 : memref<1000001x64xf32, #tpu.memory_space<hbm>>) target(%dma_start3A_159 : memref<64x64xf32, #tpu.memory_space<vmem>>) offsets(%dma_start3A_160 : memref<64xi32, #tpu.memory_space<vmem>>) semaphore(%arg10 : memref<!tpu.dma_semaphore, #tpu.memory_space<semaphore_mem>>)
      } else {
      }
      %scan3A_87 = arith.constant 0 : i32
      %scan3A_88 = arith.constant 0 : i32
      %scan3A_89 = arith.constant 32 : i32
      %scan3A_90 = arith.addi %scan3A_88, %scan3A_89 : i32
      %scan3A_91 = arith.constant 1 : i32
      scf.for %scan3A_136 = %scan3A_88 to %scan3A_90 step %scan3A_91  : i32 {
        %mul3A_137 = arith.constant 32 : i32
        %mul3A_138 = arith.muli %mul3A_57, %mul3A_137 : i32
        %add3A_139 = arith.addi %mul3A_138, %scan3A_136 : i32
        %mul3A_140 = arith.constant 64 : i32
        %mul3A_141 = arith.muli %add3A_139, %mul3A_140 : i32
        %add3A_142 = arith.constant 0 : i32
        %add3A_143 = arith.addi %mul3A_141, %add3A_142 : i32
        %get3A = arith.index_cast %add3A_143 : i32 to index
        %get3A_144 = tpu.vector_load %arg8[%get3A] {strides = array<i32>} : memref<32768xf32, #tpu.memory_space<vmem>>, vector<16xf32>,
        %add3A_145 = arith.constant 16 : i32
        %add3A_146 = arith.addi %mul3A_141, %add3A_145 : i32
        %get3A_147 = arith.index_cast %add3A_146 : i32 to index
        %get3A_148 = tpu.vector_load %arg8[%get3A_147] {strides = array<i32>} : memref<32768xf32, #tpu.memory_space<vmem>>, vector<16xf32>,
        %add3A_149 = arith.constant 32 : i32
        %add3A_150 = arith.addi %mul3A_141, %add3A_149 : i32
        %get3A_151 = arith.index_cast %add3A_150 : i32 to index
        %get3A_152 = tpu.vector_load %arg8[%get3A_151] {strides = array<i32>} : memref<32768xf32, #tpu.memory_space<vmem>>, vector<16xf32>,
        %add3A_153 = arith.constant 48 : i32
        %add3A_154 = arith.addi %mul3A_141, %add3A_153 : i32
        %get3A_155 = arith.index_cast %add3A_154 : i32 to index
        %get3A_156 = tpu.vector_load %arg8[%get3A_155] {strides = array<i32>} : memref<32768xf32, #tpu.memory_space<vmem>>, vector<16xf32>,
        %mul3A_157 = arith.constant 6 : i32
        %mul3A_158 = arith.muli %scan3A_136, %mul3A_157 : i32
        %mul3A_159 = arith.constant 32 : i32
        %mul3A_160 = arith.muli %mul3A_57, %mul3A_159 : i32
        %add3A_161 = arith.addi %mul3A_160, %scan3A_136 : i32
        %mul3A_162 = arith.constant 6 : i32
        %mul3A_163 = arith.muli %add3A_161, %mul3A_162 : i32
        %add3A_164 = arith.constant 0 : i32
        %add3A_165 = arith.addi %mul3A_158, %add3A_164 : i32
        %get3A_166 = arith.constant 0 : i32
        %get3A_167 = arith.index_cast %get3A_166 : i32 to index
        %get3A_168 = arith.index_cast %add3A_165 : i32 to index
        %get3A_169 = arith.constant 0 : index
        %get3A_170 = tpu.vector_load %arg7[%get3A_167, %get3A_168, %get3A_169] {strides = array<i32>} : memref<2x192x64xf32, #tpu.memory_space<vmem>>, vector<16xf32>,
        %mul3A_171 = arith.mulf %get3A_170, %get3A_144 : vector<16xf32>
        %add3A_172 = arith.constant 0 : i32
        %add3A_173 = arith.addi %mul3A_158, %add3A_172 : i32
        %get3A_174 = arith.constant 0 : i32
        %get3A_175 = arith.index_cast %get3A_174 : i32 to index
        %get3A_176 = arith.index_cast %add3A_173 : i32 to index
        %get3A_177 = arith.constant 16 : index
        %get3A_178 = tpu.vector_load %arg7[%get3A_175, %get3A_176, %get3A_177] {strides = array<i32>} : memref<2x192x64xf32, #tpu.memory_space<vmem>>, vector<16xf32>,
        %mul3A_179 = arith.mulf %get3A_178, %get3A_148 : vector<16xf32>
        %add3A_180 = arith.constant 0 : i32
        %add3A_181 = arith.addi %mul3A_158, %add3A_180 : i32
        %get3A_182 = arith.constant 0 : i32
        %get3A_183 = arith.index_cast %get3A_182 : i32 to index
        %get3A_184 = arith.index_cast %add3A_181 : i32 to index
        %get3A_185 = arith.constant 32 : index
        %get3A_186 = tpu.vector_load %arg7[%get3A_183, %get3A_184, %get3A_185] {strides = array<i32>} : memref<2x192x64xf32, #tpu.memory_space<vmem>>, vector<16xf32>,
        %mul3A_187 = arith.mulf %get3A_186, %get3A_152 : vector<16xf32>
        %add3A_188 = arith.constant 0 : i32
        %add3A_189 = arith.addi %mul3A_158, %add3A_188 : i32
        %get3A_190 = arith.constant 0 : i32
        %get3A_191 = arith.index_cast %get3A_190 : i32 to index
        %get3A_192 = arith.index_cast %add3A_189 : i32 to index
        %get3A_193 = arith.constant 48 : index
        %get3A_194 = tpu.vector_load %arg7[%get3A_191, %get3A_192, %get3A_193] {strides = array<i32>} : memref<2x192x64xf32, #tpu.memory_space<vmem>>, vector<16xf32>,
        %mul3A_195 = arith.mulf %get3A_194, %get3A_156 : vector<16xf32>
        %add3A_196 = arith.addf %mul3A_171, %mul3A_179 : vector<16xf32>
        %add3A_197 = arith.addf %mul3A_187, %mul3A_195 : vector<16xf32>
        %add3A_198 = arith.addf %add3A_196, %add3A_197 : vector<16xf32>
        %reduce_sum3A = arith.constant true
        %reduce_sum3A_199 = vector.broadcast %reduce_sum3A : i1 to vector<16xi1>
        %reduce_sum3A_200 = tpu.scan <sum>, %add3A_198 masked %reduce_sum3A_199 : vector<16xf32>, vector<16xi1> -> vector<16xf32>
        %reduce_sum3A_201 = vector.extract %reduce_sum3A_200[15] : f32 from vector<16xf32>
        %add3A_202 = arith.constant 0 : i32
        %add3A_203 = arith.addi %mul3A_163, %add3A_202 : i32
        %broadcast_in_dim3A = vector.broadcast %add3A_203 : i32 to vector<16xi32>
        %broadcast_in_dim3A_204 = vector.broadcast %reduce_sum3A_201 : f32 to vector<16xf32>
        tpu.vector_store_idx %arg9[%broadcast_in_dim3A], %broadcast_in_dim3A_204 masked %eq3A_4 : memref<3072xf32, #tpu.memory_space<vmem>>[vector<16xi32>], vector<16xf32>, vector<16xi1>
        %add3A_205 = arith.constant 1 : i32
        %add3A_206 = arith.addi %mul3A_158, %add3A_205 : i32
        %get3A_207 = arith.constant 0 : i32
        %get3A_208 = arith.index_cast %get3A_207 : i32 to index
        %get3A_209 = arith.index_cast %add3A_206 : i32 to index
        %get3A_210 = arith.constant 0 : index
        %get3A_211 = tpu.vector_load %arg7[%get3A_208, %get3A_209, %get3A_210] {strides = array<i32>} : memref<2x192x64xf32, #tpu.memory_space<vmem>>, vector<16xf32>,
        %mul3A_212 = arith.mulf %get3A_211, %get3A_144 : vector<16xf32>
        %add3A_213 = arith.constant 1 : i32
        %add3A_214 = arith.addi %mul3A_158, %add3A_213 : i32
        %get3A_215 = arith.constant 0 : i32
        %get3A_216 = arith.index_cast %get3A_215 : i32 to index
        %get3A_217 = arith.index_cast %add3A_214 : i32 to index
        %get3A_218 = arith.constant 16 : index
        %get3A_219 = tpu.vector_load %arg7[%get3A_216, %get3A_217, %get3A_218] {strides = array<i32>} : memref<2x192x64xf32, #tpu.memory_space<vmem>>, vector<16xf32>,
        %mul3A_220 = arith.mulf %get3A_219, %get3A_148 : vector<16xf32>
        %add3A_221 = arith.constant 1 : i32
        %add3A_222 = arith.addi %mul3A_158, %add3A_221 : i32
        %get3A_223 = arith.constant 0 : i32
        %get3A_224 = arith.index_cast %get3A_223 : i32 to index
        %get3A_225 = arith.index_cast %add3A_222 : i32 to index
        %get3A_226 = arith.constant 32 : index
        %get3A_227 = tpu.vector_load %arg7[%get3A_224, %get3A_225, %get3A_226] {strides = array<i32>} : memref<2x192x64xf32, #tpu.memory_space<vmem>>, vector<16xf32>,
        %mul3A_228 = arith.mulf %get3A_227, %get3A_152 : vector<16xf32>
        %add3A_229 = arith.constant 1 : i32
        %add3A_230 = arith.addi %mul3A_158, %add3A_229 : i32
        %get3A_231 = arith.constant 0 : i32
        %get3A_232 = arith.index_cast %get3A_231 : i32 to index
        %get3A_233 = arith.index_cast %add3A_230 : i32 to index
        %get3A_234 = arith.constant 48 : index
        %get3A_235 = tpu.vector_load %arg7[%get3A_232, %get3A_233, %get3A_234] {strides = array<i32>} : memref<2x192x64xf32, #tpu.memory_space<vmem>>, vector<16xf32>,
        %mul3A_236 = arith.mulf %get3A_235, %get3A_156 : vector<16xf32>
        %add3A_237 = arith.addf %mul3A_212, %mul3A_220 : vector<16xf32>
        %add3A_238 = arith.addf %mul3A_228, %mul3A_236 : vector<16xf32>
        %add3A_239 = arith.addf %add3A_237, %add3A_238 : vector<16xf32>
        %reduce_sum3A_240 = arith.constant true
        %reduce_sum3A_241 = vector.broadcast %reduce_sum3A_240 : i1 to vector<16xi1>
        %reduce_sum3A_242 = tpu.scan <sum>, %add3A_239 masked %reduce_sum3A_241 : vector<16xf32>, vector<16xi1> -> vector<16xf32>
        %reduce_sum3A_243 = vector.extract %reduce_sum3A_242[15] : f32 from vector<16xf32>
        %neg3A = arith.constant 0.000000e+00 : f32
        %neg3A_244 = arith.subf %neg3A, %reduce_sum3A_243 : f32
        %add3A_245 = arith.constant 1 : i32
        %add3A_246 = arith.addi %mul3A_163, %add3A_245 : i32
        %broadcast_in_dim3A_247 = vector.broadcast %add3A_246 : i32 to vector<16xi32>
        %broadcast_in_dim3A_248 = vector.broadcast %neg3A_244 : f32 to vector<16xf32>
        tpu.vector_store_idx %arg9[%broadcast_in_dim3A_247], %broadcast_in_dim3A_248 masked %eq3A_4 : memref<3072xf32, #tpu.memory_space<vmem>>[vector<16xi32>], vector<16xf32>, vector<16xi1>
        %add3A_249 = arith.constant 2 : i32
        %add3A_250 = arith.addi %mul3A_158, %add3A_249 : i32
        %get3A_251 = arith.constant 0 : i32
        %get3A_252 = arith.index_cast %get3A_251 : i32 to index
        %get3A_253 = arith.index_cast %add3A_250 : i32 to index
        %get3A_254 = arith.constant 0 : index
        %get3A_255 = tpu.vector_load %arg7[%get3A_252, %get3A_253, %get3A_254] {strides = array<i32>} : memref<2x192x64xf32, #tpu.memory_space<vmem>>, vector<16xf32>,
        %mul3A_256 = arith.mulf %get3A_255, %get3A_144 : vector<16xf32>
        %add3A_257 = arith.constant 2 : i32
        %add3A_258 = arith.addi %mul3A_158, %add3A_257 : i32
        %get3A_259 = arith.constant 0 : i32
        %get3A_260 = arith.index_cast %get3A_259 : i32 to index
        %get3A_261 = arith.index_cast %add3A_258 : i32 to index
        %get3A_262 = arith.constant 16 : index
        %get3A_263 = tpu.vector_load %arg7[%get3A_260, %get3A_261, %get3A_262] {strides = array<i32>} : memref<2x192x64xf32, #tpu.memory_space<vmem>>, vector<16xf32>,
        %mul3A_264 = arith.mulf %get3A_263, %get3A_148 : vector<16xf32>
        %add3A_265 = arith.constant 2 : i32
        %add3A_266 = arith.addi %mul3A_158, %add3A_265 : i32
        %get3A_267 = arith.constant 0 : i32
        %get3A_268 = arith.index_cast %get3A_267 : i32 to index
        %get3A_269 = arith.index_cast %add3A_266 : i32 to index
        %get3A_270 = arith.constant 32 : index
        %get3A_271 = tpu.vector_load %arg7[%get3A_268, %get3A_269, %get3A_270] {strides = array<i32>} : memref<2x192x64xf32, #tpu.memory_space<vmem>>, vector<16xf32>,
        %mul3A_272 = arith.mulf %get3A_271, %get3A_152 : vector<16xf32>
        %add3A_273 = arith.constant 2 : i32
        %add3A_274 = arith.addi %mul3A_158, %add3A_273 : i32
        %get3A_275 = arith.constant 0 : i32
        %get3A_276 = arith.index_cast %get3A_275 : i32 to index
        %get3A_277 = arith.index_cast %add3A_274 : i32 to index
        %get3A_278 = arith.constant 48 : index
        %get3A_279 = tpu.vector_load %arg7[%get3A_276, %get3A_277, %get3A_278] {strides = array<i32>} : memref<2x192x64xf32, #tpu.memory_space<vmem>>, vector<16xf32>,
        %mul3A_280 = arith.mulf %get3A_279, %get3A_156 : vector<16xf32>
        %add3A_281 = arith.addf %mul3A_256, %mul3A_264 : vector<16xf32>
        %add3A_282 = arith.addf %mul3A_272, %mul3A_280 : vector<16xf32>
        %add3A_283 = arith.addf %add3A_281, %add3A_282 : vector<16xf32>
        %reduce_sum3A_284 = arith.constant true
        %reduce_sum3A_285 = vector.broadcast %reduce_sum3A_284 : i1 to vector<16xi1>
        %reduce_sum3A_286 = tpu.scan <sum>, %add3A_283 masked %reduce_sum3A_285 : vector<16xf32>, vector<16xi1> -> vector<16xf32>
        %reduce_sum3A_287 = vector.extract %reduce_sum3A_286[15] : f32 from vector<16xf32>
        %neg3A_288 = arith.constant 0.000000e+00 : f32
        %neg3A_289 = arith.subf %neg3A_288, %reduce_sum3A_287 : f32
        %add3A_290 = arith.constant 2 : i32
        %add3A_291 = arith.addi %mul3A_163, %add3A_290 : i32
        %broadcast_in_dim3A_292 = vector.broadcast %add3A_291 : i32 to vector<16xi32>
        %broadcast_in_dim3A_293 = vector.broadcast %neg3A_289 : f32 to vector<16xf32>
        tpu.vector_store_idx %arg9[%broadcast_in_dim3A_292], %broadcast_in_dim3A_293 masked %eq3A_4 : memref<3072xf32, #tpu.memory_space<vmem>>[vector<16xi32>], vector<16xf32>, vector<16xi1>
        %add3A_294 = arith.constant 3 : i32
        %add3A_295 = arith.addi %mul3A_158, %add3A_294 : i32
        %get3A_296 = arith.constant 0 : i32
        %get3A_297 = arith.index_cast %get3A_296 : i32 to index
        %get3A_298 = arith.index_cast %add3A_295 : i32 to index
        %get3A_299 = arith.constant 0 : index
        %get3A_300 = tpu.vector_load %arg7[%get3A_297, %get3A_298, %get3A_299] {strides = array<i32>} : memref<2x192x64xf32, #tpu.memory_space<vmem>>, vector<16xf32>,
        %mul3A_301 = arith.mulf %get3A_300, %get3A_144 : vector<16xf32>
        %add3A_302 = arith.constant 3 : i32
        %add3A_303 = arith.addi %mul3A_158, %add3A_302 : i32
        %get3A_304 = arith.constant 0 : i32
        %get3A_305 = arith.index_cast %get3A_304 : i32 to index
        %get3A_306 = arith.index_cast %add3A_303 : i32 to index
        %get3A_307 = arith.constant 16 : index
        %get3A_308 = tpu.vector_load %arg7[%get3A_305, %get3A_306, %get3A_307] {strides = array<i32>} : memref<2x192x64xf32, #tpu.memory_space<vmem>>, vector<16xf32>,
        %mul3A_309 = arith.mulf %get3A_308, %get3A_148 : vector<16xf32>
        %add3A_310 = arith.constant 3 : i32
        %add3A_311 = arith.addi %mul3A_158, %add3A_310 : i32
        %get3A_312 = arith.constant 0 : i32
        %get3A_313 = arith.index_cast %get3A_312 : i32 to index
        %get3A_314 = arith.index_cast %add3A_311 : i32 to index
        %get3A_315 = arith.constant 32 : index
        %get3A_316 = tpu.vector_load %arg7[%get3A_313, %get3A_314, %get3A_315] {strides = array<i32>} : memref<2x192x64xf32, #tpu.memory_space<vmem>>, vector<16xf32>,
        %mul3A_317 = arith.mulf %get3A_316, %get3A_152 : vector<16xf32>
        %add3A_318 = arith.constant 3 : i32
        %add3A_319 = arith.addi %mul3A_158, %add3A_318 : i32
        %get3A_320 = arith.constant 0 : i32
        %get3A_321 = arith.index_cast %get3A_320 : i32 to index
        %get3A_322 = arith.index_cast %add3A_319 : i32 to index
        %get3A_323 = arith.constant 48 : index
        %get3A_324 = tpu.vector_load %arg7[%get3A_321, %get3A_322, %get3A_323] {strides = array<i32>} : memref<2x192x64xf32, #tpu.memory_space<vmem>>, vector<16xf32>,
        %mul3A_325 = arith.mulf %get3A_324, %get3A_156 : vector<16xf32>
        %add3A_326 = arith.addf %mul3A_301, %mul3A_309 : vector<16xf32>
        %add3A_327 = arith.addf %mul3A_317, %mul3A_325 : vector<16xf32>
        %add3A_328 = arith.addf %add3A_326, %add3A_327 : vector<16xf32>
        %reduce_sum3A_329 = arith.constant true
        %reduce_sum3A_330 = vector.broadcast %reduce_sum3A_329 : i1 to vector<16xi1>
        %reduce_sum3A_331 = tpu.scan <sum>, %add3A_328 masked %reduce_sum3A_330 : vector<16xf32>, vector<16xi1> -> vector<16xf32>
        %reduce_sum3A_332 = vector.extract %reduce_sum3A_331[15] : f32 from vector<16xf32>
        %neg3A_333 = arith.constant 0.000000e+00 : f32
        %neg3A_334 = arith.subf %neg3A_333, %reduce_sum3A_332 : f32
        %add3A_335 = arith.constant 3 : i32
        %add3A_336 = arith.addi %mul3A_163, %add3A_335 : i32
        %broadcast_in_dim3A_337 = vector.broadcast %add3A_336 : i32 to vector<16xi32>
        %broadcast_in_dim3A_338 = vector.broadcast %neg3A_334 : f32 to vector<16xf32>
        tpu.vector_store_idx %arg9[%broadcast_in_dim3A_337], %broadcast_in_dim3A_338 masked %eq3A_4 : memref<3072xf32, #tpu.memory_space<vmem>>[vector<16xi32>], vector<16xf32>, vector<16xi1>
        %add3A_339 = arith.constant 4 : i32
        %add3A_340 = arith.addi %mul3A_158, %add3A_339 : i32
        %get3A_341 = arith.constant 0 : i32
        %get3A_342 = arith.index_cast %get3A_341 : i32 to index
        %get3A_343 = arith.index_cast %add3A_340 : i32 to index
        %get3A_344 = arith.constant 0 : index
        %get3A_345 = tpu.vector_load %arg7[%get3A_342, %get3A_343, %get3A_344] {strides = array<i32>} : memref<2x192x64xf32, #tpu.memory_space<vmem>>, vector<16xf32>,
        %mul3A_346 = arith.mulf %get3A_345, %get3A_144 : vector<16xf32>
        %add3A_347 = arith.constant 4 : i32
        %add3A_348 = arith.addi %mul3A_158, %add3A_347 : i32
        %get3A_349 = arith.constant 0 : i32
        %get3A_350 = arith.index_cast %get3A_349 : i32 to index
        %get3A_351 = arith.index_cast %add3A_348 : i32 to index
        %get3A_352 = arith.constant 16 : index
        %get3A_353 = tpu.vector_load %arg7[%get3A_350, %get3A_351, %get3A_352] {strides = array<i32>} : memref<2x192x64xf32, #tpu.memory_space<vmem>>, vector<16xf32>,
        %mul3A_354 = arith.mulf %get3A_353, %get3A_148 : vector<16xf32>
        %add3A_355 = arith.constant 4 : i32
        %add3A_356 = arith.addi %mul3A_158, %add3A_355 : i32
        %get3A_357 = arith.constant 0 : i32
        %get3A_358 = arith.index_cast %get3A_357 : i32 to index
        %get3A_359 = arith.index_cast %add3A_356 : i32 to index
        %get3A_360 = arith.constant 32 : index
        %get3A_361 = tpu.vector_load %arg7[%get3A_358, %get3A_359, %get3A_360] {strides = array<i32>} : memref<2x192x64xf32, #tpu.memory_space<vmem>>, vector<16xf32>,
        %mul3A_362 = arith.mulf %get3A_361, %get3A_152 : vector<16xf32>
        %add3A_363 = arith.constant 4 : i32
        %add3A_364 = arith.addi %mul3A_158, %add3A_363 : i32
        %get3A_365 = arith.constant 0 : i32
        %get3A_366 = arith.index_cast %get3A_365 : i32 to index
        %get3A_367 = arith.index_cast %add3A_364 : i32 to index
        %get3A_368 = arith.constant 48 : index
        %get3A_369 = tpu.vector_load %arg7[%get3A_366, %get3A_367, %get3A_368] {strides = array<i32>} : memref<2x192x64xf32, #tpu.memory_space<vmem>>, vector<16xf32>,
        %mul3A_370 = arith.mulf %get3A_369, %get3A_156 : vector<16xf32>
        %add3A_371 = arith.addf %mul3A_346, %mul3A_354 : vector<16xf32>
        %add3A_372 = arith.addf %mul3A_362, %mul3A_370 : vector<16xf32>
        %add3A_373 = arith.addf %add3A_371, %add3A_372 : vector<16xf32>
        %reduce_sum3A_374 = arith.constant true
        %reduce_sum3A_375 = vector.broadcast %reduce_sum3A_374 : i1 to vector<16xi1>
        %reduce_sum3A_376 = tpu.scan <sum>, %add3A_373 masked %reduce_sum3A_375 : vector<16xf32>, vector<16xi1> -> vector<16xf32>
        %reduce_sum3A_377 = vector.extract %reduce_sum3A_376[15] : f32 from vector<16xf32>
        %neg3A_378 = arith.constant 0.000000e+00 : f32
        %neg3A_379 = arith.subf %neg3A_378, %reduce_sum3A_377 : f32
        %add3A_380 = arith.constant 4 : i32
        %add3A_381 = arith.addi %mul3A_163, %add3A_380 : i32
        %broadcast_in_dim3A_382 = vector.broadcast %add3A_381 : i32 to vector<16xi32>
        %broadcast_in_dim3A_383 = vector.broadcast %neg3A_379 : f32 to vector<16xf32>
        tpu.vector_store_idx %arg9[%broadcast_in_dim3A_382], %broadcast_in_dim3A_383 masked %eq3A_4 : memref<3072xf32, #tpu.memory_space<vmem>>[vector<16xi32>], vector<16xf32>, vector<16xi1>
        %add3A_384 = arith.constant 5 : i32
        %add3A_385 = arith.addi %mul3A_158, %add3A_384 : i32
        %get3A_386 = arith.constant 0 : i32
        %get3A_387 = arith.index_cast %get3A_386 : i32 to index
        %get3A_388 = arith.index_cast %add3A_385 : i32 to index
        %get3A_389 = arith.constant 0 : index
        %get3A_390 = tpu.vector_load %arg7[%get3A_387, %get3A_388, %get3A_389] {strides = array<i32>} : memref<2x192x64xf32, #tpu.memory_space<vmem>>, vector<16xf32>,
        %mul3A_391 = arith.mulf %get3A_390, %get3A_144 : vector<16xf32>
        %add3A_392 = arith.constant 5 : i32
        %add3A_393 = arith.addi %mul3A_158, %add3A_392 : i32
        %get3A_394 = arith.constant 0 : i32
        %get3A_395 = arith.index_cast %get3A_394 : i32 to index
        %get3A_396 = arith.index_cast %add3A_393 : i32 to index
        %get3A_397 = arith.constant 16 : index
        %get3A_398 = tpu.vector_load %arg7[%get3A_395, %get3A_396, %get3A_397] {strides = array<i32>} : memref<2x192x64xf32, #tpu.memory_space<vmem>>, vector<16xf32>,
        %mul3A_399 = arith.mulf %get3A_398, %get3A_148 : vector<16xf32>
        %add3A_400 = arith.constant 5 : i32
        %add3A_401 = arith.addi %mul3A_158, %add3A_400 : i32
        %get3A_402 = arith.constant 0 : i32
        %get3A_403 = arith.index_cast %get3A_402 : i32 to index
        %get3A_404 = arith.index_cast %add3A_401 : i32 to index
        %get3A_405 = arith.constant 32 : index
        %get3A_406 = tpu.vector_load %arg7[%get3A_403, %get3A_404, %get3A_405] {strides = array<i32>} : memref<2x192x64xf32, #tpu.memory_space<vmem>>, vector<16xf32>,
        %mul3A_407 = arith.mulf %get3A_406, %get3A_152 : vector<16xf32>
        %add3A_408 = arith.constant 5 : i32
        %add3A_409 = arith.addi %mul3A_158, %add3A_408 : i32
        %get3A_410 = arith.constant 0 : i32
        %get3A_411 = arith.index_cast %get3A_410 : i32 to index
        %get3A_412 = arith.index_cast %add3A_409 : i32 to index
        %get3A_413 = arith.constant 48 : index
        %get3A_414 = tpu.vector_load %arg7[%get3A_411, %get3A_412, %get3A_413] {strides = array<i32>} : memref<2x192x64xf32, #tpu.memory_space<vmem>>, vector<16xf32>,
        %mul3A_415 = arith.mulf %get3A_414, %get3A_156 : vector<16xf32>
        %add3A_416 = arith.addf %mul3A_391, %mul3A_399 : vector<16xf32>
        %add3A_417 = arith.addf %mul3A_407, %mul3A_415 : vector<16xf32>
        %add3A_418 = arith.addf %add3A_416, %add3A_417 : vector<16xf32>
        %reduce_sum3A_419 = arith.constant true
        %reduce_sum3A_420 = vector.broadcast %reduce_sum3A_419 : i1 to vector<16xi1>
        %reduce_sum3A_421 = tpu.scan <sum>, %add3A_418 masked %reduce_sum3A_420 : vector<16xf32>, vector<16xi1> -> vector<16xf32>
        %reduce_sum3A_422 = vector.extract %reduce_sum3A_421[15] : f32 from vector<16xf32>
        %neg3A_423 = arith.constant 0.000000e+00 : f32
        %neg3A_424 = arith.subf %neg3A_423, %reduce_sum3A_422 : f32
        %add3A_425 = arith.constant 5 : i32
        %add3A_426 = arith.addi %mul3A_163, %add3A_425 : i32
        %broadcast_in_dim3A_427 = vector.broadcast %add3A_426 : i32 to vector<16xi32>
        %broadcast_in_dim3A_428 = vector.broadcast %neg3A_424 : f32 to vector<16xf32>
        tpu.vector_store_idx %arg9[%broadcast_in_dim3A_427], %broadcast_in_dim3A_428 masked %eq3A_4 : memref<3072xf32, #tpu.memory_space<vmem>>[vector<16xi32>], vector<16xf32>, vector<16xi1>
      }
      %scan3A_92 = arith.constant 32 : i32
      %add3A_93 = arith.constant 1 : i32
      %add3A_94 = arith.addi %mul3A_57, %add3A_93 : i32
      %mul3A_95 = arith.constant 192 : i32
      %mul3A_96 = arith.muli %add3A_94, %mul3A_95 : i32
      %add3A_97 = arith.constant 0 : i32
      %add3A_98 = arith.addi %mul3A_96, %add3A_97 : i32
      %dma_wait3A_99 = arith.constant 1 : i32
      %dma_wait3A_100 = arith.constant 0 : i32
      %dma_wait3A_101 = arith.constant 0 : i32
      %dma_wait3A_102 = tpu.memref_slice %arg7[%dma_wait3A_99, %dma_wait3A_100, %dma_wait3A_101] : memref<2x192x64xf32, #tpu.memory_space<vmem>> -> memref<1x128x64xf32, #tpu.memory_space<vmem>>
      %dma_wait3A_103 = tpu.memref_squeeze %dma_wait3A_102 : memref<1x128x64xf32, #tpu.memory_space<vmem>> -> memref<128x64xf32, #tpu.memory_space<vmem>>
      %dma_wait3A_104 = tpu.memref_slice %arg6[%add3A_98] : memref<3072xi32, #tpu.memory_space<vmem>> -> memref<128xi32, #tpu.memory_space<vmem>>
      %dma_wait3A_105 = arith.constant 0 : i32
      %dma_wait3A_106 = arith.constant 0 : i32
      %dma_wait3A_107 = tpu.memref_slice %arg4[%dma_wait3A_105, %dma_wait3A_106] : memref<1000001x64xf32, #tpu.memory_space<hbm>> -> memref<1000001x64xf32, #tpu.memory_space<hbm>>
      tpu.wait_indirect_dma semaphore(%arg11 : memref<!tpu.dma_semaphore, #tpu.memory_space<semaphore_mem>>) src(%dma_wait3A_107 : memref<1000001x64xf32, #tpu.memory_space<hbm>>) dst(%dma_wait3A_103 : memref<128x64xf32, #tpu.memory_space<vmem>>)
      %mul3A_108 = arith.constant 192 : i32
      %mul3A_109 = arith.muli %add3A_94, %mul3A_108 : i32
      %add3A_110 = arith.constant 128 : i32
      %add3A_111 = arith.addi %mul3A_109, %add3A_110 : i32
      %dma_wait3A_112 = arith.constant 1 : i32
      %dma_wait3A_113 = arith.constant 128 : i32
      %dma_wait3A_114 = arith.constant 0 : i32
      %dma_wait3A_115 = tpu.memref_slice %arg7[%dma_wait3A_112, %dma_wait3A_113, %dma_wait3A_114] : memref<2x192x64xf32, #tpu.memory_space<vmem>> -> memref<1x64x64xf32, #tpu.memory_space<vmem>>
      %dma_wait3A_116 = tpu.memref_squeeze %dma_wait3A_115 : memref<1x64x64xf32, #tpu.memory_space<vmem>> -> memref<64x64xf32, #tpu.memory_space<vmem>>
      %dma_wait3A_117 = tpu.memref_slice %arg6[%add3A_111] : memref<3072xi32, #tpu.memory_space<vmem>> -> memref<64xi32, #tpu.memory_space<vmem>>
      %dma_wait3A_118 = arith.constant 0 : i32
      %dma_wait3A_119 = arith.constant 0 : i32
      %dma_wait3A_120 = tpu.memref_slice %arg4[%dma_wait3A_118, %dma_wait3A_119] : memref<1000001x64xf32, #tpu.memory_space<hbm>> -> memref<1000001x64xf32, #tpu.memory_space<hbm>>
      tpu.wait_indirect_dma semaphore(%arg11 : memref<!tpu.dma_semaphore, #tpu.memory_space<semaphore_mem>>) src(%dma_wait3A_120 : memref<1000001x64xf32, #tpu.memory_space<hbm>>) dst(%dma_wait3A_116 : memref<64x64xf32, #tpu.memory_space<vmem>>)
      %add3A_121 = arith.constant 3 : i32
      %add3A_122 = arith.addi %mul3A_57, %add3A_121 : i32
      %lt3A_123 = arith.constant 16 : i32
      %lt3A_124 = arith.cmpi slt, %add3A_122, %lt3A_123 : i32
      %convert_element_type3A_125 = arith.extui %lt3A_124 : i1 to i32
      %cond3A_126 = arith.constant 0 : i32
      %cond3A_127 = arith.cmpi ne, %convert_element_type3A_125, %cond3A_126 : i32
      scf.if %cond3A_127 {
        %add3A_136 = arith.constant 3 : i32
        %add3A_137 = arith.addi %mul3A_57, %add3A_136 : i32
        %mul3A_138 = arith.constant 192 : i32
        %mul3A_139 = arith.muli %add3A_137, %mul3A_138 : i32
        %add3A_140 = arith.constant 0 : i32
        %add3A_141 = arith.addi %mul3A_139, %add3A_140 : i32
        %dma_start3A_142 = arith.constant 1 : i32
        %dma_start3A_143 = arith.constant 0 : i32
        %dma_start3A_144 = arith.constant 0 : i32
        %dma_start3A_145 = tpu.memref_slice %arg7[%dma_start3A_142, %dma_start3A_143, %dma_start3A_144] : memref<2x192x64xf32, #tpu.memory_space<vmem>> -> memref<1x128x64xf32, #tpu.memory_space<vmem>>
        %dma_start3A_146 = tpu.memref_squeeze %dma_start3A_145 : memref<1x128x64xf32, #tpu.memory_space<vmem>> -> memref<128x64xf32, #tpu.memory_space<vmem>>
        %dma_start3A_147 = tpu.memref_slice %arg6[%add3A_141] : memref<3072xi32, #tpu.memory_space<vmem>> -> memref<128xi32, #tpu.memory_space<vmem>>
        %dma_start3A_148 = arith.constant 0 : i32
        %dma_start3A_149 = arith.constant 0 : i32
        %dma_start3A_150 = tpu.memref_slice %arg4[%dma_start3A_148, %dma_start3A_149] : memref<1000001x64xf32, #tpu.memory_space<hbm>> -> memref<1000001x64xf32, #tpu.memory_space<hbm>>
        tpu.enqueue_indirect_dma source(%dma_start3A_150 : memref<1000001x64xf32, #tpu.memory_space<hbm>>) target(%dma_start3A_146 : memref<128x64xf32, #tpu.memory_space<vmem>>) offsets(%dma_start3A_147 : memref<128xi32, #tpu.memory_space<vmem>>) semaphore(%arg11 : memref<!tpu.dma_semaphore, #tpu.memory_space<semaphore_mem>>)
        %mul3A_151 = arith.constant 192 : i32
        %mul3A_152 = arith.muli %add3A_137, %mul3A_151 : i32
        %add3A_153 = arith.constant 128 : i32
        %add3A_154 = arith.addi %mul3A_152, %add3A_153 : i32
        %dma_start3A_155 = arith.constant 1 : i32
        %dma_start3A_156 = arith.constant 128 : i32
        %dma_start3A_157 = arith.constant 0 : i32
        %dma_start3A_158 = tpu.memref_slice %arg7[%dma_start3A_155, %dma_start3A_156, %dma_start3A_157] : memref<2x192x64xf32, #tpu.memory_space<vmem>> -> memref<1x64x64xf32, #tpu.memory_space<vmem>>
        %dma_start3A_159 = tpu.memref_squeeze %dma_start3A_158 : memref<1x64x64xf32, #tpu.memory_space<vmem>> -> memref<64x64xf32, #tpu.memory_space<vmem>>
        %dma_start3A_160 = tpu.memref_slice %arg6[%add3A_154] : memref<3072xi32, #tpu.memory_space<vmem>> -> memref<64xi32, #tpu.memory_space<vmem>>
        %dma_start3A_161 = arith.constant 0 : i32
        %dma_start3A_162 = arith.constant 0 : i32
        %dma_start3A_163 = tpu.memref_slice %arg4[%dma_start3A_161, %dma_start3A_162] : memref<1000001x64xf32, #tpu.memory_space<hbm>> -> memref<1000001x64xf32, #tpu.memory_space<hbm>>
        tpu.enqueue_indirect_dma source(%dma_start3A_163 : memref<1000001x64xf32, #tpu.memory_space<hbm>>) target(%dma_start3A_159 : memref<64x64xf32, #tpu.memory_space<vmem>>) offsets(%dma_start3A_160 : memref<64xi32, #tpu.memory_space<vmem>>) semaphore(%arg11 : memref<!tpu.dma_semaphore, #tpu.memory_space<semaphore_mem>>)
      } else {
      }
      %add3A_128 = arith.constant 1 : i32
      %add3A_129 = arith.addi %mul3A_57, %add3A_128 : i32
      %scan3A_130 = arith.constant 0 : i32
      %scan3A_131 = arith.constant 0 : i32
      %scan3A_132 = arith.constant 32 : i32
      %scan3A_133 = arith.addi %scan3A_131, %scan3A_132 : i32
      %scan3A_134 = arith.constant 1 : i32
      scf.for %scan3A_136 = %scan3A_131 to %scan3A_133 step %scan3A_134  : i32 {
        %mul3A_137 = arith.constant 32 : i32
        %mul3A_138 = arith.muli %add3A_129, %mul3A_137 : i32
        %add3A_139 = arith.addi %mul3A_138, %scan3A_136 : i32
        %mul3A_140 = arith.constant 64 : i32
        %mul3A_141 = arith.muli %add3A_139, %mul3A_140 : i32
        %add3A_142 = arith.constant 0 : i32
        %add3A_143 = arith.addi %mul3A_141, %add3A_142 : i32
        %get3A = arith.index_cast %add3A_143 : i32 to index
        %get3A_144 = tpu.vector_load %arg8[%get3A] {strides = array<i32>} : memref<32768xf32, #tpu.memory_space<vmem>>, vector<16xf32>,
        %add3A_145 = arith.constant 16 : i32
        %add3A_146 = arith.addi %mul3A_141, %add3A_145 : i32
        %get3A_147 = arith.index_cast %add3A_146 : i32 to index
        %get3A_148 = tpu.vector_load %arg8[%get3A_147] {strides = array<i32>} : memref<32768xf32, #tpu.memory_space<vmem>>, vector<16xf32>,
        %add3A_149 = arith.constant 32 : i32
        %add3A_150 = arith.addi %mul3A_141, %add3A_149 : i32
        %get3A_151 = arith.index_cast %add3A_150 : i32 to index
        %get3A_152 = tpu.vector_load %arg8[%get3A_151] {strides = array<i32>} : memref<32768xf32, #tpu.memory_space<vmem>>, vector<16xf32>,
        %add3A_153 = arith.constant 48 : i32
        %add3A_154 = arith.addi %mul3A_141, %add3A_153 : i32
        %get3A_155 = arith.index_cast %add3A_154 : i32 to index
        %get3A_156 = tpu.vector_load %arg8[%get3A_155] {strides = array<i32>} : memref<32768xf32, #tpu.memory_space<vmem>>, vector<16xf32>,
        %mul3A_157 = arith.constant 6 : i32
        %mul3A_158 = arith.muli %scan3A_136, %mul3A_157 : i32
        %mul3A_159 = arith.constant 32 : i32
        %mul3A_160 = arith.muli %add3A_129, %mul3A_159 : i32
        %add3A_161 = arith.addi %mul3A_160, %scan3A_136 : i32
        %mul3A_162 = arith.constant 6 : i32
        %mul3A_163 = arith.muli %add3A_161, %mul3A_162 : i32
        %add3A_164 = arith.constant 0 : i32
        %add3A_165 = arith.addi %mul3A_158, %add3A_164 : i32
        %get3A_166 = arith.constant 1 : i32
        %get3A_167 = arith.index_cast %get3A_166 : i32 to index
        %get3A_168 = arith.index_cast %add3A_165 : i32 to index
        %get3A_169 = arith.constant 0 : index
        %get3A_170 = tpu.vector_load %arg7[%get3A_167, %get3A_168, %get3A_169] {strides = array<i32>} : memref<2x192x64xf32, #tpu.memory_space<vmem>>, vector<16xf32>,
        %mul3A_171 = arith.mulf %get3A_170, %get3A_144 : vector<16xf32>
        %add3A_172 = arith.constant 0 : i32
        %add3A_173 = arith.addi %mul3A_158, %add3A_172 : i32
        %get3A_174 = arith.constant 1 : i32
        %get3A_175 = arith.index_cast %get3A_174 : i32 to index
        %get3A_176 = arith.index_cast %add3A_173 : i32 to index
        %get3A_177 = arith.constant 16 : index
        %get3A_178 = tpu.vector_load %arg7[%get3A_175, %get3A_176, %get3A_177] {strides = array<i32>} : memref<2x192x64xf32, #tpu.memory_space<vmem>>, vector<16xf32>,
        %mul3A_179 = arith.mulf %get3A_178, %get3A_148 : vector<16xf32>
        %add3A_180 = arith.constant 0 : i32
        %add3A_181 = arith.addi %mul3A_158, %add3A_180 : i32
        %get3A_182 = arith.constant 1 : i32
        %get3A_183 = arith.index_cast %get3A_182 : i32 to index
        %get3A_184 = arith.index_cast %add3A_181 : i32 to index
        %get3A_185 = arith.constant 32 : index
        %get3A_186 = tpu.vector_load %arg7[%get3A_183, %get3A_184, %get3A_185] {strides = array<i32>} : memref<2x192x64xf32, #tpu.memory_space<vmem>>, vector<16xf32>,
        %mul3A_187 = arith.mulf %get3A_186, %get3A_152 : vector<16xf32>
        %add3A_188 = arith.constant 0 : i32
        %add3A_189 = arith.addi %mul3A_158, %add3A_188 : i32
        %get3A_190 = arith.constant 1 : i32
        %get3A_191 = arith.index_cast %get3A_190 : i32 to index
        %get3A_192 = arith.index_cast %add3A_189 : i32 to index
        %get3A_193 = arith.constant 48 : index
        %get3A_194 = tpu.vector_load %arg7[%get3A_191, %get3A_192, %get3A_193] {strides = array<i32>} : memref<2x192x64xf32, #tpu.memory_space<vmem>>, vector<16xf32>,
        %mul3A_195 = arith.mulf %get3A_194, %get3A_156 : vector<16xf32>
        %add3A_196 = arith.addf %mul3A_171, %mul3A_179 : vector<16xf32>
        %add3A_197 = arith.addf %mul3A_187, %mul3A_195 : vector<16xf32>
        %add3A_198 = arith.addf %add3A_196, %add3A_197 : vector<16xf32>
        %reduce_sum3A = arith.constant true
        %reduce_sum3A_199 = vector.broadcast %reduce_sum3A : i1 to vector<16xi1>
        %reduce_sum3A_200 = tpu.scan <sum>, %add3A_198 masked %reduce_sum3A_199 : vector<16xf32>, vector<16xi1> -> vector<16xf32>
        %reduce_sum3A_201 = vector.extract %reduce_sum3A_200[15] : f32 from vector<16xf32>
        %add3A_202 = arith.constant 0 : i32
        %add3A_203 = arith.addi %mul3A_163, %add3A_202 : i32
        %broadcast_in_dim3A = vector.broadcast %add3A_203 : i32 to vector<16xi32>
        %broadcast_in_dim3A_204 = vector.broadcast %reduce_sum3A_201 : f32 to vector<16xf32>
        tpu.vector_store_idx %arg9[%broadcast_in_dim3A], %broadcast_in_dim3A_204 masked %eq3A_4 : memref<3072xf32, #tpu.memory_space<vmem>>[vector<16xi32>], vector<16xf32>, vector<16xi1>
        %add3A_205 = arith.constant 1 : i32
        %add3A_206 = arith.addi %mul3A_158, %add3A_205 : i32
        %get3A_207 = arith.constant 1 : i32
        %get3A_208 = arith.index_cast %get3A_207 : i32 to index
        %get3A_209 = arith.index_cast %add3A_206 : i32 to index
        %get3A_210 = arith.constant 0 : index
        %get3A_211 = tpu.vector_load %arg7[%get3A_208, %get3A_209, %get3A_210] {strides = array<i32>} : memref<2x192x64xf32, #tpu.memory_space<vmem>>, vector<16xf32>,
        %mul3A_212 = arith.mulf %get3A_211, %get3A_144 : vector<16xf32>
        %add3A_213 = arith.constant 1 : i32
        %add3A_214 = arith.addi %mul3A_158, %add3A_213 : i32
        %get3A_215 = arith.constant 1 : i32
        %get3A_216 = arith.index_cast %get3A_215 : i32 to index
        %get3A_217 = arith.index_cast %add3A_214 : i32 to index
        %get3A_218 = arith.constant 16 : index
        %get3A_219 = tpu.vector_load %arg7[%get3A_216, %get3A_217, %get3A_218] {strides = array<i32>} : memref<2x192x64xf32, #tpu.memory_space<vmem>>, vector<16xf32>,
        %mul3A_220 = arith.mulf %get3A_219, %get3A_148 : vector<16xf32>
        %add3A_221 = arith.constant 1 : i32
        %add3A_222 = arith.addi %mul3A_158, %add3A_221 : i32
        %get3A_223 = arith.constant 1 : i32
        %get3A_224 = arith.index_cast %get3A_223 : i32 to index
        %get3A_225 = arith.index_cast %add3A_222 : i32 to index
        %get3A_226 = arith.constant 32 : index
        %get3A_227 = tpu.vector_load %arg7[%get3A_224, %get3A_225, %get3A_226] {strides = array<i32>} : memref<2x192x64xf32, #tpu.memory_space<vmem>>, vector<16xf32>,
        %mul3A_228 = arith.mulf %get3A_227, %get3A_152 : vector<16xf32>
        %add3A_229 = arith.constant 1 : i32
        %add3A_230 = arith.addi %mul3A_158, %add3A_229 : i32
        %get3A_231 = arith.constant 1 : i32
        %get3A_232 = arith.index_cast %get3A_231 : i32 to index
        %get3A_233 = arith.index_cast %add3A_230 : i32 to index
        %get3A_234 = arith.constant 48 : index
        %get3A_235 = tpu.vector_load %arg7[%get3A_232, %get3A_233, %get3A_234] {strides = array<i32>} : memref<2x192x64xf32, #tpu.memory_space<vmem>>, vector<16xf32>,
        %mul3A_236 = arith.mulf %get3A_235, %get3A_156 : vector<16xf32>
        %add3A_237 = arith.addf %mul3A_212, %mul3A_220 : vector<16xf32>
        %add3A_238 = arith.addf %mul3A_228, %mul3A_236 : vector<16xf32>
        %add3A_239 = arith.addf %add3A_237, %add3A_238 : vector<16xf32>
        %reduce_sum3A_240 = arith.constant true
        %reduce_sum3A_241 = vector.broadcast %reduce_sum3A_240 : i1 to vector<16xi1>
        %reduce_sum3A_242 = tpu.scan <sum>, %add3A_239 masked %reduce_sum3A_241 : vector<16xf32>, vector<16xi1> -> vector<16xf32>
        %reduce_sum3A_243 = vector.extract %reduce_sum3A_242[15] : f32 from vector<16xf32>
        %neg3A = arith.constant 0.000000e+00 : f32
        %neg3A_244 = arith.subf %neg3A, %reduce_sum3A_243 : f32
        %add3A_245 = arith.constant 1 : i32
        %add3A_246 = arith.addi %mul3A_163, %add3A_245 : i32
        %broadcast_in_dim3A_247 = vector.broadcast %add3A_246 : i32 to vector<16xi32>
        %broadcast_in_dim3A_248 = vector.broadcast %neg3A_244 : f32 to vector<16xf32>
        tpu.vector_store_idx %arg9[%broadcast_in_dim3A_247], %broadcast_in_dim3A_248 masked %eq3A_4 : memref<3072xf32, #tpu.memory_space<vmem>>[vector<16xi32>], vector<16xf32>, vector<16xi1>
        %add3A_249 = arith.constant 2 : i32
        %add3A_250 = arith.addi %mul3A_158, %add3A_249 : i32
        %get3A_251 = arith.constant 1 : i32
        %get3A_252 = arith.index_cast %get3A_251 : i32 to index
        %get3A_253 = arith.index_cast %add3A_250 : i32 to index
        %get3A_254 = arith.constant 0 : index
        %get3A_255 = tpu.vector_load %arg7[%get3A_252, %get3A_253, %get3A_254] {strides = array<i32>} : memref<2x192x64xf32, #tpu.memory_space<vmem>>, vector<16xf32>,
        %mul3A_256 = arith.mulf %get3A_255, %get3A_144 : vector<16xf32>
        %add3A_257 = arith.constant 2 : i32
        %add3A_258 = arith.addi %mul3A_158, %add3A_257 : i32
        %get3A_259 = arith.constant 1 : i32
        %get3A_260 = arith.index_cast %get3A_259 : i32 to index
        %get3A_261 = arith.index_cast %add3A_258 : i32 to index
        %get3A_262 = arith.constant 16 : index
        %get3A_263 = tpu.vector_load %arg7[%get3A_260, %get3A_261, %get3A_262] {strides = array<i32>} : memref<2x192x64xf32, #tpu.memory_space<vmem>>, vector<16xf32>,
        %mul3A_264 = arith.mulf %get3A_263, %get3A_148 : vector<16xf32>
        %add3A_265 = arith.constant 2 : i32
        %add3A_266 = arith.addi %mul3A_158, %add3A_265 : i32
        %get3A_267 = arith.constant 1 : i32
        %get3A_268 = arith.index_cast %get3A_267 : i32 to index
        %get3A_269 = arith.index_cast %add3A_266 : i32 to index
        %get3A_270 = arith.constant 32 : index
        %get3A_271 = tpu.vector_load %arg7[%get3A_268, %get3A_269, %get3A_270] {strides = array<i32>} : memref<2x192x64xf32, #tpu.memory_space<vmem>>, vector<16xf32>,
        %mul3A_272 = arith.mulf %get3A_271, %get3A_152 : vector<16xf32>
        %add3A_273 = arith.constant 2 : i32
        %add3A_274 = arith.addi %mul3A_158, %add3A_273 : i32
        %get3A_275 = arith.constant 1 : i32
        %get3A_276 = arith.index_cast %get3A_275 : i32 to index
        %get3A_277 = arith.index_cast %add3A_274 : i32 to index
        %get3A_278 = arith.constant 48 : index
        %get3A_279 = tpu.vector_load %arg7[%get3A_276, %get3A_277, %get3A_278] {strides = array<i32>} : memref<2x192x64xf32, #tpu.memory_space<vmem>>, vector<16xf32>,
        %mul3A_280 = arith.mulf %get3A_279, %get3A_156 : vector<16xf32>
        %add3A_281 = arith.addf %mul3A_256, %mul3A_264 : vector<16xf32>
        %add3A_282 = arith.addf %mul3A_272, %mul3A_280 : vector<16xf32>
        %add3A_283 = arith.addf %add3A_281, %add3A_282 : vector<16xf32>
        %reduce_sum3A_284 = arith.constant true
        %reduce_sum3A_285 = vector.broadcast %reduce_sum3A_284 : i1 to vector<16xi1>
        %reduce_sum3A_286 = tpu.scan <sum>, %add3A_283 masked %reduce_sum3A_285 : vector<16xf32>, vector<16xi1> -> vector<16xf32>
        %reduce_sum3A_287 = vector.extract %reduce_sum3A_286[15] : f32 from vector<16xf32>
        %neg3A_288 = arith.constant 0.000000e+00 : f32
        %neg3A_289 = arith.subf %neg3A_288, %reduce_sum3A_287 : f32
        %add3A_290 = arith.constant 2 : i32
        %add3A_291 = arith.addi %mul3A_163, %add3A_290 : i32
        %broadcast_in_dim3A_292 = vector.broadcast %add3A_291 : i32 to vector<16xi32>
        %broadcast_in_dim3A_293 = vector.broadcast %neg3A_289 : f32 to vector<16xf32>
        tpu.vector_store_idx %arg9[%broadcast_in_dim3A_292], %broadcast_in_dim3A_293 masked %eq3A_4 : memref<3072xf32, #tpu.memory_space<vmem>>[vector<16xi32>], vector<16xf32>, vector<16xi1>
        %add3A_294 = arith.constant 3 : i32
        %add3A_295 = arith.addi %mul3A_158, %add3A_294 : i32
        %get3A_296 = arith.constant 1 : i32
        %get3A_297 = arith.index_cast %get3A_296 : i32 to index
        %get3A_298 = arith.index_cast %add3A_295 : i32 to index
        %get3A_299 = arith.constant 0 : index
        %get3A_300 = tpu.vector_load %arg7[%get3A_297, %get3A_298, %get3A_299] {strides = array<i32>} : memref<2x192x64xf32, #tpu.memory_space<vmem>>, vector<16xf32>,
        %mul3A_301 = arith.mulf %get3A_300, %get3A_144 : vector<16xf32>
        %add3A_302 = arith.constant 3 : i32
        %add3A_303 = arith.addi %mul3A_158, %add3A_302 : i32
        %get3A_304 = arith.constant 1 : i32
        %get3A_305 = arith.index_cast %get3A_304 : i32 to index
        %get3A_306 = arith.index_cast %add3A_303 : i32 to index
        %get3A_307 = arith.constant 16 : index
        %get3A_308 = tpu.vector_load %arg7[%get3A_305, %get3A_306, %get3A_307] {strides = array<i32>} : memref<2x192x64xf32, #tpu.memory_space<vmem>>, vector<16xf32>,
        %mul3A_309 = arith.mulf %get3A_308, %get3A_148 : vector<16xf32>
        %add3A_310 = arith.constant 3 : i32
        %add3A_311 = arith.addi %mul3A_158, %add3A_310 : i32
        %get3A_312 = arith.constant 1 : i32
        %get3A_313 = arith.index_cast %get3A_312 : i32 to index
        %get3A_314 = arith.index_cast %add3A_311 : i32 to index
        %get3A_315 = arith.constant 32 : index
        %get3A_316 = tpu.vector_load %arg7[%get3A_313, %get3A_314, %get3A_315] {strides = array<i32>} : memref<2x192x64xf32, #tpu.memory_space<vmem>>, vector<16xf32>,
        %mul3A_317 = arith.mulf %get3A_316, %get3A_152 : vector<16xf32>
        %add3A_318 = arith.constant 3 : i32
        %add3A_319 = arith.addi %mul3A_158, %add3A_318 : i32
        %get3A_320 = arith.constant 1 : i32
        %get3A_321 = arith.index_cast %get3A_320 : i32 to index
        %get3A_322 = arith.index_cast %add3A_319 : i32 to index
        %get3A_323 = arith.constant 48 : index
        %get3A_324 = tpu.vector_load %arg7[%get3A_321, %get3A_322, %get3A_323] {strides = array<i32>} : memref<2x192x64xf32, #tpu.memory_space<vmem>>, vector<16xf32>,
        %mul3A_325 = arith.mulf %get3A_324, %get3A_156 : vector<16xf32>
        %add3A_326 = arith.addf %mul3A_301, %mul3A_309 : vector<16xf32>
        %add3A_327 = arith.addf %mul3A_317, %mul3A_325 : vector<16xf32>
        %add3A_328 = arith.addf %add3A_326, %add3A_327 : vector<16xf32>
        %reduce_sum3A_329 = arith.constant true
        %reduce_sum3A_330 = vector.broadcast %reduce_sum3A_329 : i1 to vector<16xi1>
        %reduce_sum3A_331 = tpu.scan <sum>, %add3A_328 masked %reduce_sum3A_330 : vector<16xf32>, vector<16xi1> -> vector<16xf32>
        %reduce_sum3A_332 = vector.extract %reduce_sum3A_331[15] : f32 from vector<16xf32>
        %neg3A_333 = arith.constant 0.000000e+00 : f32
        %neg3A_334 = arith.subf %neg3A_333, %reduce_sum3A_332 : f32
        %add3A_335 = arith.constant 3 : i32
        %add3A_336 = arith.addi %mul3A_163, %add3A_335 : i32
        %broadcast_in_dim3A_337 = vector.broadcast %add3A_336 : i32 to vector<16xi32>
        %broadcast_in_dim3A_338 = vector.broadcast %neg3A_334 : f32 to vector<16xf32>
        tpu.vector_store_idx %arg9[%broadcast_in_dim3A_337], %broadcast_in_dim3A_338 masked %eq3A_4 : memref<3072xf32, #tpu.memory_space<vmem>>[vector<16xi32>], vector<16xf32>, vector<16xi1>
        %add3A_339 = arith.constant 4 : i32
        %add3A_340 = arith.addi %mul3A_158, %add3A_339 : i32
        %get3A_341 = arith.constant 1 : i32
        %get3A_342 = arith.index_cast %get3A_341 : i32 to index
        %get3A_343 = arith.index_cast %add3A_340 : i32 to index
        %get3A_344 = arith.constant 0 : index
        %get3A_345 = tpu.vector_load %arg7[%get3A_342, %get3A_343, %get3A_344] {strides = array<i32>} : memref<2x192x64xf32, #tpu.memory_space<vmem>>, vector<16xf32>,
        %mul3A_346 = arith.mulf %get3A_345, %get3A_144 : vector<16xf32>
        %add3A_347 = arith.constant 4 : i32
        %add3A_348 = arith.addi %mul3A_158, %add3A_347 : i32
        %get3A_349 = arith.constant 1 : i32
        %get3A_350 = arith.index_cast %get3A_349 : i32 to index
        %get3A_351 = arith.index_cast %add3A_348 : i32 to index
        %get3A_352 = arith.constant 16 : index
        %get3A_353 = tpu.vector_load %arg7[%get3A_350, %get3A_351, %get3A_352] {strides = array<i32>} : memref<2x192x64xf32, #tpu.memory_space<vmem>>, vector<16xf32>,
        %mul3A_354 = arith.mulf %get3A_353, %get3A_148 : vector<16xf32>
        %add3A_355 = arith.constant 4 : i32
        %add3A_356 = arith.addi %mul3A_158, %add3A_355 : i32
        %get3A_357 = arith.constant 1 : i32
        %get3A_358 = arith.index_cast %get3A_357 : i32 to index
        %get3A_359 = arith.index_cast %add3A_356 : i32 to index
        %get3A_360 = arith.constant 32 : index
        %get3A_361 = tpu.vector_load %arg7[%get3A_358, %get3A_359, %get3A_360] {strides = array<i32>} : memref<2x192x64xf32, #tpu.memory_space<vmem>>, vector<16xf32>,
        %mul3A_362 = arith.mulf %get3A_361, %get3A_152 : vector<16xf32>
        %add3A_363 = arith.constant 4 : i32
        %add3A_364 = arith.addi %mul3A_158, %add3A_363 : i32
        %get3A_365 = arith.constant 1 : i32
        %get3A_366 = arith.index_cast %get3A_365 : i32 to index
        %get3A_367 = arith.index_cast %add3A_364 : i32 to index
        %get3A_368 = arith.constant 48 : index
        %get3A_369 = tpu.vector_load %arg7[%get3A_366, %get3A_367, %get3A_368] {strides = array<i32>} : memref<2x192x64xf32, #tpu.memory_space<vmem>>, vector<16xf32>,
        %mul3A_370 = arith.mulf %get3A_369, %get3A_156 : vector<16xf32>
        %add3A_371 = arith.addf %mul3A_346, %mul3A_354 : vector<16xf32>
        %add3A_372 = arith.addf %mul3A_362, %mul3A_370 : vector<16xf32>
        %add3A_373 = arith.addf %add3A_371, %add3A_372 : vector<16xf32>
        %reduce_sum3A_374 = arith.constant true
        %reduce_sum3A_375 = vector.broadcast %reduce_sum3A_374 : i1 to vector<16xi1>
        %reduce_sum3A_376 = tpu.scan <sum>, %add3A_373 masked %reduce_sum3A_375 : vector<16xf32>, vector<16xi1> -> vector<16xf32>
        %reduce_sum3A_377 = vector.extract %reduce_sum3A_376[15] : f32 from vector<16xf32>
        %neg3A_378 = arith.constant 0.000000e+00 : f32
        %neg3A_379 = arith.subf %neg3A_378, %reduce_sum3A_377 : f32
        %add3A_380 = arith.constant 4 : i32
        %add3A_381 = arith.addi %mul3A_163, %add3A_380 : i32
        %broadcast_in_dim3A_382 = vector.broadcast %add3A_381 : i32 to vector<16xi32>
        %broadcast_in_dim3A_383 = vector.broadcast %neg3A_379 : f32 to vector<16xf32>
        tpu.vector_store_idx %arg9[%broadcast_in_dim3A_382], %broadcast_in_dim3A_383 masked %eq3A_4 : memref<3072xf32, #tpu.memory_space<vmem>>[vector<16xi32>], vector<16xf32>, vector<16xi1>
        %add3A_384 = arith.constant 5 : i32
        %add3A_385 = arith.addi %mul3A_158, %add3A_384 : i32
        %get3A_386 = arith.constant 1 : i32
        %get3A_387 = arith.index_cast %get3A_386 : i32 to index
        %get3A_388 = arith.index_cast %add3A_385 : i32 to index
        %get3A_389 = arith.constant 0 : index
        %get3A_390 = tpu.vector_load %arg7[%get3A_387, %get3A_388, %get3A_389] {strides = array<i32>} : memref<2x192x64xf32, #tpu.memory_space<vmem>>, vector<16xf32>,
        %mul3A_391 = arith.mulf %get3A_390, %get3A_144 : vector<16xf32>
        %add3A_392 = arith.constant 5 : i32
        %add3A_393 = arith.addi %mul3A_158, %add3A_392 : i32
        %get3A_394 = arith.constant 1 : i32
        %get3A_395 = arith.index_cast %get3A_394 : i32 to index
        %get3A_396 = arith.index_cast %add3A_393 : i32 to index
        %get3A_397 = arith.constant 16 : index
        %get3A_398 = tpu.vector_load %arg7[%get3A_395, %get3A_396, %get3A_397] {strides = array<i32>} : memref<2x192x64xf32, #tpu.memory_space<vmem>>, vector<16xf32>,
        %mul3A_399 = arith.mulf %get3A_398, %get3A_148 : vector<16xf32>
        %add3A_400 = arith.constant 5 : i32
        %add3A_401 = arith.addi %mul3A_158, %add3A_400 : i32
        %get3A_402 = arith.constant 1 : i32
        %get3A_403 = arith.index_cast %get3A_402 : i32 to index
        %get3A_404 = arith.index_cast %add3A_401 : i32 to index
        %get3A_405 = arith.constant 32 : index
        %get3A_406 = tpu.vector_load %arg7[%get3A_403, %get3A_404, %get3A_405] {strides = array<i32>} : memref<2x192x64xf32, #tpu.memory_space<vmem>>, vector<16xf32>,
        %mul3A_407 = arith.mulf %get3A_406, %get3A_152 : vector<16xf32>
        %add3A_408 = arith.constant 5 : i32
        %add3A_409 = arith.addi %mul3A_158, %add3A_408 : i32
        %get3A_410 = arith.constant 1 : i32
        %get3A_411 = arith.index_cast %get3A_410 : i32 to index
        %get3A_412 = arith.index_cast %add3A_409 : i32 to index
        %get3A_413 = arith.constant 48 : index
        %get3A_414 = tpu.vector_load %arg7[%get3A_411, %get3A_412, %get3A_413] {strides = array<i32>} : memref<2x192x64xf32, #tpu.memory_space<vmem>>, vector<16xf32>,
        %mul3A_415 = arith.mulf %get3A_414, %get3A_156 : vector<16xf32>
        %add3A_416 = arith.addf %mul3A_391, %mul3A_399 : vector<16xf32>
        %add3A_417 = arith.addf %mul3A_407, %mul3A_415 : vector<16xf32>
        %add3A_418 = arith.addf %add3A_416, %add3A_417 : vector<16xf32>
        %reduce_sum3A_419 = arith.constant true
        %reduce_sum3A_420 = vector.broadcast %reduce_sum3A_419 : i1 to vector<16xi1>
        %reduce_sum3A_421 = tpu.scan <sum>, %add3A_418 masked %reduce_sum3A_420 : vector<16xf32>, vector<16xi1> -> vector<16xf32>
        %reduce_sum3A_422 = vector.extract %reduce_sum3A_421[15] : f32 from vector<16xf32>
        %neg3A_423 = arith.constant 0.000000e+00 : f32
        %neg3A_424 = arith.subf %neg3A_423, %reduce_sum3A_422 : f32
        %add3A_425 = arith.constant 5 : i32
        %add3A_426 = arith.addi %mul3A_163, %add3A_425 : i32
        %broadcast_in_dim3A_427 = vector.broadcast %add3A_426 : i32 to vector<16xi32>
        %broadcast_in_dim3A_428 = vector.broadcast %neg3A_424 : f32 to vector<16xf32>
        tpu.vector_store_idx %arg9[%broadcast_in_dim3A_427], %broadcast_in_dim3A_428 masked %eq3A_4 : memref<3072xf32, #tpu.memory_space<vmem>>[vector<16xi32>], vector<16xf32>, vector<16xi1>
      }
      %scan3A_135 = arith.constant 32 : i32
    }
    %scan3A_52 = arith.constant 8 : i32
    %mul3A_53 = arith.constant 6 : i32
    %mul3A_54 = arith.muli %mul3A_2, %mul3A_53 : i32
    "tpu.region"() ({
      %run_scoped3A = tpu.sem_alloc : memref<!tpu.dma_semaphore, #tpu.memory_space<semaphore_mem>>
      %dma_start3A_55 = tpu.memref_slice %arg5[%mul3A_54] : memref<98304xf32, #tpu.memory_space<hbm>> -> memref<3072xf32, #tpu.memory_space<hbm>>
      %dma_start3A_56 = tpu.memref_slice %arg5[%mul3A_54] : memref<98304xf32, #tpu.memory_space<hbm>> -> memref<3072xf32, #tpu.memory_space<hbm>>
      tpu.enqueue_dma source(%arg9 : memref<3072xf32, #tpu.memory_space<vmem>>) target(%dma_start3A_56 : memref<3072xf32, #tpu.memory_space<hbm>>) target_semaphore(%run_scoped3A : memref<!tpu.dma_semaphore, #tpu.memory_space<semaphore_mem>>)
      %dma_wait3A = tpu.memref_slice %arg5[%mul3A_54] : memref<98304xf32, #tpu.memory_space<hbm>> -> memref<3072xf32, #tpu.memory_space<hbm>>
      %dma_wait3A_57 = tpu.memref_slice %arg5[%mul3A_54] : memref<98304xf32, #tpu.memory_space<hbm>> -> memref<3072xf32, #tpu.memory_space<hbm>>
      tpu.wait_dma2 semaphore(%run_scoped3A : memref<!tpu.dma_semaphore, #tpu.memory_space<semaphore_mem>>) src(%arg9 : memref<3072xf32, #tpu.memory_space<vmem>>) dst(%dma_wait3A_57 : memref<3072xf32, #tpu.memory_space<hbm>>)
      tpu.yield
    }) : () -> ()
    return
  }
}

#map = affine_map<(d0, d1) -> (0)>
#map1 = affine_map<(d0, d1) -> (0, 0)>
module attributes {stable_mosaic.version = 14 : i64} {
  func.func @_sc_pool(%arg0: i32, %arg1: i32, %arg2: memref<163840xi32, #tpu.memory_space<hbm>>, %arg3: memref<1000001x64xf32, #tpu.memory_space<hbm>>, %arg4: memref<1048576xf32, #tpu.memory_space<hbm>>, %arg5: memref<5120xi32, #tpu.memory_space<vmem>>, %arg6: memref<2x320x64xf32, #tpu.memory_space<vmem>>, %arg7: memref<32768xf32, #tpu.memory_space<vmem>>, %arg8: memref<!tpu.dma_semaphore, #tpu.memory_space<semaphore_mem>>, %arg9: memref<!tpu.dma_semaphore, #tpu.memory_space<semaphore_mem>>) attributes {dimension_semantics = [#tpu.dimension_semantics<core_parallel>, #tpu.dimension_semantics<subcore_parallel>], iteration_bounds = array<i64: 2, 16>, scalar_prefetch = 0 : i64, scratch_operands = 5 : i64, tpu.core_type = #tpu.core_type<sc_vector_subcore>, window_params = [{transform_indices = #map}, {transform_indices = #map1}, {transform_indices = #map}]} {
    %mul3A = arith.constant 2 : i32
    %mul3A_0 = arith.muli %arg1, %mul3A : i32
    %add3A = arith.addi %mul3A_0, %arg0 : i32
    %mul3A_1 = arith.constant 512 : i32
    %mul3A_2 = arith.muli %add3A, %mul3A_1 : i32
    %mul3A_3 = arith.constant 10 : i32
    %mul3A_4 = arith.muli %mul3A_2, %mul3A_3 : i32
    "tpu.region"() ({
      %run_scoped3A = tpu.sem_alloc : memref<!tpu.dma_semaphore, #tpu.memory_space<semaphore_mem>>
      %dma_start3A_71 = tpu.memref_slice %arg2[%mul3A_4] : memref<163840xi32, #tpu.memory_space<hbm>> -> memref<5120xi32, #tpu.memory_space<hbm>>
      %dma_start3A_72 = tpu.memref_slice %arg2[%mul3A_4] : memref<163840xi32, #tpu.memory_space<hbm>> -> memref<5120xi32, #tpu.memory_space<hbm>>
      tpu.enqueue_dma source(%dma_start3A_72 : memref<5120xi32, #tpu.memory_space<hbm>>) target(%arg5 : memref<5120xi32, #tpu.memory_space<vmem>>) target_semaphore(%run_scoped3A : memref<!tpu.dma_semaphore, #tpu.memory_space<semaphore_mem>>)
      %dma_wait3A = tpu.memref_slice %arg2[%mul3A_4] : memref<163840xi32, #tpu.memory_space<hbm>> -> memref<5120xi32, #tpu.memory_space<hbm>>
      %dma_wait3A_73 = tpu.memref_slice %arg2[%mul3A_4] : memref<163840xi32, #tpu.memory_space<hbm>> -> memref<5120xi32, #tpu.memory_space<hbm>>
      tpu.wait_dma2 semaphore(%run_scoped3A : memref<!tpu.dma_semaphore, #tpu.memory_space<semaphore_mem>>) src(%dma_wait3A_73 : memref<5120xi32, #tpu.memory_space<hbm>>) dst(%arg5 : memref<5120xi32, #tpu.memory_space<vmem>>)
      tpu.yield
    }) : () -> ()
    %dma_start3A = arith.constant 0 : i32
    %dma_start3A_5 = arith.constant 0 : i32
    %dma_start3A_6 = arith.constant 0 : i32
    %dma_start3A_7 = tpu.memref_slice %arg6[%dma_start3A, %dma_start3A_5, %dma_start3A_6] : memref<2x320x64xf32, #tpu.memory_space<vmem>> -> memref<1x128x64xf32, #tpu.memory_space<vmem>>
    %dma_start3A_8 = tpu.memref_squeeze %dma_start3A_7 : memref<1x128x64xf32, #tpu.memory_space<vmem>> -> memref<128x64xf32, #tpu.memory_space<vmem>>
    %dma_start3A_9 = arith.constant 0 : i32
    %dma_start3A_10 = tpu.memref_slice %arg5[%dma_start3A_9] : memref<5120xi32, #tpu.memory_space<vmem>> -> memref<128xi32, #tpu.memory_space<vmem>>
    %dma_start3A_11 = arith.constant 0 : i32
    %dma_start3A_12 = arith.constant 0 : i32
    %dma_start3A_13 = tpu.memref_slice %arg3[%dma_start3A_11, %dma_start3A_12] : memref<1000001x64xf32, #tpu.memory_space<hbm>> -> memref<1000001x64xf32, #tpu.memory_space<hbm>>
    tpu.enqueue_indirect_dma source(%dma_start3A_13 : memref<1000001x64xf32, #tpu.memory_space<hbm>>) target(%dma_start3A_8 : memref<128x64xf32, #tpu.memory_space<vmem>>) offsets(%dma_start3A_10 : memref<128xi32, #tpu.memory_space<vmem>>) semaphore(%arg8 : memref<!tpu.dma_semaphore, #tpu.memory_space<semaphore_mem>>)
    %dma_start3A_14 = arith.constant 0 : i32
    %dma_start3A_15 = arith.constant 128 : i32
    %dma_start3A_16 = arith.constant 0 : i32
    %dma_start3A_17 = tpu.memref_slice %arg6[%dma_start3A_14, %dma_start3A_15, %dma_start3A_16] : memref<2x320x64xf32, #tpu.memory_space<vmem>> -> memref<1x128x64xf32, #tpu.memory_space<vmem>>
    %dma_start3A_18 = tpu.memref_squeeze %dma_start3A_17 : memref<1x128x64xf32, #tpu.memory_space<vmem>> -> memref<128x64xf32, #tpu.memory_space<vmem>>
    %dma_start3A_19 = arith.constant 128 : i32
    %dma_start3A_20 = tpu.memref_slice %arg5[%dma_start3A_19] : memref<5120xi32, #tpu.memory_space<vmem>> -> memref<128xi32, #tpu.memory_space<vmem>>
    %dma_start3A_21 = arith.constant 0 : i32
    %dma_start3A_22 = arith.constant 0 : i32
    %dma_start3A_23 = tpu.memref_slice %arg3[%dma_start3A_21, %dma_start3A_22] : memref<1000001x64xf32, #tpu.memory_space<hbm>> -> memref<1000001x64xf32, #tpu.memory_space<hbm>>
    tpu.enqueue_indirect_dma source(%dma_start3A_23 : memref<1000001x64xf32, #tpu.memory_space<hbm>>) target(%dma_start3A_18 : memref<128x64xf32, #tpu.memory_space<vmem>>) offsets(%dma_start3A_20 : memref<128xi32, #tpu.memory_space<vmem>>) semaphore(%arg8 : memref<!tpu.dma_semaphore, #tpu.memory_space<semaphore_mem>>)
    %dma_start3A_24 = arith.constant 0 : i32
    %dma_start3A_25 = arith.constant 256 : i32
    %dma_start3A_26 = arith.constant 0 : i32
    %dma_start3A_27 = tpu.memref_slice %arg6[%dma_start3A_24, %dma_start3A_25, %dma_start3A_26] : memref<2x320x64xf32, #tpu.memory_space<vmem>> -> memref<1x64x64xf32, #tpu.memory_space<vmem>>
    %dma_start3A_28 = tpu.memref_squeeze %dma_start3A_27 : memref<1x64x64xf32, #tpu.memory_space<vmem>> -> memref<64x64xf32, #tpu.memory_space<vmem>>
    %dma_start3A_29 = arith.constant 256 : i32
    %dma_start3A_30 = tpu.memref_slice %arg5[%dma_start3A_29] : memref<5120xi32, #tpu.memory_space<vmem>> -> memref<64xi32, #tpu.memory_space<vmem>>
    %dma_start3A_31 = arith.constant 0 : i32
    %dma_start3A_32 = arith.constant 0 : i32
    %dma_start3A_33 = tpu.memref_slice %arg3[%dma_start3A_31, %dma_start3A_32] : memref<1000001x64xf32, #tpu.memory_space<hbm>> -> memref<1000001x64xf32, #tpu.memory_space<hbm>>
    tpu.enqueue_indirect_dma source(%dma_start3A_33 : memref<1000001x64xf32, #tpu.memory_space<hbm>>) target(%dma_start3A_28 : memref<64x64xf32, #tpu.memory_space<vmem>>) offsets(%dma_start3A_30 : memref<64xi32, #tpu.memory_space<vmem>>) semaphore(%arg8 : memref<!tpu.dma_semaphore, #tpu.memory_space<semaphore_mem>>)
    %dma_start3A_34 = arith.constant 1 : i32
    %dma_start3A_35 = arith.constant 0 : i32
    %dma_start3A_36 = arith.constant 0 : i32
    %dma_start3A_37 = tpu.memref_slice %arg6[%dma_start3A_34, %dma_start3A_35, %dma_start3A_36] : memref<2x320x64xf32, #tpu.memory_space<vmem>> -> memref<1x128x64xf32, #tpu.memory_space<vmem>>
    %dma_start3A_38 = tpu.memref_squeeze %dma_start3A_37 : memref<1x128x64xf32, #tpu.memory_space<vmem>> -> memref<128x64xf32, #tpu.memory_space<vmem>>
    %dma_start3A_39 = arith.constant 320 : i32
    %dma_start3A_40 = tpu.memref_slice %arg5[%dma_start3A_39] : memref<5120xi32, #tpu.memory_space<vmem>> -> memref<128xi32, #tpu.memory_space<vmem>>
    %dma_start3A_41 = arith.constant 0 : i32
    %dma_start3A_42 = arith.constant 0 : i32
    %dma_start3A_43 = tpu.memref_slice %arg3[%dma_start3A_41, %dma_start3A_42] : memref<1000001x64xf32, #tpu.memory_space<hbm>> -> memref<1000001x64xf32, #tpu.memory_space<hbm>>
    tpu.enqueue_indirect_dma source(%dma_start3A_43 : memref<1000001x64xf32, #tpu.memory_space<hbm>>) target(%dma_start3A_38 : memref<128x64xf32, #tpu.memory_space<vmem>>) offsets(%dma_start3A_40 : memref<128xi32, #tpu.memory_space<vmem>>) semaphore(%arg9 : memref<!tpu.dma_semaphore, #tpu.memory_space<semaphore_mem>>)
    %dma_start3A_44 = arith.constant 1 : i32
    %dma_start3A_45 = arith.constant 128 : i32
    %dma_start3A_46 = arith.constant 0 : i32
    %dma_start3A_47 = tpu.memref_slice %arg6[%dma_start3A_44, %dma_start3A_45, %dma_start3A_46] : memref<2x320x64xf32, #tpu.memory_space<vmem>> -> memref<1x128x64xf32, #tpu.memory_space<vmem>>
    %dma_start3A_48 = tpu.memref_squeeze %dma_start3A_47 : memref<1x128x64xf32, #tpu.memory_space<vmem>> -> memref<128x64xf32, #tpu.memory_space<vmem>>
    %dma_start3A_49 = arith.constant 448 : i32
    %dma_start3A_50 = tpu.memref_slice %arg5[%dma_start3A_49] : memref<5120xi32, #tpu.memory_space<vmem>> -> memref<128xi32, #tpu.memory_space<vmem>>
    %dma_start3A_51 = arith.constant 0 : i32
    %dma_start3A_52 = arith.constant 0 : i32
    %dma_start3A_53 = tpu.memref_slice %arg3[%dma_start3A_51, %dma_start3A_52] : memref<1000001x64xf32, #tpu.memory_space<hbm>> -> memref<1000001x64xf32, #tpu.memory_space<hbm>>
    tpu.enqueue_indirect_dma source(%dma_start3A_53 : memref<1000001x64xf32, #tpu.memory_space<hbm>>) target(%dma_start3A_48 : memref<128x64xf32, #tpu.memory_space<vmem>>) offsets(%dma_start3A_50 : memref<128xi32, #tpu.memory_space<vmem>>) semaphore(%arg9 : memref<!tpu.dma_semaphore, #tpu.memory_space<semaphore_mem>>)
    %dma_start3A_54 = arith.constant 1 : i32
    %dma_start3A_55 = arith.constant 256 : i32
    %dma_start3A_56 = arith.constant 0 : i32
    %dma_start3A_57 = tpu.memref_slice %arg6[%dma_start3A_54, %dma_start3A_55, %dma_start3A_56] : memref<2x320x64xf32, #tpu.memory_space<vmem>> -> memref<1x64x64xf32, #tpu.memory_space<vmem>>
    %dma_start3A_58 = tpu.memref_squeeze %dma_start3A_57 : memref<1x64x64xf32, #tpu.memory_space<vmem>> -> memref<64x64xf32, #tpu.memory_space<vmem>>
    %dma_start3A_59 = arith.constant 576 : i32
    %dma_start3A_60 = tpu.memref_slice %arg5[%dma_start3A_59] : memref<5120xi32, #tpu.memory_space<vmem>> -> memref<64xi32, #tpu.memory_space<vmem>>
    %dma_start3A_61 = arith.constant 0 : i32
    %dma_start3A_62 = arith.constant 0 : i32
    %dma_start3A_63 = tpu.memref_slice %arg3[%dma_start3A_61, %dma_start3A_62] : memref<1000001x64xf32, #tpu.memory_space<hbm>> -> memref<1000001x64xf32, #tpu.memory_space<hbm>>
    tpu.enqueue_indirect_dma source(%dma_start3A_63 : memref<1000001x64xf32, #tpu.memory_space<hbm>>) target(%dma_start3A_58 : memref<64x64xf32, #tpu.memory_space<vmem>>) offsets(%dma_start3A_60 : memref<64xi32, #tpu.memory_space<vmem>>) semaphore(%arg9 : memref<!tpu.dma_semaphore, #tpu.memory_space<semaphore_mem>>)
    %scan3A = arith.constant 0 : i32
    %scan3A_64 = arith.constant 0 : i32
    %scan3A_65 = arith.constant 8 : i32
    %scan3A_66 = arith.addi %scan3A_64, %scan3A_65 : i32
    %scan3A_67 = arith.constant 1 : i32
    scf.for %scan3A_71 = %scan3A_64 to %scan3A_66 step %scan3A_67  : i32 {
      %mul3A_72 = arith.constant 2 : i32
      %mul3A_73 = arith.muli %scan3A_71, %mul3A_72 : i32
      %mul3A_74 = arith.constant 320 : i32
      %mul3A_75 = arith.muli %mul3A_73, %mul3A_74 : i32
      %add3A_76 = arith.constant 0 : i32
      %add3A_77 = arith.addi %mul3A_75, %add3A_76 : i32
      %dma_wait3A = arith.constant 0 : i32
      %dma_wait3A_78 = arith.constant 0 : i32
      %dma_wait3A_79 = arith.constant 0 : i32
      %dma_wait3A_80 = tpu.memref_slice %arg6[%dma_wait3A, %dma_wait3A_78, %dma_wait3A_79] : memref<2x320x64xf32, #tpu.memory_space<vmem>> -> memref<1x128x64xf32, #tpu.memory_space<vmem>>
      %dma_wait3A_81 = tpu.memref_squeeze %dma_wait3A_80 : memref<1x128x64xf32, #tpu.memory_space<vmem>> -> memref<128x64xf32, #tpu.memory_space<vmem>>
      %dma_wait3A_82 = tpu.memref_slice %arg5[%add3A_77] : memref<5120xi32, #tpu.memory_space<vmem>> -> memref<128xi32, #tpu.memory_space<vmem>>
      %dma_wait3A_83 = arith.constant 0 : i32
      %dma_wait3A_84 = arith.constant 0 : i32
      %dma_wait3A_85 = tpu.memref_slice %arg3[%dma_wait3A_83, %dma_wait3A_84] : memref<1000001x64xf32, #tpu.memory_space<hbm>> -> memref<1000001x64xf32, #tpu.memory_space<hbm>>
      tpu.wait_indirect_dma semaphore(%arg8 : memref<!tpu.dma_semaphore, #tpu.memory_space<semaphore_mem>>) src(%dma_wait3A_85 : memref<1000001x64xf32, #tpu.memory_space<hbm>>) dst(%dma_wait3A_81 : memref<128x64xf32, #tpu.memory_space<vmem>>)
      %mul3A_86 = arith.constant 320 : i32
      %mul3A_87 = arith.muli %mul3A_73, %mul3A_86 : i32
      %add3A_88 = arith.constant 128 : i32
      %add3A_89 = arith.addi %mul3A_87, %add3A_88 : i32
      %dma_wait3A_90 = arith.constant 0 : i32
      %dma_wait3A_91 = arith.constant 128 : i32
      %dma_wait3A_92 = arith.constant 0 : i32
      %dma_wait3A_93 = tpu.memref_slice %arg6[%dma_wait3A_90, %dma_wait3A_91, %dma_wait3A_92] : memref<2x320x64xf32, #tpu.memory_space<vmem>> -> memref<1x128x64xf32, #tpu.memory_space<vmem>>
      %dma_wait3A_94 = tpu.memref_squeeze %dma_wait3A_93 : memref<1x128x64xf32, #tpu.memory_space<vmem>> -> memref<128x64xf32, #tpu.memory_space<vmem>>
      %dma_wait3A_95 = tpu.memref_slice %arg5[%add3A_89] : memref<5120xi32, #tpu.memory_space<vmem>> -> memref<128xi32, #tpu.memory_space<vmem>>
      %dma_wait3A_96 = arith.constant 0 : i32
      %dma_wait3A_97 = arith.constant 0 : i32
      %dma_wait3A_98 = tpu.memref_slice %arg3[%dma_wait3A_96, %dma_wait3A_97] : memref<1000001x64xf32, #tpu.memory_space<hbm>> -> memref<1000001x64xf32, #tpu.memory_space<hbm>>
      tpu.wait_indirect_dma semaphore(%arg8 : memref<!tpu.dma_semaphore, #tpu.memory_space<semaphore_mem>>) src(%dma_wait3A_98 : memref<1000001x64xf32, #tpu.memory_space<hbm>>) dst(%dma_wait3A_94 : memref<128x64xf32, #tpu.memory_space<vmem>>)
      %mul3A_99 = arith.constant 320 : i32
      %mul3A_100 = arith.muli %mul3A_73, %mul3A_99 : i32
      %add3A_101 = arith.constant 256 : i32
      %add3A_102 = arith.addi %mul3A_100, %add3A_101 : i32
      %dma_wait3A_103 = arith.constant 0 : i32
      %dma_wait3A_104 = arith.constant 256 : i32
      %dma_wait3A_105 = arith.constant 0 : i32
      %dma_wait3A_106 = tpu.memref_slice %arg6[%dma_wait3A_103, %dma_wait3A_104, %dma_wait3A_105] : memref<2x320x64xf32, #tpu.memory_space<vmem>> -> memref<1x64x64xf32, #tpu.memory_space<vmem>>
      %dma_wait3A_107 = tpu.memref_squeeze %dma_wait3A_106 : memref<1x64x64xf32, #tpu.memory_space<vmem>> -> memref<64x64xf32, #tpu.memory_space<vmem>>
      %dma_wait3A_108 = tpu.memref_slice %arg5[%add3A_102] : memref<5120xi32, #tpu.memory_space<vmem>> -> memref<64xi32, #tpu.memory_space<vmem>>
      %dma_wait3A_109 = arith.constant 0 : i32
      %dma_wait3A_110 = arith.constant 0 : i32
      %dma_wait3A_111 = tpu.memref_slice %arg3[%dma_wait3A_109, %dma_wait3A_110] : memref<1000001x64xf32, #tpu.memory_space<hbm>> -> memref<1000001x64xf32, #tpu.memory_space<hbm>>
      tpu.wait_indirect_dma semaphore(%arg8 : memref<!tpu.dma_semaphore, #tpu.memory_space<semaphore_mem>>) src(%dma_wait3A_111 : memref<1000001x64xf32, #tpu.memory_space<hbm>>) dst(%dma_wait3A_107 : memref<64x64xf32, #tpu.memory_space<vmem>>)
      %add3A_112 = arith.constant 2 : i32
      %add3A_113 = arith.addi %mul3A_73, %add3A_112 : i32
      %lt3A = arith.constant 16 : i32
      %lt3A_114 = arith.cmpi slt, %add3A_113, %lt3A : i32
      %convert_element_type3A = arith.extui %lt3A_114 : i1 to i32
      %cond3A = arith.constant 0 : i32
      %cond3A_115 = arith.cmpi ne, %convert_element_type3A, %cond3A : i32
      scf.if %cond3A_115 {
        %add3A_178 = arith.constant 2 : i32
        %add3A_179 = arith.addi %mul3A_73, %add3A_178 : i32
        %mul3A_180 = arith.constant 320 : i32
        %mul3A_181 = arith.muli %add3A_179, %mul3A_180 : i32
        %add3A_182 = arith.constant 0 : i32
        %add3A_183 = arith.addi %mul3A_181, %add3A_182 : i32
        %dma_start3A_184 = arith.constant 0 : i32
        %dma_start3A_185 = arith.constant 0 : i32
        %dma_start3A_186 = arith.constant 0 : i32
        %dma_start3A_187 = tpu.memref_slice %arg6[%dma_start3A_184, %dma_start3A_185, %dma_start3A_186] : memref<2x320x64xf32, #tpu.memory_space<vmem>> -> memref<1x128x64xf32, #tpu.memory_space<vmem>>
        %dma_start3A_188 = tpu.memref_squeeze %dma_start3A_187 : memref<1x128x64xf32, #tpu.memory_space<vmem>> -> memref<128x64xf32, #tpu.memory_space<vmem>>
        %dma_start3A_189 = tpu.memref_slice %arg5[%add3A_183] : memref<5120xi32, #tpu.memory_space<vmem>> -> memref<128xi32, #tpu.memory_space<vmem>>
        %dma_start3A_190 = arith.constant 0 : i32
        %dma_start3A_191 = arith.constant 0 : i32
        %dma_start3A_192 = tpu.memref_slice %arg3[%dma_start3A_190, %dma_start3A_191] : memref<1000001x64xf32, #tpu.memory_space<hbm>> -> memref<1000001x64xf32, #tpu.memory_space<hbm>>
        tpu.enqueue_indirect_dma source(%dma_start3A_192 : memref<1000001x64xf32, #tpu.memory_space<hbm>>) target(%dma_start3A_188 : memref<128x64xf32, #tpu.memory_space<vmem>>) offsets(%dma_start3A_189 : memref<128xi32, #tpu.memory_space<vmem>>) semaphore(%arg8 : memref<!tpu.dma_semaphore, #tpu.memory_space<semaphore_mem>>)
        %mul3A_193 = arith.constant 320 : i32
        %mul3A_194 = arith.muli %add3A_179, %mul3A_193 : i32
        %add3A_195 = arith.constant 128 : i32
        %add3A_196 = arith.addi %mul3A_194, %add3A_195 : i32
        %dma_start3A_197 = arith.constant 0 : i32
        %dma_start3A_198 = arith.constant 128 : i32
        %dma_start3A_199 = arith.constant 0 : i32
        %dma_start3A_200 = tpu.memref_slice %arg6[%dma_start3A_197, %dma_start3A_198, %dma_start3A_199] : memref<2x320x64xf32, #tpu.memory_space<vmem>> -> memref<1x128x64xf32, #tpu.memory_space<vmem>>
        %dma_start3A_201 = tpu.memref_squeeze %dma_start3A_200 : memref<1x128x64xf32, #tpu.memory_space<vmem>> -> memref<128x64xf32, #tpu.memory_space<vmem>>
        %dma_start3A_202 = tpu.memref_slice %arg5[%add3A_196] : memref<5120xi32, #tpu.memory_space<vmem>> -> memref<128xi32, #tpu.memory_space<vmem>>
        %dma_start3A_203 = arith.constant 0 : i32
        %dma_start3A_204 = arith.constant 0 : i32
        %dma_start3A_205 = tpu.memref_slice %arg3[%dma_start3A_203, %dma_start3A_204] : memref<1000001x64xf32, #tpu.memory_space<hbm>> -> memref<1000001x64xf32, #tpu.memory_space<hbm>>
        tpu.enqueue_indirect_dma source(%dma_start3A_205 : memref<1000001x64xf32, #tpu.memory_space<hbm>>) target(%dma_start3A_201 : memref<128x64xf32, #tpu.memory_space<vmem>>) offsets(%dma_start3A_202 : memref<128xi32, #tpu.memory_space<vmem>>) semaphore(%arg8 : memref<!tpu.dma_semaphore, #tpu.memory_space<semaphore_mem>>)
        %mul3A_206 = arith.constant 320 : i32
        %mul3A_207 = arith.muli %add3A_179, %mul3A_206 : i32
        %add3A_208 = arith.constant 256 : i32
        %add3A_209 = arith.addi %mul3A_207, %add3A_208 : i32
        %dma_start3A_210 = arith.constant 0 : i32
        %dma_start3A_211 = arith.constant 256 : i32
        %dma_start3A_212 = arith.constant 0 : i32
        %dma_start3A_213 = tpu.memref_slice %arg6[%dma_start3A_210, %dma_start3A_211, %dma_start3A_212] : memref<2x320x64xf32, #tpu.memory_space<vmem>> -> memref<1x64x64xf32, #tpu.memory_space<vmem>>
        %dma_start3A_214 = tpu.memref_squeeze %dma_start3A_213 : memref<1x64x64xf32, #tpu.memory_space<vmem>> -> memref<64x64xf32, #tpu.memory_space<vmem>>
        %dma_start3A_215 = tpu.memref_slice %arg5[%add3A_209] : memref<5120xi32, #tpu.memory_space<vmem>> -> memref<64xi32, #tpu.memory_space<vmem>>
        %dma_start3A_216 = arith.constant 0 : i32
        %dma_start3A_217 = arith.constant 0 : i32
        %dma_start3A_218 = tpu.memref_slice %arg3[%dma_start3A_216, %dma_start3A_217] : memref<1000001x64xf32, #tpu.memory_space<hbm>> -> memref<1000001x64xf32, #tpu.memory_space<hbm>>
        tpu.enqueue_indirect_dma source(%dma_start3A_218 : memref<1000001x64xf32, #tpu.memory_space<hbm>>) target(%dma_start3A_214 : memref<64x64xf32, #tpu.memory_space<vmem>>) offsets(%dma_start3A_215 : memref<64xi32, #tpu.memory_space<vmem>>) semaphore(%arg8 : memref<!tpu.dma_semaphore, #tpu.memory_space<semaphore_mem>>)
      } else {
      }
      %scan3A_116 = arith.constant 0 : i32
      %scan3A_117 = arith.constant 0 : i32
      %scan3A_118 = arith.constant 32 : i32
      %scan3A_119 = arith.addi %scan3A_117, %scan3A_118 : i32
      %scan3A_120 = arith.constant 1 : i32
      scf.for %scan3A_178 = %scan3A_117 to %scan3A_119 step %scan3A_120  : i32 {
        %mul3A_179 = arith.constant 10 : i32
        %mul3A_180 = arith.muli %scan3A_178, %mul3A_179 : i32
        %get3A = arith.constant 0 : i32
        %get3A_181 = arith.index_cast %get3A : i32 to index
        %get3A_182 = arith.index_cast %mul3A_180 : i32 to index
        %get3A_183 = arith.constant 0 : index
        %get3A_184 = tpu.vector_load %arg6[%get3A_181, %get3A_182, %get3A_183] {strides = array<i32>} : memref<2x320x64xf32, #tpu.memory_space<vmem>>, vector<16xf32>,
        %get3A_185 = arith.constant 0 : i32
        %get3A_186 = arith.index_cast %get3A_185 : i32 to index
        %get3A_187 = arith.index_cast %mul3A_180 : i32 to index
        %get3A_188 = arith.constant 16 : index
        %get3A_189 = tpu.vector_load %arg6[%get3A_186, %get3A_187, %get3A_188] {strides = array<i32>} : memref<2x320x64xf32, #tpu.memory_space<vmem>>, vector<16xf32>,
        %get3A_190 = arith.constant 0 : i32
        %get3A_191 = arith.index_cast %get3A_190 : i32 to index
        %get3A_192 = arith.index_cast %mul3A_180 : i32 to index
        %get3A_193 = arith.constant 32 : index
        %get3A_194 = tpu.vector_load %arg6[%get3A_191, %get3A_192, %get3A_193] {strides = array<i32>} : memref<2x320x64xf32, #tpu.memory_space<vmem>>, vector<16xf32>,
        %get3A_195 = arith.constant 0 : i32
        %get3A_196 = arith.index_cast %get3A_195 : i32 to index
        %get3A_197 = arith.index_cast %mul3A_180 : i32 to index
        %get3A_198 = arith.constant 48 : index
        %get3A_199 = tpu.vector_load %arg6[%get3A_196, %get3A_197, %get3A_198] {strides = array<i32>} : memref<2x320x64xf32, #tpu.memory_space<vmem>>, vector<16xf32>,
        %add3A_200 = arith.constant 1 : i32
        %add3A_201 = arith.addi %mul3A_180, %add3A_200 : i32
        %get3A_202 = arith.constant 0 : i32
        %get3A_203 = arith.index_cast %get3A_202 : i32 to index
        %get3A_204 = arith.index_cast %add3A_201 : i32 to index
        %get3A_205 = arith.constant 0 : index
        %get3A_206 = tpu.vector_load %arg6[%get3A_203, %get3A_204, %get3A_205] {strides = array<i32>} : memref<2x320x64xf32, #tpu.memory_space<vmem>>, vector<16xf32>,
        %add3A_207 = arith.addf %get3A_184, %get3A_206 : vector<16xf32>
        %add3A_208 = arith.constant 1 : i32
        %add3A_209 = arith.addi %mul3A_180, %add3A_208 : i32
        %get3A_210 = arith.constant 0 : i32
        %get3A_211 = arith.index_cast %get3A_210 : i32 to index
        %get3A_212 = arith.index_cast %add3A_209 : i32 to index
        %get3A_213 = arith.constant 16 : index
        %get3A_214 = tpu.vector_load %arg6[%get3A_211, %get3A_212, %get3A_213] {strides = array<i32>} : memref<2x320x64xf32, #tpu.memory_space<vmem>>, vector<16xf32>,
        %add3A_215 = arith.addf %get3A_189, %get3A_214 : vector<16xf32>
        %add3A_216 = arith.constant 1 : i32
        %add3A_217 = arith.addi %mul3A_180, %add3A_216 : i32
        %get3A_218 = arith.constant 0 : i32
        %get3A_219 = arith.index_cast %get3A_218 : i32 to index
        %get3A_220 = arith.index_cast %add3A_217 : i32 to index
        %get3A_221 = arith.constant 32 : index
        %get3A_222 = tpu.vector_load %arg6[%get3A_219, %get3A_220, %get3A_221] {strides = array<i32>} : memref<2x320x64xf32, #tpu.memory_space<vmem>>, vector<16xf32>,
        %add3A_223 = arith.addf %get3A_194, %get3A_222 : vector<16xf32>
        %add3A_224 = arith.constant 1 : i32
        %add3A_225 = arith.addi %mul3A_180, %add3A_224 : i32
        %get3A_226 = arith.constant 0 : i32
        %get3A_227 = arith.index_cast %get3A_226 : i32 to index
        %get3A_228 = arith.index_cast %add3A_225 : i32 to index
        %get3A_229 = arith.constant 48 : index
        %get3A_230 = tpu.vector_load %arg6[%get3A_227, %get3A_228, %get3A_229] {strides = array<i32>} : memref<2x320x64xf32, #tpu.memory_space<vmem>>, vector<16xf32>,
        %add3A_231 = arith.addf %get3A_199, %get3A_230 : vector<16xf32>
        %add3A_232 = arith.constant 2 : i32
        %add3A_233 = arith.addi %mul3A_180, %add3A_232 : i32
        %get3A_234 = arith.constant 0 : i32
        %get3A_235 = arith.index_cast %get3A_234 : i32 to index
        %get3A_236 = arith.index_cast %add3A_233 : i32 to index
        %get3A_237 = arith.constant 0 : index
        %get3A_238 = tpu.vector_load %arg6[%get3A_235, %get3A_236, %get3A_237] {strides = array<i32>} : memref<2x320x64xf32, #tpu.memory_space<vmem>>, vector<16xf32>,
        %add3A_239 = arith.addf %add3A_207, %get3A_238 : vector<16xf32>
        %add3A_240 = arith.constant 2 : i32
        %add3A_241 = arith.addi %mul3A_180, %add3A_240 : i32
        %get3A_242 = arith.constant 0 : i32
        %get3A_243 = arith.index_cast %get3A_242 : i32 to index
        %get3A_244 = arith.index_cast %add3A_241 : i32 to index
        %get3A_245 = arith.constant 16 : index
        %get3A_246 = tpu.vector_load %arg6[%get3A_243, %get3A_244, %get3A_245] {strides = array<i32>} : memref<2x320x64xf32, #tpu.memory_space<vmem>>, vector<16xf32>,
        %add3A_247 = arith.addf %add3A_215, %get3A_246 : vector<16xf32>
        %add3A_248 = arith.constant 2 : i32
        %add3A_249 = arith.addi %mul3A_180, %add3A_248 : i32
        %get3A_250 = arith.constant 0 : i32
        %get3A_251 = arith.index_cast %get3A_250 : i32 to index
        %get3A_252 = arith.index_cast %add3A_249 : i32 to index
        %get3A_253 = arith.constant 32 : index
        %get3A_254 = tpu.vector_load %arg6[%get3A_251, %get3A_252, %get3A_253] {strides = array<i32>} : memref<2x320x64xf32, #tpu.memory_space<vmem>>, vector<16xf32>,
        %add3A_255 = arith.addf %add3A_223, %get3A_254 : vector<16xf32>
        %add3A_256 = arith.constant 2 : i32
        %add3A_257 = arith.addi %mul3A_180, %add3A_256 : i32
        %get3A_258 = arith.constant 0 : i32
        %get3A_259 = arith.index_cast %get3A_258 : i32 to index
        %get3A_260 = arith.index_cast %add3A_257 : i32 to index
        %get3A_261 = arith.constant 48 : index
        %get3A_262 = tpu.vector_load %arg6[%get3A_259, %get3A_260, %get3A_261] {strides = array<i32>} : memref<2x320x64xf32, #tpu.memory_space<vmem>>, vector<16xf32>,
        %add3A_263 = arith.addf %add3A_231, %get3A_262 : vector<16xf32>
        %add3A_264 = arith.constant 3 : i32
        %add3A_265 = arith.addi %mul3A_180, %add3A_264 : i32
        %get3A_266 = arith.constant 0 : i32
        %get3A_267 = arith.index_cast %get3A_266 : i32 to index
        %get3A_268 = arith.index_cast %add3A_265 : i32 to index
        %get3A_269 = arith.constant 0 : index
        %get3A_270 = tpu.vector_load %arg6[%get3A_267, %get3A_268, %get3A_269] {strides = array<i32>} : memref<2x320x64xf32, #tpu.memory_space<vmem>>, vector<16xf32>,
        %add3A_271 = arith.addf %add3A_239, %get3A_270 : vector<16xf32>
        %add3A_272 = arith.constant 3 : i32
        %add3A_273 = arith.addi %mul3A_180, %add3A_272 : i32
        %get3A_274 = arith.constant 0 : i32
        %get3A_275 = arith.index_cast %get3A_274 : i32 to index
        %get3A_276 = arith.index_cast %add3A_273 : i32 to index
        %get3A_277 = arith.constant 16 : index
        %get3A_278 = tpu.vector_load %arg6[%get3A_275, %get3A_276, %get3A_277] {strides = array<i32>} : memref<2x320x64xf32, #tpu.memory_space<vmem>>, vector<16xf32>,
        %add3A_279 = arith.addf %add3A_247, %get3A_278 : vector<16xf32>
        %add3A_280 = arith.constant 3 : i32
        %add3A_281 = arith.addi %mul3A_180, %add3A_280 : i32
        %get3A_282 = arith.constant 0 : i32
        %get3A_283 = arith.index_cast %get3A_282 : i32 to index
        %get3A_284 = arith.index_cast %add3A_281 : i32 to index
        %get3A_285 = arith.constant 32 : index
        %get3A_286 = tpu.vector_load %arg6[%get3A_283, %get3A_284, %get3A_285] {strides = array<i32>} : memref<2x320x64xf32, #tpu.memory_space<vmem>>, vector<16xf32>,
        %add3A_287 = arith.addf %add3A_255, %get3A_286 : vector<16xf32>
        %add3A_288 = arith.constant 3 : i32
        %add3A_289 = arith.addi %mul3A_180, %add3A_288 : i32
        %get3A_290 = arith.constant 0 : i32
        %get3A_291 = arith.index_cast %get3A_290 : i32 to index
        %get3A_292 = arith.index_cast %add3A_289 : i32 to index
        %get3A_293 = arith.constant 48 : index
        %get3A_294 = tpu.vector_load %arg6[%get3A_291, %get3A_292, %get3A_293] {strides = array<i32>} : memref<2x320x64xf32, #tpu.memory_space<vmem>>, vector<16xf32>,
        %add3A_295 = arith.addf %add3A_263, %get3A_294 : vector<16xf32>
        %add3A_296 = arith.constant 4 : i32
        %add3A_297 = arith.addi %mul3A_180, %add3A_296 : i32
        %get3A_298 = arith.constant 0 : i32
        %get3A_299 = arith.index_cast %get3A_298 : i32 to index
        %get3A_300 = arith.index_cast %add3A_297 : i32 to index
        %get3A_301 = arith.constant 0 : index
        %get3A_302 = tpu.vector_load %arg6[%get3A_299, %get3A_300, %get3A_301] {strides = array<i32>} : memref<2x320x64xf32, #tpu.memory_space<vmem>>, vector<16xf32>,
        %add3A_303 = arith.addf %add3A_271, %get3A_302 : vector<16xf32>
        %add3A_304 = arith.constant 4 : i32
        %add3A_305 = arith.addi %mul3A_180, %add3A_304 : i32
        %get3A_306 = arith.constant 0 : i32
        %get3A_307 = arith.index_cast %get3A_306 : i32 to index
        %get3A_308 = arith.index_cast %add3A_305 : i32 to index
        %get3A_309 = arith.constant 16 : index
        %get3A_310 = tpu.vector_load %arg6[%get3A_307, %get3A_308, %get3A_309] {strides = array<i32>} : memref<2x320x64xf32, #tpu.memory_space<vmem>>, vector<16xf32>,
        %add3A_311 = arith.addf %add3A_279, %get3A_310 : vector<16xf32>
        %add3A_312 = arith.constant 4 : i32
        %add3A_313 = arith.addi %mul3A_180, %add3A_312 : i32
        %get3A_314 = arith.constant 0 : i32
        %get3A_315 = arith.index_cast %get3A_314 : i32 to index
        %get3A_316 = arith.index_cast %add3A_313 : i32 to index
        %get3A_317 = arith.constant 32 : index
        %get3A_318 = tpu.vector_load %arg6[%get3A_315, %get3A_316, %get3A_317] {strides = array<i32>} : memref<2x320x64xf32, #tpu.memory_space<vmem>>, vector<16xf32>,
        %add3A_319 = arith.addf %add3A_287, %get3A_318 : vector<16xf32>
        %add3A_320 = arith.constant 4 : i32
        %add3A_321 = arith.addi %mul3A_180, %add3A_320 : i32
        %get3A_322 = arith.constant 0 : i32
        %get3A_323 = arith.index_cast %get3A_322 : i32 to index
        %get3A_324 = arith.index_cast %add3A_321 : i32 to index
        %get3A_325 = arith.constant 48 : index
        %get3A_326 = tpu.vector_load %arg6[%get3A_323, %get3A_324, %get3A_325] {strides = array<i32>} : memref<2x320x64xf32, #tpu.memory_space<vmem>>, vector<16xf32>,
        %add3A_327 = arith.addf %add3A_295, %get3A_326 : vector<16xf32>
        %add3A_328 = arith.constant 5 : i32
        %add3A_329 = arith.addi %mul3A_180, %add3A_328 : i32
        %get3A_330 = arith.constant 0 : i32
        %get3A_331 = arith.index_cast %get3A_330 : i32 to index
        %get3A_332 = arith.index_cast %add3A_329 : i32 to index
        %get3A_333 = arith.constant 0 : index
        %get3A_334 = tpu.vector_load %arg6[%get3A_331, %get3A_332, %get3A_333] {strides = array<i32>} : memref<2x320x64xf32, #tpu.memory_space<vmem>>, vector<16xf32>,
        %add3A_335 = arith.addf %add3A_303, %get3A_334 : vector<16xf32>
        %add3A_336 = arith.constant 5 : i32
        %add3A_337 = arith.addi %mul3A_180, %add3A_336 : i32
        %get3A_338 = arith.constant 0 : i32
        %get3A_339 = arith.index_cast %get3A_338 : i32 to index
        %get3A_340 = arith.index_cast %add3A_337 : i32 to index
        %get3A_341 = arith.constant 16 : index
        %get3A_342 = tpu.vector_load %arg6[%get3A_339, %get3A_340, %get3A_341] {strides = array<i32>} : memref<2x320x64xf32, #tpu.memory_space<vmem>>, vector<16xf32>,
        %add3A_343 = arith.addf %add3A_311, %get3A_342 : vector<16xf32>
        %add3A_344 = arith.constant 5 : i32
        %add3A_345 = arith.addi %mul3A_180, %add3A_344 : i32
        %get3A_346 = arith.constant 0 : i32
        %get3A_347 = arith.index_cast %get3A_346 : i32 to index
        %get3A_348 = arith.index_cast %add3A_345 : i32 to index
        %get3A_349 = arith.constant 32 : index
        %get3A_350 = tpu.vector_load %arg6[%get3A_347, %get3A_348, %get3A_349] {strides = array<i32>} : memref<2x320x64xf32, #tpu.memory_space<vmem>>, vector<16xf32>,
        %add3A_351 = arith.addf %add3A_319, %get3A_350 : vector<16xf32>
        %add3A_352 = arith.constant 5 : i32
        %add3A_353 = arith.addi %mul3A_180, %add3A_352 : i32
        %get3A_354 = arith.constant 0 : i32
        %get3A_355 = arith.index_cast %get3A_354 : i32 to index
        %get3A_356 = arith.index_cast %add3A_353 : i32 to index
        %get3A_357 = arith.constant 48 : index
        %get3A_358 = tpu.vector_load %arg6[%get3A_355, %get3A_356, %get3A_357] {strides = array<i32>} : memref<2x320x64xf32, #tpu.memory_space<vmem>>, vector<16xf32>,
        %add3A_359 = arith.addf %add3A_327, %get3A_358 : vector<16xf32>
        %add3A_360 = arith.constant 6 : i32
        %add3A_361 = arith.addi %mul3A_180, %add3A_360 : i32
        %get3A_362 = arith.constant 0 : i32
        %get3A_363 = arith.index_cast %get3A_362 : i32 to index
        %get3A_364 = arith.index_cast %add3A_361 : i32 to index
        %get3A_365 = arith.constant 0 : index
        %get3A_366 = tpu.vector_load %arg6[%get3A_363, %get3A_364, %get3A_365] {strides = array<i32>} : memref<2x320x64xf32, #tpu.memory_space<vmem>>, vector<16xf32>,
        %add3A_367 = arith.addf %add3A_335, %get3A_366 : vector<16xf32>
        %add3A_368 = arith.constant 6 : i32
        %add3A_369 = arith.addi %mul3A_180, %add3A_368 : i32
        %get3A_370 = arith.constant 0 : i32
        %get3A_371 = arith.index_cast %get3A_370 : i32 to index
        %get3A_372 = arith.index_cast %add3A_369 : i32 to index
        %get3A_373 = arith.constant 16 : index
        %get3A_374 = tpu.vector_load %arg6[%get3A_371, %get3A_372, %get3A_373] {strides = array<i32>} : memref<2x320x64xf32, #tpu.memory_space<vmem>>, vector<16xf32>,
        %add3A_375 = arith.addf %add3A_343, %get3A_374 : vector<16xf32>
        %add3A_376 = arith.constant 6 : i32
        %add3A_377 = arith.addi %mul3A_180, %add3A_376 : i32
        %get3A_378 = arith.constant 0 : i32
        %get3A_379 = arith.index_cast %get3A_378 : i32 to index
        %get3A_380 = arith.index_cast %add3A_377 : i32 to index
        %get3A_381 = arith.constant 32 : index
        %get3A_382 = tpu.vector_load %arg6[%get3A_379, %get3A_380, %get3A_381] {strides = array<i32>} : memref<2x320x64xf32, #tpu.memory_space<vmem>>, vector<16xf32>,
        %add3A_383 = arith.addf %add3A_351, %get3A_382 : vector<16xf32>
        %add3A_384 = arith.constant 6 : i32
        %add3A_385 = arith.addi %mul3A_180, %add3A_384 : i32
        %get3A_386 = arith.constant 0 : i32
        %get3A_387 = arith.index_cast %get3A_386 : i32 to index
        %get3A_388 = arith.index_cast %add3A_385 : i32 to index
        %get3A_389 = arith.constant 48 : index
        %get3A_390 = tpu.vector_load %arg6[%get3A_387, %get3A_388, %get3A_389] {strides = array<i32>} : memref<2x320x64xf32, #tpu.memory_space<vmem>>, vector<16xf32>,
        %add3A_391 = arith.addf %add3A_359, %get3A_390 : vector<16xf32>
        %add3A_392 = arith.constant 7 : i32
        %add3A_393 = arith.addi %mul3A_180, %add3A_392 : i32
        %get3A_394 = arith.constant 0 : i32
        %get3A_395 = arith.index_cast %get3A_394 : i32 to index
        %get3A_396 = arith.index_cast %add3A_393 : i32 to index
        %get3A_397 = arith.constant 0 : index
        %get3A_398 = tpu.vector_load %arg6[%get3A_395, %get3A_396, %get3A_397] {strides = array<i32>} : memref<2x320x64xf32, #tpu.memory_space<vmem>>, vector<16xf32>,
        %add3A_399 = arith.addf %add3A_367, %get3A_398 : vector<16xf32>
        %add3A_400 = arith.constant 7 : i32
        %add3A_401 = arith.addi %mul3A_180, %add3A_400 : i32
        %get3A_402 = arith.constant 0 : i32
        %get3A_403 = arith.index_cast %get3A_402 : i32 to index
        %get3A_404 = arith.index_cast %add3A_401 : i32 to index
        %get3A_405 = arith.constant 16 : index
        %get3A_406 = tpu.vector_load %arg6[%get3A_403, %get3A_404, %get3A_405] {strides = array<i32>} : memref<2x320x64xf32, #tpu.memory_space<vmem>>, vector<16xf32>,
        %add3A_407 = arith.addf %add3A_375, %get3A_406 : vector<16xf32>
        %add3A_408 = arith.constant 7 : i32
        %add3A_409 = arith.addi %mul3A_180, %add3A_408 : i32
        %get3A_410 = arith.constant 0 : i32
        %get3A_411 = arith.index_cast %get3A_410 : i32 to index
        %get3A_412 = arith.index_cast %add3A_409 : i32 to index
        %get3A_413 = arith.constant 32 : index
        %get3A_414 = tpu.vector_load %arg6[%get3A_411, %get3A_412, %get3A_413] {strides = array<i32>} : memref<2x320x64xf32, #tpu.memory_space<vmem>>, vector<16xf32>,
        %add3A_415 = arith.addf %add3A_383, %get3A_414 : vector<16xf32>
        %add3A_416 = arith.constant 7 : i32
        %add3A_417 = arith.addi %mul3A_180, %add3A_416 : i32
        %get3A_418 = arith.constant 0 : i32
        %get3A_419 = arith.index_cast %get3A_418 : i32 to index
        %get3A_420 = arith.index_cast %add3A_417 : i32 to index
        %get3A_421 = arith.constant 48 : index
        %get3A_422 = tpu.vector_load %arg6[%get3A_419, %get3A_420, %get3A_421] {strides = array<i32>} : memref<2x320x64xf32, #tpu.memory_space<vmem>>, vector<16xf32>,
        %add3A_423 = arith.addf %add3A_391, %get3A_422 : vector<16xf32>
        %add3A_424 = arith.constant 8 : i32
        %add3A_425 = arith.addi %mul3A_180, %add3A_424 : i32
        %get3A_426 = arith.constant 0 : i32
        %get3A_427 = arith.index_cast %get3A_426 : i32 to index
        %get3A_428 = arith.index_cast %add3A_425 : i32 to index
        %get3A_429 = arith.constant 0 : index
        %get3A_430 = tpu.vector_load %arg6[%get3A_427, %get3A_428, %get3A_429] {strides = array<i32>} : memref<2x320x64xf32, #tpu.memory_space<vmem>>, vector<16xf32>,
        %add3A_431 = arith.addf %add3A_399, %get3A_430 : vector<16xf32>
        %add3A_432 = arith.constant 8 : i32
        %add3A_433 = arith.addi %mul3A_180, %add3A_432 : i32
        %get3A_434 = arith.constant 0 : i32
        %get3A_435 = arith.index_cast %get3A_434 : i32 to index
        %get3A_436 = arith.index_cast %add3A_433 : i32 to index
        %get3A_437 = arith.constant 16 : index
        %get3A_438 = tpu.vector_load %arg6[%get3A_435, %get3A_436, %get3A_437] {strides = array<i32>} : memref<2x320x64xf32, #tpu.memory_space<vmem>>, vector<16xf32>,
        %add3A_439 = arith.addf %add3A_407, %get3A_438 : vector<16xf32>
        %add3A_440 = arith.constant 8 : i32
        %add3A_441 = arith.addi %mul3A_180, %add3A_440 : i32
        %get3A_442 = arith.constant 0 : i32
        %get3A_443 = arith.index_cast %get3A_442 : i32 to index
        %get3A_444 = arith.index_cast %add3A_441 : i32 to index
        %get3A_445 = arith.constant 32 : index
        %get3A_446 = tpu.vector_load %arg6[%get3A_443, %get3A_444, %get3A_445] {strides = array<i32>} : memref<2x320x64xf32, #tpu.memory_space<vmem>>, vector<16xf32>,
        %add3A_447 = arith.addf %add3A_415, %get3A_446 : vector<16xf32>
        %add3A_448 = arith.constant 8 : i32
        %add3A_449 = arith.addi %mul3A_180, %add3A_448 : i32
        %get3A_450 = arith.constant 0 : i32
        %get3A_451 = arith.index_cast %get3A_450 : i32 to index
        %get3A_452 = arith.index_cast %add3A_449 : i32 to index
        %get3A_453 = arith.constant 48 : index
        %get3A_454 = tpu.vector_load %arg6[%get3A_451, %get3A_452, %get3A_453] {strides = array<i32>} : memref<2x320x64xf32, #tpu.memory_space<vmem>>, vector<16xf32>,
        %add3A_455 = arith.addf %add3A_423, %get3A_454 : vector<16xf32>
        %add3A_456 = arith.constant 9 : i32
        %add3A_457 = arith.addi %mul3A_180, %add3A_456 : i32
        %get3A_458 = arith.constant 0 : i32
        %get3A_459 = arith.index_cast %get3A_458 : i32 to index
        %get3A_460 = arith.index_cast %add3A_457 : i32 to index
        %get3A_461 = arith.constant 0 : index
        %get3A_462 = tpu.vector_load %arg6[%get3A_459, %get3A_460, %get3A_461] {strides = array<i32>} : memref<2x320x64xf32, #tpu.memory_space<vmem>>, vector<16xf32>,
        %add3A_463 = arith.addf %add3A_431, %get3A_462 : vector<16xf32>
        %add3A_464 = arith.constant 9 : i32
        %add3A_465 = arith.addi %mul3A_180, %add3A_464 : i32
        %get3A_466 = arith.constant 0 : i32
        %get3A_467 = arith.index_cast %get3A_466 : i32 to index
        %get3A_468 = arith.index_cast %add3A_465 : i32 to index
        %get3A_469 = arith.constant 16 : index
        %get3A_470 = tpu.vector_load %arg6[%get3A_467, %get3A_468, %get3A_469] {strides = array<i32>} : memref<2x320x64xf32, #tpu.memory_space<vmem>>, vector<16xf32>,
        %add3A_471 = arith.addf %add3A_439, %get3A_470 : vector<16xf32>
        %add3A_472 = arith.constant 9 : i32
        %add3A_473 = arith.addi %mul3A_180, %add3A_472 : i32
        %get3A_474 = arith.constant 0 : i32
        %get3A_475 = arith.index_cast %get3A_474 : i32 to index
        %get3A_476 = arith.index_cast %add3A_473 : i32 to index
        %get3A_477 = arith.constant 32 : index
        %get3A_478 = tpu.vector_load %arg6[%get3A_475, %get3A_476, %get3A_477] {strides = array<i32>} : memref<2x320x64xf32, #tpu.memory_space<vmem>>, vector<16xf32>,
        %add3A_479 = arith.addf %add3A_447, %get3A_478 : vector<16xf32>
        %add3A_480 = arith.constant 9 : i32
        %add3A_481 = arith.addi %mul3A_180, %add3A_480 : i32
        %get3A_482 = arith.constant 0 : i32
        %get3A_483 = arith.index_cast %get3A_482 : i32 to index
        %get3A_484 = arith.index_cast %add3A_481 : i32 to index
        %get3A_485 = arith.constant 48 : index
        %get3A_486 = tpu.vector_load %arg6[%get3A_483, %get3A_484, %get3A_485] {strides = array<i32>} : memref<2x320x64xf32, #tpu.memory_space<vmem>>, vector<16xf32>,
        %add3A_487 = arith.addf %add3A_455, %get3A_486 : vector<16xf32>
        %mul3A_488 = arith.constant 32 : i32
        %mul3A_489 = arith.muli %mul3A_73, %mul3A_488 : i32
        %add3A_490 = arith.addi %mul3A_489, %scan3A_178 : i32
        %mul3A_491 = arith.constant 64 : i32
        %mul3A_492 = arith.muli %add3A_490, %mul3A_491 : i32
        %mul3A_493 = arith.constant 1.000000e-01 : f32
        %mul3A_494 = vector.broadcast %mul3A_493 : f32 to vector<16xf32>
        %mul3A_495 = arith.mulf %add3A_463, %mul3A_494 : vector<16xf32>
        %add3A_496 = arith.constant 0 : i32
        %add3A_497 = arith.addi %mul3A_492, %add3A_496 : i32
        %swap3A = arith.index_cast %add3A_497 : i32 to index
        %swap3A_498 = tpu.vector_load %arg7[%swap3A] {strides = array<i32>} : memref<32768xf32, #tpu.memory_space<vmem>>, vector<16xf32>,
        tpu.vector_store %arg7[%swap3A], %mul3A_495 {strides = array<i32>} : memref<32768xf32, #tpu.memory_space<vmem>>, vector<16xf32>,
        %mul3A_499 = arith.constant 1.000000e-01 : f32
        %mul3A_500 = vector.broadcast %mul3A_499 : f32 to vector<16xf32>
        %mul3A_501 = arith.mulf %add3A_471, %mul3A_500 : vector<16xf32>
        %add3A_502 = arith.constant 16 : i32
        %add3A_503 = arith.addi %mul3A_492, %add3A_502 : i32
        %swap3A_504 = arith.index_cast %add3A_503 : i32 to index
        %swap3A_505 = tpu.vector_load %arg7[%swap3A_504] {strides = array<i32>} : memref<32768xf32, #tpu.memory_space<vmem>>, vector<16xf32>,
        tpu.vector_store %arg7[%swap3A_504], %mul3A_501 {strides = array<i32>} : memref<32768xf32, #tpu.memory_space<vmem>>, vector<16xf32>,
        %mul3A_506 = arith.constant 1.000000e-01 : f32
        %mul3A_507 = vector.broadcast %mul3A_506 : f32 to vector<16xf32>
        %mul3A_508 = arith.mulf %add3A_479, %mul3A_507 : vector<16xf32>
        %add3A_509 = arith.constant 32 : i32
        %add3A_510 = arith.addi %mul3A_492, %add3A_509 : i32
        %swap3A_511 = arith.index_cast %add3A_510 : i32 to index
        %swap3A_512 = tpu.vector_load %arg7[%swap3A_511] {strides = array<i32>} : memref<32768xf32, #tpu.memory_space<vmem>>, vector<16xf32>,
        tpu.vector_store %arg7[%swap3A_511], %mul3A_508 {strides = array<i32>} : memref<32768xf32, #tpu.memory_space<vmem>>, vector<16xf32>,
        %mul3A_513 = arith.constant 1.000000e-01 : f32
        %mul3A_514 = vector.broadcast %mul3A_513 : f32 to vector<16xf32>
        %mul3A_515 = arith.mulf %add3A_487, %mul3A_514 : vector<16xf32>
        %add3A_516 = arith.constant 48 : i32
        %add3A_517 = arith.addi %mul3A_492, %add3A_516 : i32
        %swap3A_518 = arith.index_cast %add3A_517 : i32 to index
        %swap3A_519 = tpu.vector_load %arg7[%swap3A_518] {strides = array<i32>} : memref<32768xf32, #tpu.memory_space<vmem>>, vector<16xf32>,
        tpu.vector_store %arg7[%swap3A_518], %mul3A_515 {strides = array<i32>} : memref<32768xf32, #tpu.memory_space<vmem>>, vector<16xf32>,
      }
      %scan3A_121 = arith.constant 32 : i32
      %add3A_122 = arith.constant 1 : i32
      %add3A_123 = arith.addi %mul3A_73, %add3A_122 : i32
      %mul3A_124 = arith.constant 320 : i32
      %mul3A_125 = arith.muli %add3A_123, %mul3A_124 : i32
      %add3A_126 = arith.constant 0 : i32
      %add3A_127 = arith.addi %mul3A_125, %add3A_126 : i32
      %dma_wait3A_128 = arith.constant 1 : i32
      %dma_wait3A_129 = arith.constant 0 : i32
      %dma_wait3A_130 = arith.constant 0 : i32
      %dma_wait3A_131 = tpu.memref_slice %arg6[%dma_wait3A_128, %dma_wait3A_129, %dma_wait3A_130] : memref<2x320x64xf32, #tpu.memory_space<vmem>> -> memref<1x128x64xf32, #tpu.memory_space<vmem>>
      %dma_wait3A_132 = tpu.memref_squeeze %dma_wait3A_131 : memref<1x128x64xf32, #tpu.memory_space<vmem>> -> memref<128x64xf32, #tpu.memory_space<vmem>>
      %dma_wait3A_133 = tpu.memref_slice %arg5[%add3A_127] : memref<5120xi32, #tpu.memory_space<vmem>> -> memref<128xi32, #tpu.memory_space<vmem>>
      %dma_wait3A_134 = arith.constant 0 : i32
      %dma_wait3A_135 = arith.constant 0 : i32
      %dma_wait3A_136 = tpu.memref_slice %arg3[%dma_wait3A_134, %dma_wait3A_135] : memref<1000001x64xf32, #tpu.memory_space<hbm>> -> memref<1000001x64xf32, #tpu.memory_space<hbm>>
      tpu.wait_indirect_dma semaphore(%arg9 : memref<!tpu.dma_semaphore, #tpu.memory_space<semaphore_mem>>) src(%dma_wait3A_136 : memref<1000001x64xf32, #tpu.memory_space<hbm>>) dst(%dma_wait3A_132 : memref<128x64xf32, #tpu.memory_space<vmem>>)
      %mul3A_137 = arith.constant 320 : i32
      %mul3A_138 = arith.muli %add3A_123, %mul3A_137 : i32
      %add3A_139 = arith.constant 128 : i32
      %add3A_140 = arith.addi %mul3A_138, %add3A_139 : i32
      %dma_wait3A_141 = arith.constant 1 : i32
      %dma_wait3A_142 = arith.constant 128 : i32
      %dma_wait3A_143 = arith.constant 0 : i32
      %dma_wait3A_144 = tpu.memref_slice %arg6[%dma_wait3A_141, %dma_wait3A_142, %dma_wait3A_143] : memref<2x320x64xf32, #tpu.memory_space<vmem>> -> memref<1x128x64xf32, #tpu.memory_space<vmem>>
      %dma_wait3A_145 = tpu.memref_squeeze %dma_wait3A_144 : memref<1x128x64xf32, #tpu.memory_space<vmem>> -> memref<128x64xf32, #tpu.memory_space<vmem>>
      %dma_wait3A_146 = tpu.memref_slice %arg5[%add3A_140] : memref<5120xi32, #tpu.memory_space<vmem>> -> memref<128xi32, #tpu.memory_space<vmem>>
      %dma_wait3A_147 = arith.constant 0 : i32
      %dma_wait3A_148 = arith.constant 0 : i32
      %dma_wait3A_149 = tpu.memref_slice %arg3[%dma_wait3A_147, %dma_wait3A_148] : memref<1000001x64xf32, #tpu.memory_space<hbm>> -> memref<1000001x64xf32, #tpu.memory_space<hbm>>
      tpu.wait_indirect_dma semaphore(%arg9 : memref<!tpu.dma_semaphore, #tpu.memory_space<semaphore_mem>>) src(%dma_wait3A_149 : memref<1000001x64xf32, #tpu.memory_space<hbm>>) dst(%dma_wait3A_145 : memref<128x64xf32, #tpu.memory_space<vmem>>)
      %mul3A_150 = arith.constant 320 : i32
      %mul3A_151 = arith.muli %add3A_123, %mul3A_150 : i32
      %add3A_152 = arith.constant 256 : i32
      %add3A_153 = arith.addi %mul3A_151, %add3A_152 : i32
      %dma_wait3A_154 = arith.constant 1 : i32
      %dma_wait3A_155 = arith.constant 256 : i32
      %dma_wait3A_156 = arith.constant 0 : i32
      %dma_wait3A_157 = tpu.memref_slice %arg6[%dma_wait3A_154, %dma_wait3A_155, %dma_wait3A_156] : memref<2x320x64xf32, #tpu.memory_space<vmem>> -> memref<1x64x64xf32, #tpu.memory_space<vmem>>
      %dma_wait3A_158 = tpu.memref_squeeze %dma_wait3A_157 : memref<1x64x64xf32, #tpu.memory_space<vmem>> -> memref<64x64xf32, #tpu.memory_space<vmem>>
      %dma_wait3A_159 = tpu.memref_slice %arg5[%add3A_153] : memref<5120xi32, #tpu.memory_space<vmem>> -> memref<64xi32, #tpu.memory_space<vmem>>
      %dma_wait3A_160 = arith.constant 0 : i32
      %dma_wait3A_161 = arith.constant 0 : i32
      %dma_wait3A_162 = tpu.memref_slice %arg3[%dma_wait3A_160, %dma_wait3A_161] : memref<1000001x64xf32, #tpu.memory_space<hbm>> -> memref<1000001x64xf32, #tpu.memory_space<hbm>>
      tpu.wait_indirect_dma semaphore(%arg9 : memref<!tpu.dma_semaphore, #tpu.memory_space<semaphore_mem>>) src(%dma_wait3A_162 : memref<1000001x64xf32, #tpu.memory_space<hbm>>) dst(%dma_wait3A_158 : memref<64x64xf32, #tpu.memory_space<vmem>>)
      %add3A_163 = arith.constant 3 : i32
      %add3A_164 = arith.addi %mul3A_73, %add3A_163 : i32
      %lt3A_165 = arith.constant 16 : i32
      %lt3A_166 = arith.cmpi slt, %add3A_164, %lt3A_165 : i32
      %convert_element_type3A_167 = arith.extui %lt3A_166 : i1 to i32
      %cond3A_168 = arith.constant 0 : i32
      %cond3A_169 = arith.cmpi ne, %convert_element_type3A_167, %cond3A_168 : i32
      scf.if %cond3A_169 {
        %add3A_178 = arith.constant 3 : i32
        %add3A_179 = arith.addi %mul3A_73, %add3A_178 : i32
        %mul3A_180 = arith.constant 320 : i32
        %mul3A_181 = arith.muli %add3A_179, %mul3A_180 : i32
        %add3A_182 = arith.constant 0 : i32
        %add3A_183 = arith.addi %mul3A_181, %add3A_182 : i32
        %dma_start3A_184 = arith.constant 1 : i32
        %dma_start3A_185 = arith.constant 0 : i32
        %dma_start3A_186 = arith.constant 0 : i32
        %dma_start3A_187 = tpu.memref_slice %arg6[%dma_start3A_184, %dma_start3A_185, %dma_start3A_186] : memref<2x320x64xf32, #tpu.memory_space<vmem>> -> memref<1x128x64xf32, #tpu.memory_space<vmem>>
        %dma_start3A_188 = tpu.memref_squeeze %dma_start3A_187 : memref<1x128x64xf32, #tpu.memory_space<vmem>> -> memref<128x64xf32, #tpu.memory_space<vmem>>
        %dma_start3A_189 = tpu.memref_slice %arg5[%add3A_183] : memref<5120xi32, #tpu.memory_space<vmem>> -> memref<128xi32, #tpu.memory_space<vmem>>
        %dma_start3A_190 = arith.constant 0 : i32
        %dma_start3A_191 = arith.constant 0 : i32
        %dma_start3A_192 = tpu.memref_slice %arg3[%dma_start3A_190, %dma_start3A_191] : memref<1000001x64xf32, #tpu.memory_space<hbm>> -> memref<1000001x64xf32, #tpu.memory_space<hbm>>
        tpu.enqueue_indirect_dma source(%dma_start3A_192 : memref<1000001x64xf32, #tpu.memory_space<hbm>>) target(%dma_start3A_188 : memref<128x64xf32, #tpu.memory_space<vmem>>) offsets(%dma_start3A_189 : memref<128xi32, #tpu.memory_space<vmem>>) semaphore(%arg9 : memref<!tpu.dma_semaphore, #tpu.memory_space<semaphore_mem>>)
        %mul3A_193 = arith.constant 320 : i32
        %mul3A_194 = arith.muli %add3A_179, %mul3A_193 : i32
        %add3A_195 = arith.constant 128 : i32
        %add3A_196 = arith.addi %mul3A_194, %add3A_195 : i32
        %dma_start3A_197 = arith.constant 1 : i32
        %dma_start3A_198 = arith.constant 128 : i32
        %dma_start3A_199 = arith.constant 0 : i32
        %dma_start3A_200 = tpu.memref_slice %arg6[%dma_start3A_197, %dma_start3A_198, %dma_start3A_199] : memref<2x320x64xf32, #tpu.memory_space<vmem>> -> memref<1x128x64xf32, #tpu.memory_space<vmem>>
        %dma_start3A_201 = tpu.memref_squeeze %dma_start3A_200 : memref<1x128x64xf32, #tpu.memory_space<vmem>> -> memref<128x64xf32, #tpu.memory_space<vmem>>
        %dma_start3A_202 = tpu.memref_slice %arg5[%add3A_196] : memref<5120xi32, #tpu.memory_space<vmem>> -> memref<128xi32, #tpu.memory_space<vmem>>
        %dma_start3A_203 = arith.constant 0 : i32
        %dma_start3A_204 = arith.constant 0 : i32
        %dma_start3A_205 = tpu.memref_slice %arg3[%dma_start3A_203, %dma_start3A_204] : memref<1000001x64xf32, #tpu.memory_space<hbm>> -> memref<1000001x64xf32, #tpu.memory_space<hbm>>
        tpu.enqueue_indirect_dma source(%dma_start3A_205 : memref<1000001x64xf32, #tpu.memory_space<hbm>>) target(%dma_start3A_201 : memref<128x64xf32, #tpu.memory_space<vmem>>) offsets(%dma_start3A_202 : memref<128xi32, #tpu.memory_space<vmem>>) semaphore(%arg9 : memref<!tpu.dma_semaphore, #tpu.memory_space<semaphore_mem>>)
        %mul3A_206 = arith.constant 320 : i32
        %mul3A_207 = arith.muli %add3A_179, %mul3A_206 : i32
        %add3A_208 = arith.constant 256 : i32
        %add3A_209 = arith.addi %mul3A_207, %add3A_208 : i32
        %dma_start3A_210 = arith.constant 1 : i32
        %dma_start3A_211 = arith.constant 256 : i32
        %dma_start3A_212 = arith.constant 0 : i32
        %dma_start3A_213 = tpu.memref_slice %arg6[%dma_start3A_210, %dma_start3A_211, %dma_start3A_212] : memref<2x320x64xf32, #tpu.memory_space<vmem>> -> memref<1x64x64xf32, #tpu.memory_space<vmem>>
        %dma_start3A_214 = tpu.memref_squeeze %dma_start3A_213 : memref<1x64x64xf32, #tpu.memory_space<vmem>> -> memref<64x64xf32, #tpu.memory_space<vmem>>
        %dma_start3A_215 = tpu.memref_slice %arg5[%add3A_209] : memref<5120xi32, #tpu.memory_space<vmem>> -> memref<64xi32, #tpu.memory_space<vmem>>
        %dma_start3A_216 = arith.constant 0 : i32
        %dma_start3A_217 = arith.constant 0 : i32
        %dma_start3A_218 = tpu.memref_slice %arg3[%dma_start3A_216, %dma_start3A_217] : memref<1000001x64xf32, #tpu.memory_space<hbm>> -> memref<1000001x64xf32, #tpu.memory_space<hbm>>
        tpu.enqueue_indirect_dma source(%dma_start3A_218 : memref<1000001x64xf32, #tpu.memory_space<hbm>>) target(%dma_start3A_214 : memref<64x64xf32, #tpu.memory_space<vmem>>) offsets(%dma_start3A_215 : memref<64xi32, #tpu.memory_space<vmem>>) semaphore(%arg9 : memref<!tpu.dma_semaphore, #tpu.memory_space<semaphore_mem>>)
      } else {
      }
      %add3A_170 = arith.constant 1 : i32
      %add3A_171 = arith.addi %mul3A_73, %add3A_170 : i32
      %scan3A_172 = arith.constant 0 : i32
      %scan3A_173 = arith.constant 0 : i32
      %scan3A_174 = arith.constant 32 : i32
      %scan3A_175 = arith.addi %scan3A_173, %scan3A_174 : i32
      %scan3A_176 = arith.constant 1 : i32
      scf.for %scan3A_178 = %scan3A_173 to %scan3A_175 step %scan3A_176  : i32 {
        %mul3A_179 = arith.constant 10 : i32
        %mul3A_180 = arith.muli %scan3A_178, %mul3A_179 : i32
        %get3A = arith.constant 1 : i32
        %get3A_181 = arith.index_cast %get3A : i32 to index
        %get3A_182 = arith.index_cast %mul3A_180 : i32 to index
        %get3A_183 = arith.constant 0 : index
        %get3A_184 = tpu.vector_load %arg6[%get3A_181, %get3A_182, %get3A_183] {strides = array<i32>} : memref<2x320x64xf32, #tpu.memory_space<vmem>>, vector<16xf32>,
        %get3A_185 = arith.constant 1 : i32
        %get3A_186 = arith.index_cast %get3A_185 : i32 to index
        %get3A_187 = arith.index_cast %mul3A_180 : i32 to index
        %get3A_188 = arith.constant 16 : index
        %get3A_189 = tpu.vector_load %arg6[%get3A_186, %get3A_187, %get3A_188] {strides = array<i32>} : memref<2x320x64xf32, #tpu.memory_space<vmem>>, vector<16xf32>,
        %get3A_190 = arith.constant 1 : i32
        %get3A_191 = arith.index_cast %get3A_190 : i32 to index
        %get3A_192 = arith.index_cast %mul3A_180 : i32 to index
        %get3A_193 = arith.constant 32 : index
        %get3A_194 = tpu.vector_load %arg6[%get3A_191, %get3A_192, %get3A_193] {strides = array<i32>} : memref<2x320x64xf32, #tpu.memory_space<vmem>>, vector<16xf32>,
        %get3A_195 = arith.constant 1 : i32
        %get3A_196 = arith.index_cast %get3A_195 : i32 to index
        %get3A_197 = arith.index_cast %mul3A_180 : i32 to index
        %get3A_198 = arith.constant 48 : index
        %get3A_199 = tpu.vector_load %arg6[%get3A_196, %get3A_197, %get3A_198] {strides = array<i32>} : memref<2x320x64xf32, #tpu.memory_space<vmem>>, vector<16xf32>,
        %add3A_200 = arith.constant 1 : i32
        %add3A_201 = arith.addi %mul3A_180, %add3A_200 : i32
        %get3A_202 = arith.constant 1 : i32
        %get3A_203 = arith.index_cast %get3A_202 : i32 to index
        %get3A_204 = arith.index_cast %add3A_201 : i32 to index
        %get3A_205 = arith.constant 0 : index
        %get3A_206 = tpu.vector_load %arg6[%get3A_203, %get3A_204, %get3A_205] {strides = array<i32>} : memref<2x320x64xf32, #tpu.memory_space<vmem>>, vector<16xf32>,
        %add3A_207 = arith.addf %get3A_184, %get3A_206 : vector<16xf32>
        %add3A_208 = arith.constant 1 : i32
        %add3A_209 = arith.addi %mul3A_180, %add3A_208 : i32
        %get3A_210 = arith.constant 1 : i32
        %get3A_211 = arith.index_cast %get3A_210 : i32 to index
        %get3A_212 = arith.index_cast %add3A_209 : i32 to index
        %get3A_213 = arith.constant 16 : index
        %get3A_214 = tpu.vector_load %arg6[%get3A_211, %get3A_212, %get3A_213] {strides = array<i32>} : memref<2x320x64xf32, #tpu.memory_space<vmem>>, vector<16xf32>,
        %add3A_215 = arith.addf %get3A_189, %get3A_214 : vector<16xf32>
        %add3A_216 = arith.constant 1 : i32
        %add3A_217 = arith.addi %mul3A_180, %add3A_216 : i32
        %get3A_218 = arith.constant 1 : i32
        %get3A_219 = arith.index_cast %get3A_218 : i32 to index
        %get3A_220 = arith.index_cast %add3A_217 : i32 to index
        %get3A_221 = arith.constant 32 : index
        %get3A_222 = tpu.vector_load %arg6[%get3A_219, %get3A_220, %get3A_221] {strides = array<i32>} : memref<2x320x64xf32, #tpu.memory_space<vmem>>, vector<16xf32>,
        %add3A_223 = arith.addf %get3A_194, %get3A_222 : vector<16xf32>
        %add3A_224 = arith.constant 1 : i32
        %add3A_225 = arith.addi %mul3A_180, %add3A_224 : i32
        %get3A_226 = arith.constant 1 : i32
        %get3A_227 = arith.index_cast %get3A_226 : i32 to index
        %get3A_228 = arith.index_cast %add3A_225 : i32 to index
        %get3A_229 = arith.constant 48 : index
        %get3A_230 = tpu.vector_load %arg6[%get3A_227, %get3A_228, %get3A_229] {strides = array<i32>} : memref<2x320x64xf32, #tpu.memory_space<vmem>>, vector<16xf32>,
        %add3A_231 = arith.addf %get3A_199, %get3A_230 : vector<16xf32>
        %add3A_232 = arith.constant 2 : i32
        %add3A_233 = arith.addi %mul3A_180, %add3A_232 : i32
        %get3A_234 = arith.constant 1 : i32
        %get3A_235 = arith.index_cast %get3A_234 : i32 to index
        %get3A_236 = arith.index_cast %add3A_233 : i32 to index
        %get3A_237 = arith.constant 0 : index
        %get3A_238 = tpu.vector_load %arg6[%get3A_235, %get3A_236, %get3A_237] {strides = array<i32>} : memref<2x320x64xf32, #tpu.memory_space<vmem>>, vector<16xf32>,
        %add3A_239 = arith.addf %add3A_207, %get3A_238 : vector<16xf32>
        %add3A_240 = arith.constant 2 : i32
        %add3A_241 = arith.addi %mul3A_180, %add3A_240 : i32
        %get3A_242 = arith.constant 1 : i32
        %get3A_243 = arith.index_cast %get3A_242 : i32 to index
        %get3A_244 = arith.index_cast %add3A_241 : i32 to index
        %get3A_245 = arith.constant 16 : index
        %get3A_246 = tpu.vector_load %arg6[%get3A_243, %get3A_244, %get3A_245] {strides = array<i32>} : memref<2x320x64xf32, #tpu.memory_space<vmem>>, vector<16xf32>,
        %add3A_247 = arith.addf %add3A_215, %get3A_246 : vector<16xf32>
        %add3A_248 = arith.constant 2 : i32
        %add3A_249 = arith.addi %mul3A_180, %add3A_248 : i32
        %get3A_250 = arith.constant 1 : i32
        %get3A_251 = arith.index_cast %get3A_250 : i32 to index
        %get3A_252 = arith.index_cast %add3A_249 : i32 to index
        %get3A_253 = arith.constant 32 : index
        %get3A_254 = tpu.vector_load %arg6[%get3A_251, %get3A_252, %get3A_253] {strides = array<i32>} : memref<2x320x64xf32, #tpu.memory_space<vmem>>, vector<16xf32>,
        %add3A_255 = arith.addf %add3A_223, %get3A_254 : vector<16xf32>
        %add3A_256 = arith.constant 2 : i32
        %add3A_257 = arith.addi %mul3A_180, %add3A_256 : i32
        %get3A_258 = arith.constant 1 : i32
        %get3A_259 = arith.index_cast %get3A_258 : i32 to index
        %get3A_260 = arith.index_cast %add3A_257 : i32 to index
        %get3A_261 = arith.constant 48 : index
        %get3A_262 = tpu.vector_load %arg6[%get3A_259, %get3A_260, %get3A_261] {strides = array<i32>} : memref<2x320x64xf32, #tpu.memory_space<vmem>>, vector<16xf32>,
        %add3A_263 = arith.addf %add3A_231, %get3A_262 : vector<16xf32>
        %add3A_264 = arith.constant 3 : i32
        %add3A_265 = arith.addi %mul3A_180, %add3A_264 : i32
        %get3A_266 = arith.constant 1 : i32
        %get3A_267 = arith.index_cast %get3A_266 : i32 to index
        %get3A_268 = arith.index_cast %add3A_265 : i32 to index
        %get3A_269 = arith.constant 0 : index
        %get3A_270 = tpu.vector_load %arg6[%get3A_267, %get3A_268, %get3A_269] {strides = array<i32>} : memref<2x320x64xf32, #tpu.memory_space<vmem>>, vector<16xf32>,
        %add3A_271 = arith.addf %add3A_239, %get3A_270 : vector<16xf32>
        %add3A_272 = arith.constant 3 : i32
        %add3A_273 = arith.addi %mul3A_180, %add3A_272 : i32
        %get3A_274 = arith.constant 1 : i32
        %get3A_275 = arith.index_cast %get3A_274 : i32 to index
        %get3A_276 = arith.index_cast %add3A_273 : i32 to index
        %get3A_277 = arith.constant 16 : index
        %get3A_278 = tpu.vector_load %arg6[%get3A_275, %get3A_276, %get3A_277] {strides = array<i32>} : memref<2x320x64xf32, #tpu.memory_space<vmem>>, vector<16xf32>,
        %add3A_279 = arith.addf %add3A_247, %get3A_278 : vector<16xf32>
        %add3A_280 = arith.constant 3 : i32
        %add3A_281 = arith.addi %mul3A_180, %add3A_280 : i32
        %get3A_282 = arith.constant 1 : i32
        %get3A_283 = arith.index_cast %get3A_282 : i32 to index
        %get3A_284 = arith.index_cast %add3A_281 : i32 to index
        %get3A_285 = arith.constant 32 : index
        %get3A_286 = tpu.vector_load %arg6[%get3A_283, %get3A_284, %get3A_285] {strides = array<i32>} : memref<2x320x64xf32, #tpu.memory_space<vmem>>, vector<16xf32>,
        %add3A_287 = arith.addf %add3A_255, %get3A_286 : vector<16xf32>
        %add3A_288 = arith.constant 3 : i32
        %add3A_289 = arith.addi %mul3A_180, %add3A_288 : i32
        %get3A_290 = arith.constant 1 : i32
        %get3A_291 = arith.index_cast %get3A_290 : i32 to index
        %get3A_292 = arith.index_cast %add3A_289 : i32 to index
        %get3A_293 = arith.constant 48 : index
        %get3A_294 = tpu.vector_load %arg6[%get3A_291, %get3A_292, %get3A_293] {strides = array<i32>} : memref<2x320x64xf32, #tpu.memory_space<vmem>>, vector<16xf32>,
        %add3A_295 = arith.addf %add3A_263, %get3A_294 : vector<16xf32>
        %add3A_296 = arith.constant 4 : i32
        %add3A_297 = arith.addi %mul3A_180, %add3A_296 : i32
        %get3A_298 = arith.constant 1 : i32
        %get3A_299 = arith.index_cast %get3A_298 : i32 to index
        %get3A_300 = arith.index_cast %add3A_297 : i32 to index
        %get3A_301 = arith.constant 0 : index
        %get3A_302 = tpu.vector_load %arg6[%get3A_299, %get3A_300, %get3A_301] {strides = array<i32>} : memref<2x320x64xf32, #tpu.memory_space<vmem>>, vector<16xf32>,
        %add3A_303 = arith.addf %add3A_271, %get3A_302 : vector<16xf32>
        %add3A_304 = arith.constant 4 : i32
        %add3A_305 = arith.addi %mul3A_180, %add3A_304 : i32
        %get3A_306 = arith.constant 1 : i32
        %get3A_307 = arith.index_cast %get3A_306 : i32 to index
        %get3A_308 = arith.index_cast %add3A_305 : i32 to index
        %get3A_309 = arith.constant 16 : index
        %get3A_310 = tpu.vector_load %arg6[%get3A_307, %get3A_308, %get3A_309] {strides = array<i32>} : memref<2x320x64xf32, #tpu.memory_space<vmem>>, vector<16xf32>,
        %add3A_311 = arith.addf %add3A_279, %get3A_310 : vector<16xf32>
        %add3A_312 = arith.constant 4 : i32
        %add3A_313 = arith.addi %mul3A_180, %add3A_312 : i32
        %get3A_314 = arith.constant 1 : i32
        %get3A_315 = arith.index_cast %get3A_314 : i32 to index
        %get3A_316 = arith.index_cast %add3A_313 : i32 to index
        %get3A_317 = arith.constant 32 : index
        %get3A_318 = tpu.vector_load %arg6[%get3A_315, %get3A_316, %get3A_317] {strides = array<i32>} : memref<2x320x64xf32, #tpu.memory_space<vmem>>, vector<16xf32>,
        %add3A_319 = arith.addf %add3A_287, %get3A_318 : vector<16xf32>
        %add3A_320 = arith.constant 4 : i32
        %add3A_321 = arith.addi %mul3A_180, %add3A_320 : i32
        %get3A_322 = arith.constant 1 : i32
        %get3A_323 = arith.index_cast %get3A_322 : i32 to index
        %get3A_324 = arith.index_cast %add3A_321 : i32 to index
        %get3A_325 = arith.constant 48 : index
        %get3A_326 = tpu.vector_load %arg6[%get3A_323, %get3A_324, %get3A_325] {strides = array<i32>} : memref<2x320x64xf32, #tpu.memory_space<vmem>>, vector<16xf32>,
        %add3A_327 = arith.addf %add3A_295, %get3A_326 : vector<16xf32>
        %add3A_328 = arith.constant 5 : i32
        %add3A_329 = arith.addi %mul3A_180, %add3A_328 : i32
        %get3A_330 = arith.constant 1 : i32
        %get3A_331 = arith.index_cast %get3A_330 : i32 to index
        %get3A_332 = arith.index_cast %add3A_329 : i32 to index
        %get3A_333 = arith.constant 0 : index
        %get3A_334 = tpu.vector_load %arg6[%get3A_331, %get3A_332, %get3A_333] {strides = array<i32>} : memref<2x320x64xf32, #tpu.memory_space<vmem>>, vector<16xf32>,
        %add3A_335 = arith.addf %add3A_303, %get3A_334 : vector<16xf32>
        %add3A_336 = arith.constant 5 : i32
        %add3A_337 = arith.addi %mul3A_180, %add3A_336 : i32
        %get3A_338 = arith.constant 1 : i32
        %get3A_339 = arith.index_cast %get3A_338 : i32 to index
        %get3A_340 = arith.index_cast %add3A_337 : i32 to index
        %get3A_341 = arith.constant 16 : index
        %get3A_342 = tpu.vector_load %arg6[%get3A_339, %get3A_340, %get3A_341] {strides = array<i32>} : memref<2x320x64xf32, #tpu.memory_space<vmem>>, vector<16xf32>,
        %add3A_343 = arith.addf %add3A_311, %get3A_342 : vector<16xf32>
        %add3A_344 = arith.constant 5 : i32
        %add3A_345 = arith.addi %mul3A_180, %add3A_344 : i32
        %get3A_346 = arith.constant 1 : i32
        %get3A_347 = arith.index_cast %get3A_346 : i32 to index
        %get3A_348 = arith.index_cast %add3A_345 : i32 to index
        %get3A_349 = arith.constant 32 : index
        %get3A_350 = tpu.vector_load %arg6[%get3A_347, %get3A_348, %get3A_349] {strides = array<i32>} : memref<2x320x64xf32, #tpu.memory_space<vmem>>, vector<16xf32>,
        %add3A_351 = arith.addf %add3A_319, %get3A_350 : vector<16xf32>
        %add3A_352 = arith.constant 5 : i32
        %add3A_353 = arith.addi %mul3A_180, %add3A_352 : i32
        %get3A_354 = arith.constant 1 : i32
        %get3A_355 = arith.index_cast %get3A_354 : i32 to index
        %get3A_356 = arith.index_cast %add3A_353 : i32 to index
        %get3A_357 = arith.constant 48 : index
        %get3A_358 = tpu.vector_load %arg6[%get3A_355, %get3A_356, %get3A_357] {strides = array<i32>} : memref<2x320x64xf32, #tpu.memory_space<vmem>>, vector<16xf32>,
        %add3A_359 = arith.addf %add3A_327, %get3A_358 : vector<16xf32>
        %add3A_360 = arith.constant 6 : i32
        %add3A_361 = arith.addi %mul3A_180, %add3A_360 : i32
        %get3A_362 = arith.constant 1 : i32
        %get3A_363 = arith.index_cast %get3A_362 : i32 to index
        %get3A_364 = arith.index_cast %add3A_361 : i32 to index
        %get3A_365 = arith.constant 0 : index
        %get3A_366 = tpu.vector_load %arg6[%get3A_363, %get3A_364, %get3A_365] {strides = array<i32>} : memref<2x320x64xf32, #tpu.memory_space<vmem>>, vector<16xf32>,
        %add3A_367 = arith.addf %add3A_335, %get3A_366 : vector<16xf32>
        %add3A_368 = arith.constant 6 : i32
        %add3A_369 = arith.addi %mul3A_180, %add3A_368 : i32
        %get3A_370 = arith.constant 1 : i32
        %get3A_371 = arith.index_cast %get3A_370 : i32 to index
        %get3A_372 = arith.index_cast %add3A_369 : i32 to index
        %get3A_373 = arith.constant 16 : index
        %get3A_374 = tpu.vector_load %arg6[%get3A_371, %get3A_372, %get3A_373] {strides = array<i32>} : memref<2x320x64xf32, #tpu.memory_space<vmem>>, vector<16xf32>,
        %add3A_375 = arith.addf %add3A_343, %get3A_374 : vector<16xf32>
        %add3A_376 = arith.constant 6 : i32
        %add3A_377 = arith.addi %mul3A_180, %add3A_376 : i32
        %get3A_378 = arith.constant 1 : i32
        %get3A_379 = arith.index_cast %get3A_378 : i32 to index
        %get3A_380 = arith.index_cast %add3A_377 : i32 to index
        %get3A_381 = arith.constant 32 : index
        %get3A_382 = tpu.vector_load %arg6[%get3A_379, %get3A_380, %get3A_381] {strides = array<i32>} : memref<2x320x64xf32, #tpu.memory_space<vmem>>, vector<16xf32>,
        %add3A_383 = arith.addf %add3A_351, %get3A_382 : vector<16xf32>
        %add3A_384 = arith.constant 6 : i32
        %add3A_385 = arith.addi %mul3A_180, %add3A_384 : i32
        %get3A_386 = arith.constant 1 : i32
        %get3A_387 = arith.index_cast %get3A_386 : i32 to index
        %get3A_388 = arith.index_cast %add3A_385 : i32 to index
        %get3A_389 = arith.constant 48 : index
        %get3A_390 = tpu.vector_load %arg6[%get3A_387, %get3A_388, %get3A_389] {strides = array<i32>} : memref<2x320x64xf32, #tpu.memory_space<vmem>>, vector<16xf32>,
        %add3A_391 = arith.addf %add3A_359, %get3A_390 : vector<16xf32>
        %add3A_392 = arith.constant 7 : i32
        %add3A_393 = arith.addi %mul3A_180, %add3A_392 : i32
        %get3A_394 = arith.constant 1 : i32
        %get3A_395 = arith.index_cast %get3A_394 : i32 to index
        %get3A_396 = arith.index_cast %add3A_393 : i32 to index
        %get3A_397 = arith.constant 0 : index
        %get3A_398 = tpu.vector_load %arg6[%get3A_395, %get3A_396, %get3A_397] {strides = array<i32>} : memref<2x320x64xf32, #tpu.memory_space<vmem>>, vector<16xf32>,
        %add3A_399 = arith.addf %add3A_367, %get3A_398 : vector<16xf32>
        %add3A_400 = arith.constant 7 : i32
        %add3A_401 = arith.addi %mul3A_180, %add3A_400 : i32
        %get3A_402 = arith.constant 1 : i32
        %get3A_403 = arith.index_cast %get3A_402 : i32 to index
        %get3A_404 = arith.index_cast %add3A_401 : i32 to index
        %get3A_405 = arith.constant 16 : index
        %get3A_406 = tpu.vector_load %arg6[%get3A_403, %get3A_404, %get3A_405] {strides = array<i32>} : memref<2x320x64xf32, #tpu.memory_space<vmem>>, vector<16xf32>,
        %add3A_407 = arith.addf %add3A_375, %get3A_406 : vector<16xf32>
        %add3A_408 = arith.constant 7 : i32
        %add3A_409 = arith.addi %mul3A_180, %add3A_408 : i32
        %get3A_410 = arith.constant 1 : i32
        %get3A_411 = arith.index_cast %get3A_410 : i32 to index
        %get3A_412 = arith.index_cast %add3A_409 : i32 to index
        %get3A_413 = arith.constant 32 : index
        %get3A_414 = tpu.vector_load %arg6[%get3A_411, %get3A_412, %get3A_413] {strides = array<i32>} : memref<2x320x64xf32, #tpu.memory_space<vmem>>, vector<16xf32>,
        %add3A_415 = arith.addf %add3A_383, %get3A_414 : vector<16xf32>
        %add3A_416 = arith.constant 7 : i32
        %add3A_417 = arith.addi %mul3A_180, %add3A_416 : i32
        %get3A_418 = arith.constant 1 : i32
        %get3A_419 = arith.index_cast %get3A_418 : i32 to index
        %get3A_420 = arith.index_cast %add3A_417 : i32 to index
        %get3A_421 = arith.constant 48 : index
        %get3A_422 = tpu.vector_load %arg6[%get3A_419, %get3A_420, %get3A_421] {strides = array<i32>} : memref<2x320x64xf32, #tpu.memory_space<vmem>>, vector<16xf32>,
        %add3A_423 = arith.addf %add3A_391, %get3A_422 : vector<16xf32>
        %add3A_424 = arith.constant 8 : i32
        %add3A_425 = arith.addi %mul3A_180, %add3A_424 : i32
        %get3A_426 = arith.constant 1 : i32
        %get3A_427 = arith.index_cast %get3A_426 : i32 to index
        %get3A_428 = arith.index_cast %add3A_425 : i32 to index
        %get3A_429 = arith.constant 0 : index
        %get3A_430 = tpu.vector_load %arg6[%get3A_427, %get3A_428, %get3A_429] {strides = array<i32>} : memref<2x320x64xf32, #tpu.memory_space<vmem>>, vector<16xf32>,
        %add3A_431 = arith.addf %add3A_399, %get3A_430 : vector<16xf32>
        %add3A_432 = arith.constant 8 : i32
        %add3A_433 = arith.addi %mul3A_180, %add3A_432 : i32
        %get3A_434 = arith.constant 1 : i32
        %get3A_435 = arith.index_cast %get3A_434 : i32 to index
        %get3A_436 = arith.index_cast %add3A_433 : i32 to index
        %get3A_437 = arith.constant 16 : index
        %get3A_438 = tpu.vector_load %arg6[%get3A_435, %get3A_436, %get3A_437] {strides = array<i32>} : memref<2x320x64xf32, #tpu.memory_space<vmem>>, vector<16xf32>,
        %add3A_439 = arith.addf %add3A_407, %get3A_438 : vector<16xf32>
        %add3A_440 = arith.constant 8 : i32
        %add3A_441 = arith.addi %mul3A_180, %add3A_440 : i32
        %get3A_442 = arith.constant 1 : i32
        %get3A_443 = arith.index_cast %get3A_442 : i32 to index
        %get3A_444 = arith.index_cast %add3A_441 : i32 to index
        %get3A_445 = arith.constant 32 : index
        %get3A_446 = tpu.vector_load %arg6[%get3A_443, %get3A_444, %get3A_445] {strides = array<i32>} : memref<2x320x64xf32, #tpu.memory_space<vmem>>, vector<16xf32>,
        %add3A_447 = arith.addf %add3A_415, %get3A_446 : vector<16xf32>
        %add3A_448 = arith.constant 8 : i32
        %add3A_449 = arith.addi %mul3A_180, %add3A_448 : i32
        %get3A_450 = arith.constant 1 : i32
        %get3A_451 = arith.index_cast %get3A_450 : i32 to index
        %get3A_452 = arith.index_cast %add3A_449 : i32 to index
        %get3A_453 = arith.constant 48 : index
        %get3A_454 = tpu.vector_load %arg6[%get3A_451, %get3A_452, %get3A_453] {strides = array<i32>} : memref<2x320x64xf32, #tpu.memory_space<vmem>>, vector<16xf32>,
        %add3A_455 = arith.addf %add3A_423, %get3A_454 : vector<16xf32>
        %add3A_456 = arith.constant 9 : i32
        %add3A_457 = arith.addi %mul3A_180, %add3A_456 : i32
        %get3A_458 = arith.constant 1 : i32
        %get3A_459 = arith.index_cast %get3A_458 : i32 to index
        %get3A_460 = arith.index_cast %add3A_457 : i32 to index
        %get3A_461 = arith.constant 0 : index
        %get3A_462 = tpu.vector_load %arg6[%get3A_459, %get3A_460, %get3A_461] {strides = array<i32>} : memref<2x320x64xf32, #tpu.memory_space<vmem>>, vector<16xf32>,
        %add3A_463 = arith.addf %add3A_431, %get3A_462 : vector<16xf32>
        %add3A_464 = arith.constant 9 : i32
        %add3A_465 = arith.addi %mul3A_180, %add3A_464 : i32
        %get3A_466 = arith.constant 1 : i32
        %get3A_467 = arith.index_cast %get3A_466 : i32 to index
        %get3A_468 = arith.index_cast %add3A_465 : i32 to index
        %get3A_469 = arith.constant 16 : index
        %get3A_470 = tpu.vector_load %arg6[%get3A_467, %get3A_468, %get3A_469] {strides = array<i32>} : memref<2x320x64xf32, #tpu.memory_space<vmem>>, vector<16xf32>,
        %add3A_471 = arith.addf %add3A_439, %get3A_470 : vector<16xf32>
        %add3A_472 = arith.constant 9 : i32
        %add3A_473 = arith.addi %mul3A_180, %add3A_472 : i32
        %get3A_474 = arith.constant 1 : i32
        %get3A_475 = arith.index_cast %get3A_474 : i32 to index
        %get3A_476 = arith.index_cast %add3A_473 : i32 to index
        %get3A_477 = arith.constant 32 : index
        %get3A_478 = tpu.vector_load %arg6[%get3A_475, %get3A_476, %get3A_477] {strides = array<i32>} : memref<2x320x64xf32, #tpu.memory_space<vmem>>, vector<16xf32>,
        %add3A_479 = arith.addf %add3A_447, %get3A_478 : vector<16xf32>
        %add3A_480 = arith.constant 9 : i32
        %add3A_481 = arith.addi %mul3A_180, %add3A_480 : i32
        %get3A_482 = arith.constant 1 : i32
        %get3A_483 = arith.index_cast %get3A_482 : i32 to index
        %get3A_484 = arith.index_cast %add3A_481 : i32 to index
        %get3A_485 = arith.constant 48 : index
        %get3A_486 = tpu.vector_load %arg6[%get3A_483, %get3A_484, %get3A_485] {strides = array<i32>} : memref<2x320x64xf32, #tpu.memory_space<vmem>>, vector<16xf32>,
        %add3A_487 = arith.addf %add3A_455, %get3A_486 : vector<16xf32>
        %mul3A_488 = arith.constant 32 : i32
        %mul3A_489 = arith.muli %add3A_171, %mul3A_488 : i32
        %add3A_490 = arith.addi %mul3A_489, %scan3A_178 : i32
        %mul3A_491 = arith.constant 64 : i32
        %mul3A_492 = arith.muli %add3A_490, %mul3A_491 : i32
        %mul3A_493 = arith.constant 1.000000e-01 : f32
        %mul3A_494 = vector.broadcast %mul3A_493 : f32 to vector<16xf32>
        %mul3A_495 = arith.mulf %add3A_463, %mul3A_494 : vector<16xf32>
        %add3A_496 = arith.constant 0 : i32
        %add3A_497 = arith.addi %mul3A_492, %add3A_496 : i32
        %swap3A = arith.index_cast %add3A_497 : i32 to index
        %swap3A_498 = tpu.vector_load %arg7[%swap3A] {strides = array<i32>} : memref<32768xf32, #tpu.memory_space<vmem>>, vector<16xf32>,
        tpu.vector_store %arg7[%swap3A], %mul3A_495 {strides = array<i32>} : memref<32768xf32, #tpu.memory_space<vmem>>, vector<16xf32>,
        %mul3A_499 = arith.constant 1.000000e-01 : f32
        %mul3A_500 = vector.broadcast %mul3A_499 : f32 to vector<16xf32>
        %mul3A_501 = arith.mulf %add3A_471, %mul3A_500 : vector<16xf32>
        %add3A_502 = arith.constant 16 : i32
        %add3A_503 = arith.addi %mul3A_492, %add3A_502 : i32
        %swap3A_504 = arith.index_cast %add3A_503 : i32 to index
        %swap3A_505 = tpu.vector_load %arg7[%swap3A_504] {strides = array<i32>} : memref<32768xf32, #tpu.memory_space<vmem>>, vector<16xf32>,
        tpu.vector_store %arg7[%swap3A_504], %mul3A_501 {strides = array<i32>} : memref<32768xf32, #tpu.memory_space<vmem>>, vector<16xf32>,
        %mul3A_506 = arith.constant 1.000000e-01 : f32
        %mul3A_507 = vector.broadcast %mul3A_506 : f32 to vector<16xf32>
        %mul3A_508 = arith.mulf %add3A_479, %mul3A_507 : vector<16xf32>
        %add3A_509 = arith.constant 32 : i32
        %add3A_510 = arith.addi %mul3A_492, %add3A_509 : i32
        %swap3A_511 = arith.index_cast %add3A_510 : i32 to index
        %swap3A_512 = tpu.vector_load %arg7[%swap3A_511] {strides = array<i32>} : memref<32768xf32, #tpu.memory_space<vmem>>, vector<16xf32>,
        tpu.vector_store %arg7[%swap3A_511], %mul3A_508 {strides = array<i32>} : memref<32768xf32, #tpu.memory_space<vmem>>, vector<16xf32>,
        %mul3A_513 = arith.constant 1.000000e-01 : f32
        %mul3A_514 = vector.broadcast %mul3A_513 : f32 to vector<16xf32>
        %mul3A_515 = arith.mulf %add3A_487, %mul3A_514 : vector<16xf32>
        %add3A_516 = arith.constant 48 : i32
        %add3A_517 = arith.addi %mul3A_492, %add3A_516 : i32
        %swap3A_518 = arith.index_cast %add3A_517 : i32 to index
        %swap3A_519 = tpu.vector_load %arg7[%swap3A_518] {strides = array<i32>} : memref<32768xf32, #tpu.memory_space<vmem>>, vector<16xf32>,
        tpu.vector_store %arg7[%swap3A_518], %mul3A_515 {strides = array<i32>} : memref<32768xf32, #tpu.memory_space<vmem>>, vector<16xf32>,
      }
      %scan3A_177 = arith.constant 32 : i32
    }
    %scan3A_68 = arith.constant 8 : i32
    %mul3A_69 = arith.constant 64 : i32
    %mul3A_70 = arith.muli %mul3A_2, %mul3A_69 : i32
    "tpu.region"() ({
      %run_scoped3A = tpu.sem_alloc : memref<!tpu.dma_semaphore, #tpu.memory_space<semaphore_mem>>
      %dma_start3A_71 = tpu.memref_slice %arg4[%mul3A_70] : memref<1048576xf32, #tpu.memory_space<hbm>> -> memref<32768xf32, #tpu.memory_space<hbm>>
      %dma_start3A_72 = tpu.memref_slice %arg4[%mul3A_70] : memref<1048576xf32, #tpu.memory_space<hbm>> -> memref<32768xf32, #tpu.memory_space<hbm>>
      tpu.enqueue_dma source(%arg7 : memref<32768xf32, #tpu.memory_space<vmem>>) target(%dma_start3A_72 : memref<32768xf32, #tpu.memory_space<hbm>>) target_semaphore(%run_scoped3A : memref<!tpu.dma_semaphore, #tpu.memory_space<semaphore_mem>>)
      %dma_wait3A = tpu.memref_slice %arg4[%mul3A_70] : memref<1048576xf32, #tpu.memory_space<hbm>> -> memref<32768xf32, #tpu.memory_space<hbm>>
      %dma_wait3A_73 = tpu.memref_slice %arg4[%mul3A_70] : memref<1048576xf32, #tpu.memory_space<hbm>> -> memref<32768xf32, #tpu.memory_space<hbm>>
      tpu.wait_dma2 semaphore(%run_scoped3A : memref<!tpu.dma_semaphore, #tpu.memory_space<semaphore_mem>>) src(%arg7 : memref<32768xf32, #tpu.memory_space<vmem>>) dst(%dma_wait3A_73 : memref<32768xf32, #tpu.memory_space<hbm>>)
      tpu.yield
    }) : () -> ()
    return
  }
}

module attributes {stable_mosaic.version = 14 : i64} {
  func.func @_loss_body(%arg0: memref<768x128xf32, #tpu.memory_space<vmem>>, %arg1: memref<1x1xf32, #tpu.memory_space<smem>>) attributes {dimension_semantics = [], scalar_prefetch = 0 : i64, scratch_operands = 0 : i64, tpu.core_type = #tpu.core_type<tc>} {
    %get3A = arith.constant 0 : index
    %get3A_0 = arith.constant 0 : index
    %get3A_1 = vector.load %arg0[%get3A, %get3A_0] : memref<768x128xf32, #tpu.memory_space<vmem>>, vector<768x128xf32>
    %neg3A = arith.constant 0.000000e+00 : f32
    %neg3A_2 = vector.broadcast %neg3A : f32 to vector<768x128xf32>
    %neg3A_3 = arith.subf %neg3A_2, %get3A_1 : vector<768x128xf32>
    %custom_jvp_call3A = arith.constant 0.000000e+00 : f32
    %max3A = vector.broadcast %custom_jvp_call3A : f32 to vector<768x128xf32>
    %max3A_4 = arith.maximumf %neg3A_3, %max3A : vector<768x128xf32>
    %sub3A = vector.broadcast %custom_jvp_call3A : f32 to vector<768x128xf32>
    %sub3A_5 = arith.subf %neg3A_3, %sub3A : vector<768x128xf32>
    %ne3A = arith.cmpf one, %sub3A_5, %sub3A_5 : vector<768x128xf32>
    %add3A = vector.broadcast %custom_jvp_call3A : f32 to vector<768x128xf32>
    %add3A_6 = arith.addf %neg3A_3, %add3A : vector<768x128xf32>
    %abs3A = math.absf %sub3A_5 : vector<768x128xf32>
    %neg3A_7 = arith.constant 0.000000e+00 : f32
    %neg3A_8 = vector.broadcast %neg3A_7 : f32 to vector<768x128xf32>
    %neg3A_9 = arith.subf %neg3A_8, %abs3A : vector<768x128xf32>
    %exp3A = math.exp %neg3A_9 : vector<768x128xf32>
    %log1p3A = math.log1p %exp3A : vector<768x128xf32>
    %add3A_10 = arith.addf %max3A_4, %log1p3A : vector<768x128xf32>
    %select_n3A = arith.select %ne3A, %add3A_6, %add3A_10 : vector<768x128xi1>, vector<768x128xf32>
    %neg3A_11 = arith.constant 0.000000e+00 : f32
    %neg3A_12 = vector.broadcast %neg3A_11 : f32 to vector<768x128xf32>
    %neg3A_13 = arith.subf %neg3A_12, %select_n3A : vector<768x128xf32>
    %reduce_sum3A = vector.shape_cast %neg3A_13 : vector<768x128xf32> to vector<1x768x128xf32>
    %reduce_sum3A_14 = arith.constant dense<0.000000e+00> : vector<1xf32>
    %reduce_sum3A_15 = vector.multi_reduction <add>, %reduce_sum3A, %reduce_sum3A_14 [1, 2] : vector<1x768x128xf32> to vector<1xf32>
    %reduce_sum3A_16 = vector.shape_cast %reduce_sum3A_15 : vector<1xf32> to vector<1x1x1xf32>
    %reduce_sum3A_17 = vector.extract %reduce_sum3A_16[0, 0, 0] : f32 from vector<1x1x1xf32>
    %neg3A_18 = arith.constant 0.000000e+00 : f32
    %neg3A_19 = arith.subf %neg3A_18, %reduce_sum3A_17 : f32
    %swap3A = arith.constant 0 : index
    %swap3A_20 = arith.constant 0 : index
    %swap3A_21 = memref.load %arg1[%swap3A, %swap3A_20] : memref<1x1xf32, #tpu.memory_space<smem>>
    memref.store %neg3A_19, %arg1[%swap3A, %swap3A_20] : memref<1x1xf32, #tpu.memory_space<smem>>
    return
  }
}

</mosaic_0001>

<sc_bundles>
// kernel: kernel.5.cloned.1.call-start
scs
__scs_entry_jumppad:
0x0: {  	(pc) =	sbr.rel $0x88, $3  }
0x1: {  	(tag) =	ssettag $0x0;
	lr =	simm.s32 $0x1  }
0x2: {  	[smem:$0x3F9C] =	sst lr;
	_ =	strace $0xD0000000  }
0x3: {  	_ = 	snop  }
0x4: {  	_ = 	snop  }
0x5: {  	_ = 	snop  }
0x6: {  	_ = 	snop  }
0x7: {  	_ = 	snop  }
__scs_overlays_trampoline_lowered:
0x8: {  	[smem:$0x3FAB] =	sst s0  }
0x9: {  	[smem:$0x3FAC] =	sst s1  }
0xa: {  	[smem:$0x3FAD] =	sst s2  }
0xb: {  	[smem:$0x3FAE] =	sst s3  }
0xc: {  	[smem:$0x3FAF] =	sst s4  }
0xd: {  	[smem:$0x3FB0] =	sst s5  }
0xe: {  	[smem:$0x3FB1] =	sst s6  }
0xf: {  	[smem:$0x3FB2] =	sst s7  }
0x10: {  	[smem:$0x3FB3] =	sst s8  }
0x11: {  	[smem:$0x3FB4] =	sst s9;
	s0 =	simm.s32 @!p0 $0x0  }
0x12: {  	s1 =	sld [smem:$0x3F9A];
	s0 =	simm.s32 @p0 $0x1  }
0x13: {  	[smem:$0x3FB5] =	sst s0;
	s0 =	simm.s32 @!p1 $0x0  }
0x14: {  	s2 =	sld [smem:$0x3F99];
	s0 =	simm.s32 @p1 $0x1  }
0x15: {  	[smem:$0x3FB6] =	sst s0;
	s0 =	simm.s32 @!p2 $0x0  }
0x16: {  	s3 =	sld [smem:$0x3FDB];
	s0 =	simm.s32 @p2 $0x1  }
0x17: {  	s4 =	simm.s32 $0x1BF5;
	[smem:$0x3FB8] =	sst s0  }
0x18: {  	s0 =	sld [smem:$0x3F9B];
	_ =	swait.ge [sflag:s4], $0x0  }
0x19: {  	s7 =	sld [smem:$0x3F9C]  }
0x1a: {  	s8 =	sadd.s32 $0xFFFFE003, lr  }
0x1b: {  	s9 =	sadd.s32 $0xFFFFFEF7, lr;
	s5 =	simm.s32 $0xFFFFFFFF;
	p2 =	slt.u32 s8, $0xFFFFF086  }
0x1c: {  	p1 =	slt.u32 s9, $0xF7A;
	s5 =	simm.s32 @!p2 $0x0  }
0x1d: {  	s5 =	simm.s32 @p1 $0x1;
	p0 =	seq.s32 s7, s2  }
0x1e: {  	s7 =	smul.u32 @!p0 $0xF7A, s2;
	p2 =	seq.s32 @!p0 s5, $0x0  }
0x1f: {  	s9 =	smul.u32 $0xF7A, s1;
	s8 =	simm.s32 @!p0 $0x1BF5;
	p2 =	por !p2, p0  }
0x20: {  	[sflag:s8] =	ssyncset.s32 @!p0 $0xFFFFF086;
	s6 =	sadd.s32 @!p0 s3, s7;
	s7 =	simm.s32 @!p0 $0x108  }
0x21: {  	s3 =	sadd.s32 s3, s9;
	s6 =	sadd.s32 @!p0 $0x88, s6;
	s7 =	simm.s32 @p2 $0x1082  }
0x22: {  	[simem:s7], [sflag:s8] =	dma.local @!p0 [hbm:s6], $0xF7A  }
0x23: {  	s9 =	sor.u32 $0xD0000000, s2;
	s6 =	simm.s32 $0x108;
	_ =	swait.ge @!p0 [sflag:s8], $0x0  }
0x24: {  	s3 =	sadd.s32 $0x88, s3;
	s6 =	simm.s32 @!p1 $0x1082;
	[sflag:s4] =	ssyncset.s32 $0xFFFFF086  }
0x25: {  	[simem:s6], [sflag:s4] =	dma.local [hbm:s3], $0xF7A  }
0x26: {  	[smem:$0x3F9C] =	sst s1;
	(tag) =	ssettag s2;
	_ =	strace s9  }
0x27: {  	s1 =	sld [smem:$0x3FAC]  }
0x28: {  	s2 =	sld [smem:$0x3FAD]  }
0x29: {  	s4 =	sld [smem:$0x3FAF]  }
0x2a: {  	p0 =	seq.s32 s5, $0x0;
	s5 =	sld [smem:$0x3FB0]  }
0x2b: {  	s6 =	sld [smem:$0x3FB1]  }
0x2c: {  	s7 =	sld [smem:$0x3FB2]  }
0x2d: {  	s3 =	simm.s32 $0x108;
	s8 =	sld [smem:$0x3FB3]  }
0x2e: {  	s3 =	simm.s32 @!p0 $0x1082;
	s9 =	sld [smem:$0x3FB4]  }
0x2f: {  	lr =	sadd.s32 s0, s3;
	s0 =	sld [smem:$0x3FAB]  }
0x30: {  	s3 =	sld [smem:$0x3FAE]  }
0x31: {  	[smem:$0x3FB7] =	sst s10  }
0x32: {  	s10 =	sld [smem:$0x3FB5];
	_ =	sdelay $0x3  }
0x33: {  	p0 =	seq.s32 s10, $0x1;
	s10 =	sld [smem:$0x3FB7];
	_ =	sdelay $0x3  }
0x34: {  	[smem:$0x3FB7] =	sst s10  }
0x35: {  	s10 =	sld [smem:$0x3FB6];
	_ =	sdelay $0x3  }
0x36: {  	p1 =	seq.s32 s10, $0x1;
	s10 =	sld [smem:$0x3FB7];
	_ =	sdelay $0x3  }
0x37: {  	[smem:$0x3FB7] =	sst s10  }
0x38: {  	s10 =	sld [smem:$0x3FB8]  }
0x39: {  	_ = 	snop;
	(pc) =	sbr.ind lr, $3  }
0x3a: {  	_ = 	snop  }
0x3b: {  	_ = 	snop  }
0x3c: {  	p2 =	seq.s32 s10, $0x1;
	s10 =	sld [smem:$0x3FB7]  }
0x3d: {  	_ =	shalt  }
0x3e: {  	_ =	shalt  }
0x3f: {  	_ =	shalt  }
0x40: {  	_ =	shalt  }
0x41: {  	_ =	shalt  }
0x42: {  	_ =	shalt  }
0x43: {  	_ =	shalt  }
0x44: {  	_ =	shalt  }
0x45: {  	_ =	shalt  }
0x46: {  	_ =	shalt  }
0x47: {  	_ =	shalt  }
0x48: {  	_ =	shalt  }
0x49: {  	_ =	shalt  }
0x4a: {  	_ =	shalt  }
0x4b: {  	_ =	shalt  }
0x4c: {  	_ =	shalt  }
0x4d: {  	_ =	shalt  }
0x4e: {  	_ =	shalt  }
0x4f: {  	_ =	shalt  }
0x50: {  	_ =	shalt  }
0x51: {  	_ =	shalt  }
0x52: {  	_ =	shalt  }
0x53: {  	_ =	shalt  }
0x54: {  	_ =	shalt  }
0x55: {  	_ =	shalt  }
0x56: {  	_ =	shalt  }
0x57: {  	_ =	shalt  }
0x58: {  	_ =	shalt  }
0x59: {  	_ =	shalt  }
0x5a: {  	_ =	shalt  }
0x5b: {  	_ =	shalt  }
0x5c: {  	_ =	shalt  }
0x5d: {  	_ =	shalt  }
0x5e: {  	_ =	shalt  }
0x5f: {  	_ =	shalt  }
0x60: {  	_ =	shalt  }
0x61: {  	_ =	shalt  }
0x62: {  	_ =	shalt  }
0x63: {  	_ =	shalt  }
0x64: {  	_ =	shalt  }
0x65: {  	_ =	shalt  }
0x66: {  	_ =	shalt  }
0x67: {  	_ =	shalt  }
0x68: {  	_ =	shalt  }
0x69: {  	_ =	shalt  }
0x6a: {  	_ =	shalt  }
0x6b: {  	_ =	shalt  }
0x6c: {  	_ =	shalt  }
0x6d: {  	_ =	shalt  }
0x6e: {  	_ =	shalt  }
0x6f: {  	_ =	shalt  }
0x70: {  	_ =	shalt  }
0x71: {  	_ =	shalt  }
0x72: {  	_ =	shalt  }
0x73: {  	_ =	shalt  }
0x74: {  	_ =	shalt  }
0x75: {  	_ =	shalt  }
0x76: {  	_ =	shalt  }
0x77: {  	_ =	shalt  }
0x78: {  	_ =	shalt  }
0x79: {  	_ =	shalt  }
0x7a: {  	_ =	shalt  }
0x7b: {  	_ =	shalt  }
0x7c: {  	_ =	shalt  }
0x7d: {  	_ =	shalt  }
0x7e: {  	_ =	shalt  }
0x7f: {  	_ =	shalt  }
0x80: {  	_ =	shalt  }
0x81: {  	_ =	shalt  }
0x82: {  	_ =	shalt  }
0x83: {  	_ =	shalt  }
0x84: {  	_ =	shalt  }
0x85: {  	_ =	shalt  }
0x86: {  	_ =	shalt  }
0x87: {  	_ =	shalt  }
.Lfunc_end0:
.L_simem_size_0:
called_computation_lowered:
.L_overlay_start_0:
0x88: {  	s2 =	sld [smem:$0x3FD9]  }
0x89: {  	s3 =	sld [smem:$0x3FFE];
	_ =	sdelay $0x1  }
0x8a: {  	s1 =	srdreg.scid  }
0x8b: {  	s0 =	sand.u32 $0x1, s1  }
0x8c: {  	s16 =	sshll.u32 s0, $0xA;
	s2 =	sadd.s32 s3, s2  }
0x8d: {  	s2 =	sadd.s32 s2, s16  }
0x8e: {  	[smem:$0x3FC3] =	sst s2  }
0x8f: {  	_ = 	snop  }
0x90: {  	(tm) =	ssettm $0x1  }
0x91: {  	s17 =	sld [smem:$0x3FFB];
	_ =	sdelay $0x3  }
0x92: {  	_ =	strace s17  }
0x93: {  	s2 =	sld [smem:$0x3FFC];
	_ =	sdelay $0x3  }
0x94: {  	_ =	strace s2  }
0x95: {  	s2 =	sld [smem:$0x3FFD];
	_ =	sdelay $0x3  }
0x96: {  	_ =	strace s2  }
0x97: {  	_ =	strace $0x8FFFFFFF  }
0x98: {  	s18 =	sld [smem:$0x3FDB];
	_ =	sdelay $0x1  }
0x99: {  	s19 =	simm.s32 $_scs_section_size  }
0x9a: {  	s4 =	simm.s32 $_size__tile_overlayer_lowered;
	s5 =	simm.s32 $_tile_overlayer_lowered  }
0x9b: {  	s22 =	simm.s32 $0x1BFF;
	s21 =	sshll.u32 s5, $0x1;
	s2 =	sadd.s32 s19, s18  }
0x9c: {  	s6 =	simm.s32 $0x0;
	s20 =	sshll.u32 s4, $0x1;
	s4 =	sadd.s32 s21, s2  }
0x9d: {  	[timem:s6], [sflag:s22] =	dma.local [hbm:s4], s20  }
0x9e: {  	_ =	swait.ge [sflag:s22], s20  }
0x9f: {  	s3 =	ssub.s32 $0x0, s20;
	[sflag:s22] =	ssyncset.done $0x0  }
0xa0: {  	[sflag:s22] =	ssyncadd.s32 s3;
	_ =	sdelay $0x1  }
0xa1: {  	s23 =	simm.s32 $0x1B8B  }
0xa2: {  	_ =	swait.ge [sflag:s23], $0x1  }
0xa3: {  	[sflag:s23] =	ssyncset.done $0x0  }
0xa4: {  	s25 =	simm.s32 $0x1B8E;
	s24 =	sld [smem:$0x3FFE];
	[sflag:s23] =	ssyncadd.s32 $0xFFFFFFFF  }
0xa5: {  	s26 =	simm.s32 $execute0_lowered;
	[smem:$0x3FD2] =	sst s25  }
0xa6: {  	s4 =	sshll.u32 s26, $0x1;
	_ =	strace $0x80000046;
	[dreg:$0x1] =	wrdreg $0xFFFFFFFF  }
0xa7: {  	s28 =	simm.s32 $_size_execute0_lowered;
	s2 =	sadd.s32 s2, s4;
	[dreg:$0x0] =	wrdreg $0x0  }
0xa8: {  	s4 =	sshll.u32 s28, $0x1;
	[dreg:$0x2] =	wrdreg s2  }
0xa9: {  	[dreg:$0x3] =	wrdreg s4  }
0xaa: {  	[dreg:$0x4] =	wrdreg $0xC0  }
0xab: {  	_ =	task [dreg:s6], $0x5FFFF  }
0xac: {  	[dreg:$0x1] =	wrdreg $0xFFFFFFFF  }
0xad: {  	[dreg:$0x0] =	wrdreg $0x60  }
0xae: {  	[dreg:$0x2] =	wrdreg s24  }
0xaf: {  	[dreg:$0x3] =	wrdreg $0x9  }
0xb0: {  	_ =	task.clear_ibuf [dreg:s6], $0x4FFFF;
	_ =	strace $0x90000046  }
0xb1: {  	s29 =	simm.s32 $0x9;
	_ =	strace $0x80000048  }
0xb2: {  	_ =	swait.ge [sflag:s29], $0x1  }
0xb3: {  	[sflag:s29] =	ssyncadd.s32 $0xFFFFFFFF  }
0xb4: {  	_ =	strace $0x90000048  }
0xb5: {  	_ =	sfence  }
0xb6: {  	s30 =	sld [smem:$0x0];
	_ =	sdelay $0x2  }
0xb7: {  	s31 =	sshll.u32 s1, $0xD;
	s1 =	sshrl.u32 s1, $0x2  }
0xb8: {  	s3 =	sand.u32 $0x4000, s31;
	s1 =	sadd.s32 s1, s30  }
0xb9: {  	s0 =	sor.u32 s3, s0;
	s1 =	sshll.u32 s1, $0x11  }
0xba: {  	s0 =	sor.u32 s1, s0  }
0xbb: {  	s0 =	sadd.s32 $0x8F2B, s0  }
0xbc: {  	[sflag:s0] =	ssyncadd.remote.s32 $0x1  }
0xbd: {  	_ =	sfence.sel $0xFFFF  }
0xbe: {  	[dreg:$0x0] =	wrdreg $0xFFFFFFFF;
	(pc) =	sbr.abs _section_cstart, $3  }
0xbf: {  	[dreg:$0x1] =	wrdreg $0xFFFFFFFF  }
0xc0: {  	_ =	task.clear_ibuf [dreg:s6], $0x2FFFF;
	_ =	strace $0x9FFFFFFF  }
0xc1: {  	(tm) =	ssettm $0x7FFFFFFF  }
tec
execute0_lowered:
.L_overlay_start_1:
0x0: {  	(tag) =	ssettag $0x1  }
0x1: {  	s1 =	srdreg.scid  }
0x2: {  	s0 =	stileid.u32;
	s4 =	rddreg [dreg:$0x0];
	s2 =	simm.s32 $0x0  }
0x3: {  	s7 =	simm.s32 $0x3;
	s8 =	simm.s32 $0x80;
	s9 =	simm.s32 $0x1400  }
0x4: {  	s10 =	simm.s32 $0x3400;
	s11 =	simm.s32 $0x40;
	s12 =	simm.s32 $0x100  }
0x5: {  	s13 =	simm.s32 $0x5400;
	s14 =	simm.s32 $0x140;
	s15 =	simm.s32 $0x6400  }
0x6: {  	s16 =	simm.s32 $0x1C0;
	s17 =	simm.s32 $0x8400;
	s18 =	simm.s32 $0x240  }
0x7: {  	s19 =	simm.s32 $0xA400;
	s20 =	simm.s32 $0x1;
	s21 =	simm.s32 $0x2  }
0x8: {  	s22 =	simm.s32 $0xB400;
	s1 =	sand.u32 $0x1, s1;
	s3 =	sshll.u32 s0, $0x1  }
0x9: {  	s23 =	simm.s32 $0x0;
	[smem:$0x7FF] =	sst s2;
	s3 =	sor.u32 s1, s3  }
0xa: {  	_ =	strace $0x80000047;
	s1 =	ssub.s32 $0x2, s1;
	s5 =	smul.u32 $0x280, s3  }
0xb: {  	s6 =	sshll.u32 s3, $0xC;
	s3 =	sadd.s32 $0xF43600, s4;
	s31 =	sshrl.u32 s1, $0x1  }
0xc: {  	s6 =	sadd.s32 s6, s4;
	s1 =	ssub.s32 s1, s31;
	s5 =	sadd.s32 s5, s4  }
0xd: {  	s4 =	sadd.s32 $0x1000, s5;
	s5 =	sadd.s32 $0x6000, s6;
	s6 =	smax.u32 s1, $0x1  }
.LBB2_1:
0xe: {  	[tilespmem:s2], [sflag:$0x3] =	stream.linear.gather [hbm4b:s4+s2], $0x1400, $0x38;
	[tilespmem:$0x13400] =	vst v63  }
0xf: {  	_ =	swait.ge [sflag:s7], $0x1400  }
0x10: {  	[sflag:s7] =	ssyncset.done $0x0  }
0x11: {  	[sflag:s7] =	ssyncadd.s32 $0xFFFFEC00  }
0x12: {  	[tilespmem:s9], [sflag:$0x1] =	stream.indirect.gather [hbm4b:s3+s8], $0x40, s2, s8, $0xb8;
	[tilespmem:$0x13400] =	vst v63  }
0x13: {  	_ = 	snop  }
0x14: {  	[tilespmem:s10], [sflag:$0x1] =	stream.indirect.gather [hbm4b:s3+s8], $0x40, s8, s8, $0xb8;
	[tilespmem:$0x13400] =	vst v63  }
0x15: {  	_ = 	snop  }
0x16: {  	[tilespmem:s13], [sflag:$0x1] =	stream.indirect.gather [hbm4b:s3+s11], $0x40, s12, s11, $0xb8;
	[tilespmem:$0x13400] =	vst v63  }
0x17: {  	_ = 	snop  }
0x18: {  	[tilespmem:s15], [sflag:$0x2] =	stream.indirect.gather [hbm4b:s3+s8], $0x40, s14, s8, $0xb8;
	[tilespmem:$0x13400] =	vst v63  }
0x19: {  	_ = 	snop  }
0x1a: {  	[tilespmem:s17], [sflag:$0x2] =	stream.indirect.gather [hbm4b:s3+s8], $0x40, s16, s8, $0xb8;
	[tilespmem:$0x13400] =	vst v63  }
0x1b: {  	s24 =	simm.s32 $0xB430;
	s25 =	simm.s32 $0xBC30;
	s26 =	simm.s32 $0x0  }
0x1c: {  	[tilespmem:s19], [sflag:$0x2] =	stream.indirect.gather [hbm4b:s3+s11], $0x40, s18, s11, $0xb8;
	[tilespmem:$0x13400] =	vst v63  }
.LBB2_2:
0x1d: {  	_ =	swait.ge [sflag:s20], $0x2000  }
0x1e: {  	[sflag:s20] =	ssyncset.done $0x0  }
0x1f: {  	[sflag:s20] =	ssyncadd.s32 $0xFFFFE000  }
0x20: {  	_ =	swait.ge [sflag:s20], $0x2000  }
0x21: {  	p0 =	seq.s32 s26, $0x7;
	[sflag:s20] =	ssyncset.done $0x0  }
0x22: {  	s1 =	smul.u32 @!p0 $0xA00, s26;
	[sflag:s20] =	ssyncadd.s32 $0xFFFFE000  }
0x23: {  	_ =	swait.ge [sflag:s20], $0x1000  }
0x24: {  	s29 =	simm.s32 @!p0 $0x80;
	s28 =	sshra.s32 @!p0 s1, $0x2;
	[sflag:s20] =	ssyncset.done $0x0  }
0x25: {  	s30 =	simm.s32 @!p0 $0x1400;
	s1 =	sadd.s32 @!p0 $0x280, s28;
	[sflag:s20] =	ssyncadd.s32 $0xFFFFF000  }
0x26: {  	[tilespmem:s30], [sflag:$0x1] =	stream.indirect.gather @!p0 [hbm4b:s3+s29], $0x40, s1, s29, $0xb8;
	[tilespmem:$0x13400] =	vst v63  }
0x27: {  	s1 =	sadd.s32 @!p0 $0x300, s28;
	s30 =	simm.s32 @!p0 $0x3400  }
0x28: {  	[tilespmem:s30], [sflag:$0x1] =	stream.indirect.gather @!p0 [hbm4b:s3+s29], $0x40, s1, s29, $0xb8;
	[tilespmem:$0x13400] =	vst v63  }
0x29: {  	s1 =	sadd.s32 @!p0 $0x380, s28;
	s29 =	simm.s32 @!p0 $0x40;
	s30 =	simm.s32 @!p0 $0x5400  }
0x2a: {  	[tilespmem:s30], [sflag:$0x1] =	stream.indirect.gather @!p0 [hbm4b:s3+s29], $0x40, s1, s29, $0xb8;
	[tilespmem:$0x13400] =	vst v63  }
0x2b: {  	s29 =	simm.s32 $0x1540  }
0x2c: {  	v1 =	vld [tilespmem:s29+$0x110]  }
0x2d: {  	v2 =	vld [tilespmem:s29+$0x100]  }
0x2e: {  	v3 =	vld [tilespmem:s29+$0xD0]  }
0x2f: {  	v0 =	vld [tilespmem:s29+$0xC0]  }
0x30: {  	v4 =	vld [tilespmem:s29+$0x90]  }
0x31: {  	v5 =	vld [tilespmem:s29+$0x80]  }
0x32: {  	v6 =	vld [tilespmem:s29+$0x50]  }
0x33: {  	v7 =	vld [tilespmem:s29+$0x40]  }
0x34: {  	v8 =	vld [tilespmem:s29+$0x10]  }
0x35: {  	v9 =	vld [tilespmem:s29+$0x0]  }
0x36: {  	v10 =	vld [tilespmem:s29+$0xFFFFFFD0]  }
0x37: {  	v11 =	vld [tilespmem:s29+$0xFFFFFFC0]  }
0x38: {  	v12 =	vld [tilespmem:s29+$0xFFFFFF90]  }
0x39: {  	v13 =	vld [tilespmem:s29+$0xFFFFFF80]  }
0x3a: {  	v14 =	vld [tilespmem:s29+$0xFFFFFF50]  }
0x3b: {  	v15 =	vld [tilespmem:s29+$0xFFFFFF30]  }
0x3c: {  	v16 =	vld [tilespmem:s29+$0xFFFFFF40]  }
0x3d: {  	v17 =	vld [tilespmem:s29+$0xFFFFFF20]  }
0x3e: {  	v18 =	vld [tilespmem:s29+$0xFFFFFF10]  }
0x3f: {  	v19 =	vld [tilespmem:s29+$0xFFFFFEC0]  }
0x40: {  	v20 =	vld [tilespmem:s29+$0xFFFFFF00]  }
0x41: {  	v21 =	vld [tilespmem:s29+$0xFFFFFED0]  }
0x42: {  	v22 =	vld [tilespmem:s29+$0xFFFFFEE0]  }
0x43: {  	v23 =	vld [tilespmem:s29+$0xFFFFFEF0]  }
0x44: {  	v24 =	vld [tilespmem:s29+$0xFFFFFF60]  }
0x45: {  	v48 =	vld [tilespmem:s29+$0xFFFFFF70];
	v19 =	vadd.f32 v20, v19  }
0x46: {  	v49 =	vld [tilespmem:s29+$0xFFFFFFA0];
	v18 =	vadd.f32 v18, v21  }
0x47: {  	v50 =	vld [tilespmem:s29+$0xFFFFFFB0];
	v17 =	vadd.f32 v17, v22;
	v16 =	vadd.f32 v16, v19  }
0x48: {  	v51 =	vld [tilespmem:s29+$0xFFFFFFE0];
	v15 =	vadd.f32 v15, v23;
	v14 =	vadd.f32 v14, v18  }
0x49: {  	v52 =	vld [tilespmem:s29+$0xFFFFFFF0];
	v17 =	vadd.f32 v24, v17;
	v13 =	vadd.f32 v13, v16  }
0x4a: {  	v53 =	vld [tilespmem:s29+$0x20];
	v15 =	vadd.f32 v48, v15;
	v12 =	vadd.f32 v12, v14  }
0x4b: {  	v54 =	vld [tilespmem:s29+$0x30];
	v17 =	vadd.f32 v49, v17;
	v11 =	vadd.f32 v11, v13  }
0x4c: {  	v55 =	vld [tilespmem:s29+$0x60];
	v15 =	vadd.f32 v50, v15;
	v10 =	vadd.f32 v10, v12  }
0x4d: {  	v56 =	vld [tilespmem:s29+$0x70];
	v17 =	vadd.f32 v51, v17;
	v9 =	vadd.f32 v9, v11  }
0x4e: {  	v57 =	vld [tilespmem:s29+$0xA0];
	v15 =	vadd.f32 v52, v15;
	v8 =	vadd.f32 v8, v10  }
0x4f: {  	v58 =	vld [tilespmem:s29+$0xB0];
	v14 =	vadd.f32 v53, v17;
	v7 =	vadd.f32 v7, v9  }
0x50: {  	v59 =	vld [tilespmem:s29+$0xE0];
	v13 =	vadd.f32 v54, v15;
	v6 =	vadd.f32 v6, v8  }
0x51: {  	v60 =	vld [tilespmem:s29+$0xF0];
	v12 =	vadd.f32 v55, v14;
	v5 =	vadd.f32 v5, v7  }
0x52: {  	v61 =	vld [tilespmem:s29+$0x120];
	v11 =	vadd.f32 v56, v13;
	v4 =	vadd.f32 v4, v6  }
0x53: {  	v10 =	vadd.f32 v57, v12;
	v5 =	vadd.f32 v0, v5  }
0x54: {  	v62 =	vld [tilespmem:s29+$0x130];
	v9 =	vadd.f32 v58, v11;
	v0 =	vmov s24;
	v3 =	vadd.f32 v3, v4  }
0x55: {  	v63 =	vadd.f32 v59, v10;
	v2 =	vadd.f32 v2, v5  }
0x56: {  	v1 =	vadd.f32 v1, v3  }
0x57: {  	v3 =	vadd.f32 v60, v9;
	v4 =	vadd.f32 v61, v63;
	v2 =	vmul.f32 $1.000000010e-01, v2  }
0x58: {  	s1 =	simm.s32 $0x0;
	v1 =	vmul.f32 $1.000000010e-01, v1  }
0x59: {  	v3 =	vadd.f32 v62, v3;
	[tilespmem:v0+s1+$0xFFFFFFD0 ss:$0x1] =	vst.idx.msk $0xffff, v2;
	v2 =	vmul.f32 $1.000000010e-01, v4  }
0x5a: {  	[tilespmem:v0+s1+$0xFFFFFFE0 ss:$0x1] =	vst.idx.msk $0xffff, v1  }
0x5b: {  	s30 =	simm.s32 $0x100;
	v1 =	vmul.f32 $1.000000010e-01, v3;
	[tilespmem:v0+s1+$0xFFFFFFF0 ss:$0x1] =	vst.idx.msk $0xffff, v2  }
.LBB2_3:
0x5c: {  	p1 =	sne.s32 s30, $0x1F00  }
0x5d: {  	[tilespmem:v0+s1+$0x0 ss:$0x1] =	vst.idx.msk $0xffff, v1;
	s29 =	sadd.s32 $0x280, s29;
	s31 =	smov.u32 s30;
	s30 =	sadd.s32 $0x100, s30  }
0x5e: {  	v1 =	vld [tilespmem:s29+$0x110]  }
0x5f: {  	v2 =	vld [tilespmem:s29+$0x100]  }
0x60: {  	v3 =	vld [tilespmem:s29+$0xD0]  }
0x61: {  	v4 =	vld [tilespmem:s29+$0xC0]  }
0x62: {  	v5 =	vld [tilespmem:s29+$0x90]  }
0x63: {  	v6 =	vld [tilespmem:s29+$0x80]  }
0x64: {  	v7 =	vld [tilespmem:s29+$0x50]  }
0x65: {  	v8 =	vld [tilespmem:s29+$0x40]  }
0x66: {  	v9 =	vld [tilespmem:s29+$0x10]  }
0x67: {  	v10 =	vld [tilespmem:s29+$0x0]  }
0x68: {  	v11 =	vld [tilespmem:s29+$0xFFFFFFD0]  }
0x69: {  	v12 =	vld [tilespmem:s29+$0xFFFFFFC0]  }
0x6a: {  	v13 =	vld [tilespmem:s29+$0xFFFFFF90]  }
0x6b: {  	v14 =	vld [tilespmem:s29+$0xFFFFFF80]  }
0x6c: {  	v15 =	vld [tilespmem:s29+$0xFFFFFF50]  }
0x6d: {  	v16 =	vld [tilespmem:s29+$0xFFFFFF30]  }
0x6e: {  	v17 =	vld [tilespmem:s29+$0xFFFFFF40]  }
0x6f: {  	v18 =	vld [tilespmem:s29+$0xFFFFFF20]  }
0x70: {  	v19 =	vld [tilespmem:s29+$0xFFFFFF10]  }
0x71: {  	v20 =	vld [tilespmem:s29+$0xFFFFFEC0]  }
0x72: {  	v21 =	vld [tilespmem:s29+$0xFFFFFF00]  }
0x73: {  	v22 =	vld [tilespmem:s29+$0xFFFFFED0]  }
0x74: {  	v23 =	vld [tilespmem:s29+$0xFFFFFEE0]  }
0x75: {  	v24 =	vld [tilespmem:s29+$0xFFFFFEF0]  }
0x76: {  	v25 =	vld [tilespmem:s29+$0xFFFFFF60]  }
0x77: {  	v20 =	vadd.f32 v21, v20;
	v21 =	vld [tilespmem:s29+$0xFFFFFF70]  }
0x78: {  	v19 =	vadd.f32 v19, v22;
	v22 =	vld [tilespmem:s29+$0xFFFFFFA0]  }
0x79: {  	v18 =	vadd.f32 v18, v23;
	v17 =	vadd.f32 v17, v20;
	v20 =	vld [tilespmem:s29+$0xFFFFFFB0]  }
0x7a: {  	v16 =	vadd.f32 v16, v24;
	v15 =	vadd.f32 v15, v19;
	v19 =	vld [tilespmem:s29+$0xFFFFFFE0]  }
0x7b: {  	v18 =	vadd.f32 v25, v18;
	v14 =	vadd.f32 v14, v17;
	v17 =	vld [tilespmem:s29+$0xFFFFFFF0]  }
0x7c: {  	v16 =	vadd.f32 v21, v16;
	v13 =	vadd.f32 v13, v15;
	v15 =	vld [tilespmem:s29+$0x20]  }
0x7d: {  	v18 =	vadd.f32 v22, v18;
	v12 =	vadd.f32 v12, v14;
	v14 =	vld [tilespmem:s29+$0x30]  }
0x7e: {  	v16 =	vadd.f32 v20, v16;
	v11 =	vadd.f32 v11, v13;
	v13 =	vld [tilespmem:s29+$0x60]  }
0x7f: {  	v18 =	vadd.f32 v19, v18;
	v10 =	vadd.f32 v10, v12;
	v12 =	vld [tilespmem:s29+$0x70]  }
0x80: {  	v16 =	vadd.f32 v17, v16;
	v9 =	vadd.f32 v9, v11;
	v11 =	vld [tilespmem:s29+$0xA0]  }
0x81: {  	v15 =	vadd.f32 v15, v18;
	v8 =	vadd.f32 v8, v10;
	v10 =	vld [tilespmem:s29+$0xB0]  }
0x82: {  	v14 =	vadd.f32 v14, v16;
	v7 =	vadd.f32 v7, v9;
	v9 =	vld [tilespmem:s29+$0xE0]  }
0x83: {  	v13 =	vadd.f32 v13, v15;
	v6 =	vadd.f32 v6, v8;
	v8 =	vld [tilespmem:s29+$0xF0]  }
0x84: {  	v12 =	vadd.f32 v12, v14;
	v5 =	vadd.f32 v5, v7;
	v7 =	vld [tilespmem:s29+$0x120]  }
0x85: {  	v11 =	vadd.f32 v11, v13;
	v4 =	vadd.f32 v4, v6;
	v6 =	vld [tilespmem:s29+$0x130]  }
0x86: {  	v10 =	vadd.f32 v10, v12;
	v3 =	vadd.f32 v3, v5  }
0x87: {  	v5 =	vadd.f32 v9, v11;
	v2 =	vadd.f32 v2, v4  }
0x88: {  	v4 =	vadd.f32 v8, v10;
	v1 =	vadd.f32 v1, v3  }
.Ltmp0:
0x89: {  	v3 =	vadd.f32 v7, v5;
	v2 =	vmul.f32 $1.000000010e-01, v2;
	(pc) =	sbr.rel @p1 .LBB2_3-.Ltmp0, $4  }
0x8a: {  	s1 =	sshra.s32 s31, $0x2;
	v4 =	vadd.f32 v6, v4;
	v1 =	vmul.f32 $1.000000010e-01, v1  }
0x8b: {  	[tilespmem:v0+s1+$0xFFFFFFD0 ss:$0x1] =	vst.idx.msk $0xffff, v2;
	v2 =	vmul.f32 $1.000000010e-01, v3  }
0x8c: {  	[tilespmem:v0+s1+$0xFFFFFFE0 ss:$0x1] =	vst.idx.msk $0xffff, v1;
	v1 =	vmul.f32 $1.000000010e-01, v4  }
0x8d: {  	[tilespmem:v0+s1+$0xFFFFFFF0 ss:$0x1] =	vst.idx.msk $0xffff, v2  }
0x8e: {  	_ =	sdelay $0x3  }
0x8f: {  	[tilespmem:v0+s1+$0x0 ss:$0x1] =	vst.idx.msk $0xffff, v1  }
0x90: {  	_ =	swait.ge [sflag:s21], $0x2000  }
0x91: {  	[sflag:s21] =	ssyncset.done $0x0  }
0x92: {  	[sflag:s21] =	ssyncadd.s32 $0xFFFFE000  }
0x93: {  	_ =	swait.ge [sflag:s21], $0x2000  }
0x94: {  	[sflag:s21] =	ssyncset.done $0x0  }
0x95: {  	[sflag:s21] =	ssyncadd.s32 $0xFFFFE000  }
0x96: {  	_ =	swait.ge [sflag:s21], $0x1000  }
0x97: {  	s1 =	sadd.s32 @!p0 $0x3C0, s28;
	[sflag:s21] =	ssyncset.done $0x0  }
0x98: {  	s29 =	simm.s32 @!p0 $0x80;
	s30 =	simm.s32 @!p0 $0x6400;
	[sflag:s21] =	ssyncadd.s32 $0xFFFFF000  }
0x99: {  	[tilespmem:s30], [sflag:$0x2] =	stream.indirect.gather @!p0 [hbm4b:s3+s29], $0x40, s1, s29, $0xb8;
	[tilespmem:$0x13400] =	vst v63  }
0x9a: {  	s1 =	sadd.s32 @!p0 $0x440, s28;
	s30 =	simm.s32 @!p0 $0x8400  }
0x9b: {  	[tilespmem:s30], [sflag:$0x2] =	stream.indirect.gather @!p0 [hbm4b:s3+s29], $0x40, s1, s29, $0xb8;
	[tilespmem:$0x13400] =	vst v63  }
0x9c: {  	s1 =	sadd.s32 @!p0 $0x4C0, s28;
	s28 =	simm.s32 @!p0 $0x40;
	s29 =	simm.s32 @!p0 $0xA400  }
0x9d: {  	[tilespmem:s29], [sflag:$0x2] =	stream.indirect.gather @!p0 [hbm4b:s3+s28], $0x40, s1, s28, $0xb8;
	[tilespmem:$0x13400] =	vst v63  }
0x9e: {  	s29 =	simm.s32 $0x0  }
0x9f: {  	v1 =	vld [tilespmem:s29+$0x65B0]  }
0xa0: {  	v0 =	vld [tilespmem:s29+$0x6560]  }
0xa1: {  	v2 =	vld [tilespmem:s29+$0x6520]  }
0xa2: {  	v3 =	vld [tilespmem:s29+$0x6500]  }
0xa3: {  	v4 =	vld [tilespmem:s29+$0x6570]  }
0xa4: {  	v5 =	vld [tilespmem:s29+$0x64E0]  }
0xa5: {  	v6 =	vld [tilespmem:s29+$0x6530]  }
0xa6: {  	v7 =	vld [tilespmem:s29+$0x6510]  }
0xa7: {  	v8 =	vld [tilespmem:s29+$0x64C0]  }
0xa8: {  	v9 =	vld [tilespmem:s29+$0x6480]  }
0xa9: {  	v11 =	vld [tilespmem:s29+$0x64F0]  }
0xaa: {  	v12 =	vld [tilespmem:s29+$0x64D0]  }
0xab: {  	v10 =	vld [tilespmem:s29+$0x64A0]  }
0xac: {  	v13 =	vld [tilespmem:s29+$0x6490]  }
0xad: {  	v16 =	vld [tilespmem:s29+$0x64B0]  }
0xae: {  	v15 =	vld [tilespmem:s29+$0x6440]  }
0xaf: {  	v14 =	vld [tilespmem:s29+$0x6460]  }
0xb0: {  	s31 =	smov.u32 s25;
	s30 =	simm.s32 $0xA00;
	s28 =	smov.u32 s25;
	v17 =	vld [tilespmem:s29+$0x6470]  }
.LBB2_5:
0xb1: {  	p0 =	sne.s32 s30, $0x13600  }
0xb2: {  	v18 =	vld [tilespmem:s29+$0x6450];
	s31 =	sadd.s32 $0x40, s31;
	s1 =	smov.u32 s30;
	s30 =	sadd.s32 $0xA00, s30  }
0xb3: {  	v19 =	vld [tilespmem:s29+$0x6430]  }
0xb4: {  	v20 =	vld [tilespmem:s29+$0x6410]  }
0xb5: {  	v21 =	vld [tilespmem:s29+$0x6400]  }
0xb6: {  	v22 =	vld [tilespmem:s29+$0x6420]  }
0xb7: {  	v23 =	vld [tilespmem:s29+$0x65C0]  }
0xb8: {  	v17 =	vadd.f32 v17, v19;
	v19 =	vld [tilespmem:s29+$0x65F0]  }
0xb9: {  	v18 =	vadd.f32 v18, v20;
	v20 =	vld [tilespmem:s29+$0x6620]  }
0xba: {  	v16 =	vadd.f32 v16, v17;
	v17 =	vld [tilespmem:s29+$0x6630]  }
0xbb: {  	v15 =	vadd.f32 v15, v21;
	v13 =	vadd.f32 v13, v18;
	v18 =	vld [tilespmem:s29+$0x6600]  }
0xbc: {  	v14 =	vadd.f32 v14, v22;
	v21 =	vld [tilespmem:s29+$0x6610]  }
0xbd: {  	v11 =	vadd.f32 v11, v16;
	v12 =	vadd.f32 v12, v13;
	v13 =	vld [tilespmem:s29+$0x6540]  }
0xbe: {  	v9 =	vadd.f32 v9, v15;
	v10 =	vadd.f32 v10, v14;
	v14 =	vld [tilespmem:s29+$0x6550]  }
0xbf: {  	v6 =	vadd.f32 v6, v11;
	v7 =	vadd.f32 v7, v12;
	v11 =	vld [tilespmem:s29+$0x6580]  }
0xc0: {  	v8 =	vadd.f32 v8, v9;
	v5 =	vadd.f32 v5, v10;
	v9 =	vld [tilespmem:s29+$0x6590]  }
0xc1: {  	v4 =	vadd.f32 v4, v6;
	v6 =	vld [tilespmem:s29+$0x65A0]  }
0xc2: {  	v3 =	vadd.f32 v3, v8;
	v2 =	vadd.f32 v2, v5;
	v5 =	vld [tilespmem:s29+$0x65D0]  }
0xc3: {  	v1 =	vadd.f32 v1, v4;
	v7 =	vadd.f32 v14, v7;
	v4 =	vld [tilespmem:s29+$0x65E0]  }
0xc4: {  	v3 =	vadd.f32 v13, v3;
	v0 =	vadd.f32 v0, v2;
	v2 =	vld [tilespmem:s29+$0x6670]  }
0xc5: {  	v1 =	vadd.f32 v19, v1;
	v7 =	vadd.f32 v9, v7;
	v8 =	vld [tilespmem:s29+$0x6660]  }
0xc6: {  	v3 =	vadd.f32 v11, v3;
	v0 =	vadd.f32 v6, v0;
	v6 =	vld [tilespmem:s29+$0x6650]  }
0xc7: {  	v1 =	vadd.f32 v17, v1;
	v5 =	vadd.f32 v5, v7;
	v7 =	vld [tilespmem:s29+$0x6640]  }
0xc8: {  	v3 =	vadd.f32 v23, v3;
	v0 =	vadd.f32 v4, v0  }
0xc9: {  	v4 =	vadd.f32 v21, v5;
	v1 =	vadd.f32 v2, v1  }
0xca: {  	s29 =	sshra.s32 s1, $0x2;
	v2 =	vadd.f32 v18, v3;
	v0 =	vadd.f32 v20, v0  }
0xcb: {  	v3 =	vadd.f32 v6, v4;
	v1 =	vmul.f32 $1.000000010e-01, v1  }
0xcc: {  	v2 =	vadd.f32 v7, v2;
	v0 =	vadd.f32 v8, v0  }
0xcd: {  	v3 =	vmul.f32 $1.000000010e-01, v3;
	[tilespmem:s28+$0x0] =	vst v1  }
0xce: {  	v1 =	vmul.f32 $1.000000010e-01, v2;
	v0 =	vmul.f32 $1.000000010e-01, v0  }
0xcf: {  	[tilespmem:s28+$0xFFFFFFE0] =	vst v3  }
0xd0: {  	[tilespmem:s28+$0xFFFFFFD0] =	vst v1  }
0xd1: {  	[tilespmem:s28+$0xFFFFFFF0] =	vst v0;
	s28 =	smov.u32 s31  }
0xd2: {  	v1 =	vld [tilespmem:s29+$0x65B0]  }
0xd3: {  	v0 =	vld [tilespmem:s29+$0x6560]  }
0xd4: {  	v2 =	vld [tilespmem:s29+$0x6520]  }
0xd5: {  	v3 =	vld [tilespmem:s29+$0x6500]  }
0xd6: {  	v4 =	vld [tilespmem:s29+$0x6570]  }
0xd7: {  	v5 =	vld [tilespmem:s29+$0x64E0]  }
0xd8: {  	v6 =	vld [tilespmem:s29+$0x6530]  }
0xd9: {  	v7 =	vld [tilespmem:s29+$0x6510]  }
0xda: {  	v8 =	vld [tilespmem:s29+$0x64C0]  }
0xdb: {  	v9 =	vld [tilespmem:s29+$0x6480]  }
0xdc: {  	v11 =	vld [tilespmem:s29+$0x64F0]  }
0xdd: {  	v12 =	vld [tilespmem:s29+$0x64D0]  }
0xde: {  	v10 =	vld [tilespmem:s29+$0x64A0]  }
.Ltmp1:
0xdf: {  	v13 =	vld [tilespmem:s29+$0x6490];
	(pc) =	sbr.rel @p0 .LBB2_5-.Ltmp1, $4  }
0xe0: {  	v16 =	vld [tilespmem:s29+$0x64B0]  }
0xe1: {  	v15 =	vld [tilespmem:s29+$0x6440]  }
0xe2: {  	v14 =	vld [tilespmem:s29+$0x6460]  }
0xe3: {  	v17 =	vld [tilespmem:s29+$0x6470]  }
0xe4: {  	v18 =	vld [tilespmem:s29+$0x6450]  }
0xe5: {  	v19 =	vld [tilespmem:s29+$0x6430]  }
0xe6: {  	v20 =	vld [tilespmem:s29+$0x6410]  }
0xe7: {  	v21 =	vld [tilespmem:s29+$0x6400]  }
0xe8: {  	v22 =	vld [tilespmem:s29+$0x6420]  }
0xe9: {  	v23 =	vld [tilespmem:s29+$0x65C0]  }
0xea: {  	v24 =	vld [tilespmem:s29+$0x65F0]  }
0xeb: {  	v44 =	vld [tilespmem:s29+$0x6620];
	v17 =	vadd.f32 v17, v19  }
0xec: {  	v45 =	vld [tilespmem:s29+$0x6630];
	v18 =	vadd.f32 v18, v20  }
0xed: {  	v46 =	vld [tilespmem:s29+$0x6600];
	v15 =	vadd.f32 v15, v21;
	v16 =	vadd.f32 v16, v17  }
0xee: {  	v47 =	vld [tilespmem:s29+$0x6540];
	v14 =	vadd.f32 v14, v22;
	v13 =	vadd.f32 v13, v18  }
0xef: {  	v48 =	vld [tilespmem:s29+$0x6550];
	v9 =	vadd.f32 v9, v15;
	v11 =	vadd.f32 v11, v16  }
0xf0: {  	v49 =	vld [tilespmem:s29+$0x6580];
	v10 =	vadd.f32 v10, v14;
	v12 =	vadd.f32 v12, v13  }
0xf1: {  	v50 =	vld [tilespmem:s29+$0x6590];
	v8 =	vadd.f32 v8, v9;
	v6 =	vadd.f32 v6, v11  }
0xf2: {  	v51 =	vld [tilespmem:s29+$0x65A0];
	v5 =	vadd.f32 v5, v10;
	v7 =	vadd.f32 v7, v12  }
0xf3: {  	v52 =	vld [tilespmem:s29+$0x65D0];
	v3 =	vadd.f32 v3, v8;
	v4 =	vadd.f32 v4, v6  }
0xf4: {  	v53 =	vld [tilespmem:s29+$0x6610];
	v2 =	vadd.f32 v2, v5;
	v54 =	vadd.f32 v48, v7  }
0xf5: {  	v55 =	vld [tilespmem:s29+$0x65E0];
	v3 =	vadd.f32 v47, v3;
	v1 =	vadd.f32 v1, v4  }
0xf6: {  	v56 =	vld [tilespmem:s29+$0x6670];
	v0 =	vadd.f32 v0, v2;
	v5 =	vadd.f32 v50, v54  }
0xf7: {  	v57 =	vld [tilespmem:s29+$0x6650];
	v3 =	vadd.f32 v49, v3;
	v1 =	vadd.f32 v24, v1  }
0xf8: {  	v58 =	vld [tilespmem:s29+$0x6640];
	v0 =	vadd.f32 v51, v0;
	v5 =	vadd.f32 v52, v5  }
0xf9: {  	v59 =	vld [tilespmem:s29+$0x6660];
	v3 =	vadd.f32 v23, v3;
	v1 =	vadd.f32 v45, v1  }
0xfa: {  	v0 =	vadd.f32 v55, v0;
	v60 =	vadd.f32 v53, v5  }
0xfb: {  	v61 =	vadd.f32 v46, v3;
	v1 =	vadd.f32 v56, v1  }
0xfc: {  	s26 =	sadd.s32 $0x1, s26;
	v0 =	vadd.f32 v44, v0;
	v62 =	vadd.f32 v57, v60  }
0xfd: {  	p0 =	sne.s32 s26, $0x8;
	v2 =	vadd.f32 v58, v61;
	v1 =	vmul.f32 $1.000000010e-01, v1  }
.Ltmp2:
0xfe: {  	v0 =	vadd.f32 v59, v0;
	v3 =	vmul.f32 $1.000000010e-01, v62;
	(pc) =	sbr.rel @p0 .LBB2_2-.Ltmp2, $4  }
0xff: {  	v63 =	vmul.f32 $1.000000010e-01, v2;
	[tilespmem:s28+$0x0] =	vst v1  }
0x100: {  	v0 =	vmul.f32 $1.000000010e-01, v0;
	[tilespmem:s28+$0xFFFFFFE0] =	vst v3  }
0x101: {  	[tilespmem:s28+$0xFFFFFFD0] =	vst v63  }
0x102: {  	s24 =	sadd.s32 $0x1000, s24;
	s25 =	sadd.s32 $0x1000, s25;
	[tilespmem:s28+$0xFFFFFFF0] =	vst v0  }
0x103: {  	s23 =	sadd.s32 $0x1, s23  }
0x104: {  	p0 =	sne.s32 s23, s6  }
.Ltmp3:
0x105: {  	_ = 	snop;
	(pc) =	sbr.rel @p0 .LBB2_1-.Ltmp3, $4  }
0x106: {  	[hbm4b:s5+s2] =	stream.linear.scatter [tilespmem:s22], [sflag:$0x3], $0x8000, $0x38;
	[tilespmem:$0x13400] =	vst v63  }
0x107: {  	_ =	swait.ge [sflag:s7], $0x8000  }
0x108: {  	[sflag:s7] =	ssyncset.done $0x0  }
0x109: {  	[sflag:s7] =	ssyncadd.s32 $0xFFFF8000  }
0x10a: {  	_ =	sfence.sel $0x180000  }
0x10b: {  	[bflag:$0x0] =	sbarrier.arrive $0xFFFF  }
0x10c: {  	_ =	strace $0x90000047  }
0x10d: {  	[bflag:$0x2] =	sbarrier.arrive $0xFFFF  }
0x10e: {  	p0 =	sne.s32 s0, $0x0;
	s0 =	rddreg [dreg:$0x1]  }
0x10f: {  	s0 =	sadd.s32 @!p0 $0x100000, s0  }
0x110: {  	[sflag:s0] =	ssyncadd.tile.s32 @!p0 $0x1;
	_ =	shalt  }
.Lfunc_end2:
_tile_overlayer_lowered:
.L_overlay_start_2:
0x111: {  	(tag) =	ssettag $0x2  }
0x112: {  	s0 =	rddreg [dreg:$0x0];
	s2 =	stileid.u32  }
0x113: {  	s1 =	rddreg [dreg:$0x1];
	p0 =	sne.s32 s2, $0x0  }
0x114: {  	s3 =	rddreg [dreg:$0x2];
	[bflag:$0x3] =	sbarrier.arrive $0xFFFF;
	s2 =	simm.s32 @!p0 $0x1C03  }
0x115: {  	[timem:s3], [sflag:s2] =	dma.local @!p0 [hbm:s0], s1  }
0x116: {  	s0 =	simm.s32 @!p0 $0x3  }
0x117: {  	_ =	swait.ge @!p0 [sflag:s0], s1  }
0x118: {  	s1 =	ssub.s32 @!p0 $0x0, s1;
	[sflag:s0] =	ssyncset.done @!p0 $0x0  }
0x119: {  	[sflag:s0] =	ssyncadd.s32 @!p0 s1  }
0x11a: {  	[bflag:$0x3] =	sbarrier.arrive $0xFFFF  }
0x11b: {  	_ =	shalt  }

// kernel: kernel.8.cloned.1.call-start
scs
__scs_entry_jumppad:
0x0: {  	(pc) =	sbr.rel $0x88, $3  }
0x1: {  	(tag) =	ssettag $0x0;
	lr =	simm.s32 $0x1  }
0x2: {  	[smem:$0x3F9C] =	sst lr;
	_ =	strace $0xD0000000  }
0x3: {  	_ = 	snop  }
0x4: {  	_ = 	snop  }
0x5: {  	_ = 	snop  }
0x6: {  	_ = 	snop  }
0x7: {  	_ = 	snop  }
__scs_overlays_trampoline_lowered:
0x8: {  	[smem:$0x3FAB] =	sst s0  }
0x9: {  	[smem:$0x3FAC] =	sst s1  }
0xa: {  	[smem:$0x3FAD] =	sst s2  }
0xb: {  	[smem:$0x3FAE] =	sst s3  }
0xc: {  	[smem:$0x3FAF] =	sst s4  }
0xd: {  	[smem:$0x3FB0] =	sst s5  }
0xe: {  	[smem:$0x3FB1] =	sst s6  }
0xf: {  	[smem:$0x3FB2] =	sst s7  }
0x10: {  	[smem:$0x3FB3] =	sst s8  }
0x11: {  	[smem:$0x3FB4] =	sst s9;
	s0 =	simm.s32 @!p0 $0x0  }
0x12: {  	s1 =	sld [smem:$0x3F9A];
	s0 =	simm.s32 @p0 $0x1  }
0x13: {  	[smem:$0x3FB5] =	sst s0;
	s0 =	simm.s32 @!p1 $0x0  }
0x14: {  	s2 =	sld [smem:$0x3F99];
	s0 =	simm.s32 @p1 $0x1  }
0x15: {  	[smem:$0x3FB6] =	sst s0;
	s0 =	simm.s32 @!p2 $0x0  }
0x16: {  	s3 =	sld [smem:$0x3FDB];
	s0 =	simm.s32 @p2 $0x1  }
0x17: {  	s4 =	simm.s32 $0x1BF5;
	[smem:$0x3FB8] =	sst s0  }
0x18: {  	s0 =	sld [smem:$0x3F9B];
	_ =	swait.ge [sflag:s4], $0x0  }
0x19: {  	s7 =	sld [smem:$0x3F9C]  }
0x1a: {  	s8 =	sadd.s32 $0xFFFFE003, lr  }
0x1b: {  	s9 =	sadd.s32 $0xFFFFFEF7, lr;
	s5 =	simm.s32 $0xFFFFFFFF;
	p2 =	slt.u32 s8, $0xFFFFF086  }
0x1c: {  	p1 =	slt.u32 s9, $0xF7A;
	s5 =	simm.s32 @!p2 $0x0  }
0x1d: {  	s5 =	simm.s32 @p1 $0x1;
	p0 =	seq.s32 s7, s2  }
0x1e: {  	s7 =	smul.u32 @!p0 $0xF7A, s2;
	p2 =	seq.s32 @!p0 s5, $0x0  }
0x1f: {  	s9 =	smul.u32 $0xF7A, s1;
	s8 =	simm.s32 @!p0 $0x1BF5;
	p2 =	por !p2, p0  }
0x20: {  	[sflag:s8] =	ssyncset.s32 @!p0 $0xFFFFF086;
	s6 =	sadd.s32 @!p0 s3, s7;
	s7 =	simm.s32 @!p0 $0x108  }
0x21: {  	s3 =	sadd.s32 s3, s9;
	s6 =	sadd.s32 @!p0 $0x88, s6;
	s7 =	simm.s32 @p2 $0x1082  }
0x22: {  	[simem:s7], [sflag:s8] =	dma.local @!p0 [hbm:s6], $0xF7A  }
0x23: {  	s9 =	sor.u32 $0xD0000000, s2;
	s6 =	simm.s32 $0x108;
	_ =	swait.ge @!p0 [sflag:s8], $0x0  }
0x24: {  	s3 =	sadd.s32 $0x88, s3;
	s6 =	simm.s32 @!p1 $0x1082;
	[sflag:s4] =	ssyncset.s32 $0xFFFFF086  }
0x25: {  	[simem:s6], [sflag:s4] =	dma.local [hbm:s3], $0xF7A  }
0x26: {  	[smem:$0x3F9C] =	sst s1;
	(tag) =	ssettag s2;
	_ =	strace s9  }
0x27: {  	s1 =	sld [smem:$0x3FAC]  }
0x28: {  	s2 =	sld [smem:$0x3FAD]  }
0x29: {  	s4 =	sld [smem:$0x3FAF]  }
0x2a: {  	p0 =	seq.s32 s5, $0x0;
	s5 =	sld [smem:$0x3FB0]  }
0x2b: {  	s6 =	sld [smem:$0x3FB1]  }
0x2c: {  	s7 =	sld [smem:$0x3FB2]  }
0x2d: {  	s3 =	simm.s32 $0x108;
	s8 =	sld [smem:$0x3FB3]  }
0x2e: {  	s3 =	simm.s32 @!p0 $0x1082;
	s9 =	sld [smem:$0x3FB4]  }
0x2f: {  	lr =	sadd.s32 s0, s3;
	s0 =	sld [smem:$0x3FAB]  }
0x30: {  	s3 =	sld [smem:$0x3FAE]  }
0x31: {  	[smem:$0x3FB7] =	sst s10  }
0x32: {  	s10 =	sld [smem:$0x3FB5];
	_ =	sdelay $0x3  }
0x33: {  	p0 =	seq.s32 s10, $0x1;
	s10 =	sld [smem:$0x3FB7];
	_ =	sdelay $0x3  }
0x34: {  	[smem:$0x3FB7] =	sst s10  }
0x35: {  	s10 =	sld [smem:$0x3FB6];
	_ =	sdelay $0x3  }
0x36: {  	p1 =	seq.s32 s10, $0x1;
	s10 =	sld [smem:$0x3FB7];
	_ =	sdelay $0x3  }
0x37: {  	[smem:$0x3FB7] =	sst s10  }
0x38: {  	s10 =	sld [smem:$0x3FB8]  }
0x39: {  	_ = 	snop;
	(pc) =	sbr.ind lr, $3  }
0x3a: {  	_ = 	snop  }
0x3b: {  	_ = 	snop  }
0x3c: {  	p2 =	seq.s32 s10, $0x1;
	s10 =	sld [smem:$0x3FB7]  }
0x3d: {  	_ =	shalt  }
0x3e: {  	_ =	shalt  }
0x3f: {  	_ =	shalt  }
0x40: {  	_ =	shalt  }
0x41: {  	_ =	shalt  }
0x42: {  	_ =	shalt  }
0x43: {  	_ =	shalt  }
0x44: {  	_ =	shalt  }
0x45: {  	_ =	shalt  }
0x46: {  	_ =	shalt  }
0x47: {  	_ =	shalt  }
0x48: {  	_ =	shalt  }
0x49: {  	_ =	shalt  }
0x4a: {  	_ =	shalt  }
0x4b: {  	_ =	shalt  }
0x4c: {  	_ =	shalt  }
0x4d: {  	_ =	shalt  }
0x4e: {  	_ =	shalt  }
0x4f: {  	_ =	shalt  }
0x50: {  	_ =	shalt  }
0x51: {  	_ =	shalt  }
0x52: {  	_ =	shalt  }
0x53: {  	_ =	shalt  }
0x54: {  	_ =	shalt  }
0x55: {  	_ =	shalt  }
0x56: {  	_ =	shalt  }
0x57: {  	_ =	shalt  }
0x58: {  	_ =	shalt  }
0x59: {  	_ =	shalt  }
0x5a: {  	_ =	shalt  }
0x5b: {  	_ =	shalt  }
0x5c: {  	_ =	shalt  }
0x5d: {  	_ =	shalt  }
0x5e: {  	_ =	shalt  }
0x5f: {  	_ =	shalt  }
0x60: {  	_ =	shalt  }
0x61: {  	_ =	shalt  }
0x62: {  	_ =	shalt  }
0x63: {  	_ =	shalt  }
0x64: {  	_ =	shalt  }
0x65: {  	_ =	shalt  }
0x66: {  	_ =	shalt  }
0x67: {  	_ =	shalt  }
0x68: {  	_ =	shalt  }
0x69: {  	_ =	shalt  }
0x6a: {  	_ =	shalt  }
0x6b: {  	_ =	shalt  }
0x6c: {  	_ =	shalt  }
0x6d: {  	_ =	shalt  }
0x6e: {  	_ =	shalt  }
0x6f: {  	_ =	shalt  }
0x70: {  	_ =	shalt  }
0x71: {  	_ =	shalt  }
0x72: {  	_ =	shalt  }
0x73: {  	_ =	shalt  }
0x74: {  	_ =	shalt  }
0x75: {  	_ =	shalt  }
0x76: {  	_ =	shalt  }
0x77: {  	_ =	shalt  }
0x78: {  	_ =	shalt  }
0x79: {  	_ =	shalt  }
0x7a: {  	_ =	shalt  }
0x7b: {  	_ =	shalt  }
0x7c: {  	_ =	shalt  }
0x7d: {  	_ =	shalt  }
0x7e: {  	_ =	shalt  }
0x7f: {  	_ =	shalt  }
0x80: {  	_ =	shalt  }
0x81: {  	_ =	shalt  }
0x82: {  	_ =	shalt  }
0x83: {  	_ =	shalt  }
0x84: {  	_ =	shalt  }
0x85: {  	_ =	shalt  }
0x86: {  	_ =	shalt  }
0x87: {  	_ =	shalt  }
.Lfunc_end0:
.L_simem_size_0:
called_computation.1_lowered:
.L_overlay_start_0:
0x88: {  	s2 =	sld [smem:$0x3FD9]  }
0x89: {  	s3 =	sld [smem:$0x3FFE];
	_ =	sdelay $0x1  }
0x8a: {  	s1 =	srdreg.scid  }
0x8b: {  	s0 =	sand.u32 $0x1, s1  }
0x8c: {  	s16 =	sshll.u32 s0, $0xA;
	s2 =	sadd.s32 s3, s2  }
0x8d: {  	s2 =	sadd.s32 s2, s16  }
0x8e: {  	[smem:$0x3FC3] =	sst s2  }
0x8f: {  	_ = 	snop  }
0x90: {  	(tm) =	ssettm $0x1  }
0x91: {  	s17 =	sld [smem:$0x3FFB];
	_ =	sdelay $0x3  }
0x92: {  	_ =	strace s17  }
0x93: {  	s2 =	sld [smem:$0x3FFC];
	_ =	sdelay $0x3  }
0x94: {  	_ =	strace s2  }
0x95: {  	s2 =	sld [smem:$0x3FFD];
	_ =	sdelay $0x3  }
0x96: {  	_ =	strace s2  }
0x97: {  	_ =	strace $0x8FFFFFFF  }
0x98: {  	s18 =	sld [smem:$0x3FDB];
	_ =	sdelay $0x1  }
0x99: {  	s19 =	simm.s32 $_scs_section_size  }
0x9a: {  	s4 =	simm.s32 $_size__tile_overlayer_lowered;
	s5 =	simm.s32 $_tile_overlayer_lowered  }
0x9b: {  	s22 =	simm.s32 $0x1BFF;
	s21 =	sshll.u32 s5, $0x1;
	s2 =	sadd.s32 s19, s18  }
0x9c: {  	s6 =	simm.s32 $0x0;
	s20 =	sshll.u32 s4, $0x1;
	s4 =	sadd.s32 s21, s2  }
0x9d: {  	[timem:s6], [sflag:s22] =	dma.local [hbm:s4], s20  }
0x9e: {  	_ =	swait.ge [sflag:s22], s20  }
0x9f: {  	s3 =	ssub.s32 $0x0, s20;
	[sflag:s22] =	ssyncset.done $0x0  }
0xa0: {  	[sflag:s22] =	ssyncadd.s32 s3;
	_ =	sdelay $0x1  }
0xa1: {  	s23 =	simm.s32 $0x1B8B  }
0xa2: {  	_ =	swait.ge [sflag:s23], $0x1  }
0xa3: {  	[sflag:s23] =	ssyncset.done $0x0  }
0xa4: {  	s25 =	simm.s32 $0x1B8E;
	s24 =	sld [smem:$0x3FFE];
	[sflag:s23] =	ssyncadd.s32 $0xFFFFFFFF  }
0xa5: {  	s26 =	simm.s32 $execute0_lowered;
	[smem:$0x3FD2] =	sst s25  }
0xa6: {  	s4 =	sshll.u32 s26, $0x1;
	_ =	strace $0x80000049;
	[dreg:$0x1] =	wrdreg $0xFFFFFFFF  }
0xa7: {  	s28 =	simm.s32 $_size_execute0_lowered;
	s2 =	sadd.s32 s2, s4;
	[dreg:$0x0] =	wrdreg $0x0  }
0xa8: {  	s4 =	sshll.u32 s28, $0x1;
	[dreg:$0x2] =	wrdreg s2  }
0xa9: {  	[dreg:$0x3] =	wrdreg s4  }
0xaa: {  	[dreg:$0x4] =	wrdreg $0xC0  }
0xab: {  	_ =	task [dreg:s6], $0x5FFFF  }
0xac: {  	[dreg:$0x1] =	wrdreg $0xFFFFFFFF  }
0xad: {  	[dreg:$0x0] =	wrdreg $0x60  }
0xae: {  	[dreg:$0x2] =	wrdreg s24  }
0xaf: {  	[dreg:$0x3] =	wrdreg $0x9  }
0xb0: {  	_ =	task.clear_ibuf [dreg:s6], $0x4FFFF;
	_ =	strace $0x90000049  }
0xb1: {  	s29 =	simm.s32 $0x9;
	_ =	strace $0x8000004B  }
0xb2: {  	_ =	swait.ge [sflag:s29], $0x1  }
0xb3: {  	[sflag:s29] =	ssyncadd.s32 $0xFFFFFFFF  }
0xb4: {  	_ =	strace $0x9000004B  }
0xb5: {  	_ =	sfence  }
0xb6: {  	s30 =	sld [smem:$0x0];
	_ =	sdelay $0x2  }
0xb7: {  	s31 =	sshll.u32 s1, $0xD;
	s1 =	sshrl.u32 s1, $0x2  }
0xb8: {  	s3 =	sand.u32 $0x4000, s31;
	s1 =	sadd.s32 s1, s30  }
0xb9: {  	s0 =	sor.u32 s3, s0;
	s1 =	sshll.u32 s1, $0x11  }
0xba: {  	s0 =	sor.u32 s1, s0  }
0xbb: {  	s0 =	sadd.s32 $0x8F2B, s0  }
0xbc: {  	[sflag:s0] =	ssyncadd.remote.s32 $0x1  }
0xbd: {  	_ =	sfence.sel $0xFFFF  }
0xbe: {  	[dreg:$0x0] =	wrdreg $0xFFFFFFFF;
	(pc) =	sbr.abs _section_cstart, $3  }
0xbf: {  	[dreg:$0x1] =	wrdreg $0xFFFFFFFF  }
0xc0: {  	_ =	task.clear_ibuf [dreg:s6], $0x2FFFF;
	_ =	strace $0x9FFFFFFF  }
0xc1: {  	(tm) =	ssettm $0x7FFFFFFF  }
tec
execute0_lowered:
.L_overlay_start_1:
0x0: {  	(tag) =	ssettag $0x1  }
0x1: {  	s0 =	rddreg [dreg:$0x0]  }
0x2: {  	s1 =	srdreg.scid;
	s3 =	stileid.u32;
	s2 =	simm.s32 $0x0  }
0x3: {  	s8 =	simm.s32 $0x3;
	s10 =	simm.s32 $0x80;
	s11 =	simm.s32 $0xC00  }
0x4: {  	s12 =	simm.s32 $0x40;
	s13 =	simm.s32 $0x2C00;
	s14 =	simm.s32 $0xC0  }
0x5: {  	s15 =	simm.s32 $0x3C00;
	s16 =	simm.s32 $0x140;
	s17 =	simm.s32 $0x5C00  }
0x6: {  	s18 =	simm.s32 $0x1;
	s19 =	simm.s32 $0xEC00;
	s20 =	simm.s32 $0x2  }
0x7: {  	s21 =	simm.s32 $0x0;
	s1 =	sand.u32 $0x1, s1;
	s3 =	sshll.u32 s3, $0x1  }
0x8: {  	[smem:$0x7FF] =	sst s2;
	s3 =	sor.u32 s1, s3;
	s1 =	ssub.s32 $0x2, s1  }
0x9: {  	_ =	strace $0x8000004A;
	s4 =	sshll.u32 s3, $0xC;
	s5 =	smul.u32 $0x180, s3  }
0xa: {  	s31 =	sshrl.u32 s1, $0x1;
	s3 =	sadd.s32 $0x26000, s0;
	s6 =	sadd.s32 s4, s0  }
0xb: {  	s1 =	ssub.s32 s1, s31;
	s0 =	sadd.s32 s5, s0;
	s5 =	sadd.s32 $0x6000, s6  }
0xc: {  	s7 =	smax.u32 s1, $0x1;
	s4 =	sadd.s32 $0x7C7400, s0;
	s6 =	sadd.s32 $0x1000, s0  }
.LBB2_1:
0xd: {  	[tilespmem:s2], [sflag:$0x3] =	stream.linear.gather [hbm4b:s4+s2], $0xC00, $0x38;
	[tilespmem:$0xF800] =	vst v63  }
0xe: {  	_ =	swait.ge [sflag:s8], $0xC00  }
0xf: {  	[sflag:s8] =	ssyncset.done $0x0  }
0x10: {  	s0 =	simm.s32 $0x6C00;
	[sflag:s8] =	ssyncadd.s32 $0xFFFFF400  }
0x11: {  	[tilespmem:s0], [sflag:$0x3] =	stream.linear.gather [hbm4b:s5+s2], $0x8000, $0x38;
	[tilespmem:$0xF800] =	vst v63  }
0x12: {  	_ =	swait.ge [sflag:s8], $0x8000  }
0x13: {  	[sflag:s8] =	ssyncset.done $0x0  }
0x14: {  	[sflag:s8] =	ssyncadd.s32 $0xFFFF8000  }
0x15: {  	[tilespmem:s11], [sflag:$0x1] =	stream.indirect.gather [hbm4b:s3+s10], $0x40, s2, s10, $0xb8;
	[tilespmem:$0xF800] =	vst v63  }
0x16: {  	_ = 	snop  }
0x17: {  	[tilespmem:s13], [sflag:$0x1] =	stream.indirect.gather [hbm4b:s3+s12], $0x40, s10, s12, $0xb8;
	[tilespmem:$0xF800] =	vst v63  }
0x18: {  	s22 =	simm.s32 $0x6C20  }
0x19: {  	[tilespmem:s15], [sflag:$0x2] =	stream.indirect.gather [hbm4b:s3+s10], $0x40, s14, s10, $0xb8;
	[tilespmem:$0xF800] =	vst v63  }
0x1a: {  	s23 =	simm.s32 $0x7430;
	s24 =	simm.s32 $0x0;
	s25 =	simm.s32 $0x0  }
0x1b: {  	[tilespmem:s17], [sflag:$0x2] =	stream.indirect.gather [hbm4b:s3+s12], $0x40, s16, s12, $0xb8;
	[tilespmem:$0xF800] =	vst v63  }
.LBB2_2:
0x1c: {  	_ =	swait.ge [sflag:s18], $0x2000  }
0x1d: {  	p0 =	seq.s32 s25, $0x7;
	[sflag:s18] =	ssyncset.done $0x0  }
0x1e: {  	s0 =	smul.u32 @!p0 $0x600, s25;
	[sflag:s18] =	ssyncadd.s32 $0xFFFFE000  }
0x1f: {  	_ =	swait.ge [sflag:s18], $0x1000  }
0x20: {  	s1 =	simm.s32 @!p0 $0x80;
	s26 =	sshra.s32 @!p0 s0, $0x2;
	[sflag:s18] =	ssyncset.done $0x0  }
0x21: {  	s28 =	simm.s32 @!p0 $0xC00;
	s0 =	sadd.s32 @!p0 $0x180, s26;
	[sflag:s18] =	ssyncadd.s32 $0xFFFFF000  }
0x22: {  	[tilespmem:s28], [sflag:$0x1] =	stream.indirect.gather @!p0 [hbm4b:s3+s1], $0x40, s0, s1, $0xb8;
	[tilespmem:$0xF800] =	vst v63  }
0x23: {  	s0 =	sadd.s32 @!p0 $0x200, s26;
	s1 =	simm.s32 @!p0 $0x40;
	s28 =	simm.s32 @!p0 $0x2C00  }
0x24: {  	[tilespmem:s28], [sflag:$0x1] =	stream.indirect.gather @!p0 [hbm4b:s3+s1], $0x40, s0, s1, $0xb8;
	[tilespmem:$0xF800] =	vst v63  }
0x25: {  	s28 =	simm.s32 $0xCC0;
	v0 =	vld [tilespmem:s22+$0xFFFFFFE0]  }
0x26: {  	v1 =	vld [tilespmem:s28+$0xFFFFFF70]  }
0x27: {  	v2 =	vld [tilespmem:s28+$0xFFFFFF60]  }
0x28: {  	v3 =	vld [tilespmem:s28+$0xFFFFFF50]  }
0x29: {  	v4 =	vld [tilespmem:s28+$0xFFFFFF40]  }
0x2a: {  	v5 =	vld [tilespmem:s22+$0x10]  }
0x2b: {  	v6 =	vld [tilespmem:s22+$0x0]  }
0x2c: {  	v7 =	vld [tilespmem:s22+$0xFFFFFFF0];
	_ =	sdelay $0x3  }
0x2d: {  	v1 =	vmul.f32 v1, v5;
	v2 =	vmul.f32 v2, v6  }
0x2e: {  	v4 =	vmul.f32 v4, v0;
	v3 =	vmul.f32 v3, v7;
	_ =	sdelay $0x1  }
0x2f: {  	v3 =	vadd.f32 v3, v4;
	v1 =	vadd.f32 v1, v2;
	_ =	sdelay $0x1  }
0x30: {  	v1 =	vadd.f32 v1, v3;
	_ =	sdelay $0x1  }
0x31: {  	(xrf2) =	vadd.scan.msk.f32 $0xffff, v1;
	_ =	sdelay $0x3  }
0x32: {  	s0 =	sadd.s32 $0x0, s24  }
0x33: {  	v39 =	vmov s0  }
0x34: {  	v1 =	vand.u32 $0xFFFFFFFE, v39  }
0x35: {  	v1 =	vbroadcast v1, $0x0;
	_ =	sdelay $0x2  }
0x36: {  	v40, _, _ =	vpop (xrf2)  }
0x37: {  	v2 =	vbroadcast v40, $0xF;
	_ =	sdelay $0x1  }
0x38: {  	[tilespmem:v1+s19+$0x0] =	vst.idx.msk $0x1, v2  }
0x39: {  	v1 =	vld [tilespmem:s28+$0xFFFFFFB0]  }
0x3a: {  	v2 =	vld [tilespmem:s28+$0xFFFFFFA0]  }
0x3b: {  	v41 =	vld [tilespmem:s28+$0xFFFFFF90]  }
0x3c: {  	v42 =	vld [tilespmem:s28+$0xFFFFFF80];
	_ =	sdelay $0x3  }
0x3d: {  	v1 =	vmul.f32 v1, v5;
	v2 =	vmul.f32 v2, v6  }
0x3e: {  	v3 =	vmul.f32 v41, v7;
	v4 =	vmul.f32 v42, v0;
	_ =	sdelay $0x1  }
0x3f: {  	v1 =	vadd.f32 v1, v2;
	v43 =	vadd.f32 v3, v4;
	_ =	sdelay $0x1  }
0x40: {  	v1 =	vadd.f32 v1, v43;
	_ =	sdelay $0x1  }
0x41: {  	(xrf2) =	vadd.scan.msk.f32 $0xffff, v1;
	_ =	sdelay $0x9  }
0x42: {  	v1, _, _ =	vpop (xrf2)  }
0x43: {  	(v2sf) =	vpush v1, $0xF;
	_ =	sdelay $0xc  }
0x44: {  	s9 =	sadd.s32 $0x1, s0  }
0x45: {  	v44 =	vmov s9  }
0x46: {  	s9 =	spop (v2sf)  }
0x47: {  	s1 =	ssub.f32 $0.0e+00, s9;
	_ =	sdelay $0x1  }
0x48: {  	v45 =	vmov s1  }
0x49: {  	[tilespmem:v44+s19+$0x0] =	vst.idx.msk $0x1, v45  }
0x4a: {  	v1 =	vld [tilespmem:s28+$0xFFFFFFE0]  }
0x4b: {  	v2 =	vld [tilespmem:s28+$0xFFFFFFD0]  }
0x4c: {  	v46 =	vld [tilespmem:s28+$0xFFFFFFC0]  }
0x4d: {  	v47 =	vld [tilespmem:s28+$0xFFFFFFF0];
	_ =	sdelay $0x3  }
0x4e: {  	v2 =	vmul.f32 v2, v7;
	v1 =	vmul.f32 v1, v6  }
0x4f: {  	v3 =	vmul.f32 v46, v0;
	v4 =	vmul.f32 v47, v5;
	_ =	sdelay $0x1  }
0x50: {  	v2 =	vadd.f32 v2, v3;
	v1 =	vadd.f32 v4, v1;
	_ =	sdelay $0x1  }
0x51: {  	v1 =	vadd.f32 v1, v2;
	_ =	sdelay $0x1  }
0x52: {  	(xrf2) =	vadd.scan.msk.f32 $0xffff, v1;
	_ =	sdelay $0x9  }
0x53: {  	v1, _, _ =	vpop (xrf2)  }
0x54: {  	(v2sf) =	vpush v1, $0xF;
	_ =	sdelay $0x9  }
0x55: {  	s9 =	sadd.s32 $0x2, s0  }
0x56: {  	v48 =	vmov s9  }
0x57: {  	v1 =	vand.u32 $0xFFFFFFFE, v48  }
0x58: {  	v1 =	vbroadcast v1, $0x0;
	_ =	sdelay $0x1  }
0x59: {  	s9 =	spop (v2sf)  }
0x5a: {  	s1 =	ssub.f32 $0.0e+00, s9;
	_ =	sdelay $0x1  }
0x5b: {  	v49 =	vmov s1  }
0x5c: {  	[tilespmem:v1+s19+$0x0] =	vst.idx.msk $0x1, v49  }
0x5d: {  	v1 =	vld [tilespmem:s28+$0x30]  }
0x5e: {  	v2 =	vld [tilespmem:s28+$0x0]  }
0x5f: {  	v50 =	vld [tilespmem:s28+$0x20]  }
0x60: {  	v51 =	vld [tilespmem:s28+$0x10];
	_ =	sdelay $0x3  }
0x61: {  	v1 =	vmul.f32 v1, v5;
	v2 =	vmul.f32 v2, v0  }
0x62: {  	v3 =	vmul.f32 v50, v6;
	v4 =	vmul.f32 v51, v7;
	_ =	sdelay $0x1  }
0x63: {  	v1 =	vadd.f32 v1, v3;
	v2 =	vadd.f32 v4, v2;
	_ =	sdelay $0x1  }
0x64: {  	v1 =	vadd.f32 v1, v2;
	_ =	sdelay $0x1  }
0x65: {  	(xrf2) =	vadd.scan.msk.f32 $0xffff, v1;
	_ =	sdelay $0x9  }
0x66: {  	v1, _, _ =	vpop (xrf2)  }
0x67: {  	(v2sf) =	vpush v1, $0xF;
	_ =	sdelay $0xc  }
0x68: {  	s9 =	sadd.s32 $0x3, s0  }
0x69: {  	v52 =	vmov s9  }
0x6a: {  	s9 =	spop (v2sf)  }
0x6b: {  	s1 =	ssub.f32 $0.0e+00, s9;
	_ =	sdelay $0x1  }
0x6c: {  	v53 =	vmov s1  }
0x6d: {  	[tilespmem:v52+s19+$0x0] =	vst.idx.msk $0x1, v53  }
0x6e: {  	v1 =	vld [tilespmem:s28+$0x40]  }
0x6f: {  	v2 =	vld [tilespmem:s28+$0x50]  }
0x70: {  	v54 =	vld [tilespmem:s28+$0x70]  }
0x71: {  	v55 =	vld [tilespmem:s28+$0x60];
	_ =	sdelay $0x3  }
0x72: {  	v2 =	vmul.f32 v2, v7;
	v1 =	vmul.f32 v1, v0  }
0x73: {  	v3 =	vmul.f32 v54, v5;
	v4 =	vmul.f32 v55, v6;
	_ =	sdelay $0x1  }
0x74: {  	v1 =	vadd.f32 v2, v1;
	v56 =	vadd.f32 v3, v4;
	_ =	sdelay $0x1  }
0x75: {  	v1 =	vadd.f32 v56, v1;
	_ =	sdelay $0x1  }
0x76: {  	(xrf2) =	vadd.scan.msk.f32 $0xffff, v1;
	_ =	sdelay $0x9  }
0x77: {  	v1, _, _ =	vpop (xrf2)  }
0x78: {  	(v2sf) =	vpush v1, $0xF;
	_ =	sdelay $0x9  }
0x79: {  	s9 =	sadd.s32 $0x4, s0  }
0x7a: {  	v57 =	vmov s9  }
0x7b: {  	v1 =	vand.u32 $0xFFFFFFFE, v57  }
0x7c: {  	v1 =	vbroadcast v1, $0x0;
	_ =	sdelay $0x1  }
0x7d: {  	s9 =	spop (v2sf)  }
0x7e: {  	s1 =	ssub.f32 $0.0e+00, s9;
	_ =	sdelay $0x1  }
0x7f: {  	v58 =	vmov s1  }
0x80: {  	[tilespmem:v1+s19+$0x0] =	vst.idx.msk $0x1, v58  }
0x81: {  	v1 =	vld [tilespmem:s28+$0x80]  }
0x82: {  	v2 =	vld [tilespmem:s28+$0xB0]  }
0x83: {  	v59 =	vld [tilespmem:s28+$0x90]  }
0x84: {  	v60 =	vld [tilespmem:s28+$0xA0];
	_ =	sdelay $0x3  }
0x85: {  	v2 =	vmul.f32 v2, v5;
	v0 =	vmul.f32 v1, v0  }
0x86: {  	v61 =	vmul.f32 v59, v7;
	v62 =	vmul.f32 v60, v6;
	_ =	sdelay $0x1  }
0x87: {  	v0 =	vadd.f32 v61, v0;
	v63 =	vadd.f32 v2, v62;
	_ =	sdelay $0x1  }
0x88: {  	v0 =	vadd.f32 v63, v0;
	_ =	sdelay $0x1  }
0x89: {  	(xrf2) =	vadd.scan.msk.f32 $0xffff, v0;
	_ =	sdelay $0x9  }
0x8a: {  	v0, _, _ =	vpop (xrf2)  }
0x8b: {  	s29 =	simm.s32 $0x6;
	s30 =	smov.u32 s22;
	s31 =	sadd.s32 $0x5, s0;
	(v2sf) =	vpush v0, $0xF  }
.LBB2_3:
0x8c: {  	_ =	sdelay $0x2  }
0x8d: {  	p1 =	sne.s32 s29, $0xBA;
	s30 =	sadd.s32 $0x40, s30;
	s28 =	sadd.s32 $0x180, s28  }
0x8e: {  	s0 =	smov.u32 s29;
	s29 =	sadd.s32 $0x6, s29;
	_ =	sdelay $0x7  }
0x8f: {  	v0 =	vmov s31;
	_ =	sdelay $0x1  }
0x90: {  	s1 =	spop (v2sf)  }
0x91: {  	s1 =	ssub.f32 $0.0e+00, s1;
	_ =	sdelay $0x1  }
0x92: {  	v1 =	vmov s1  }
0x93: {  	[tilespmem:v0+s19+$0x0] =	vst.idx.msk $0x1, v1  }
0x94: {  	v0 =	vld [tilespmem:s30+$0xFFFFFFE0]  }
0x95: {  	v4 =	vld [tilespmem:s28+$0xFFFFFF70]  }
0x96: {  	v5 =	vld [tilespmem:s28+$0xFFFFFF60]  }
0x97: {  	v6 =	vld [tilespmem:s28+$0xFFFFFF50]  }
0x98: {  	v7 =	vld [tilespmem:s28+$0xFFFFFF40]  }
0x99: {  	v2 =	vld [tilespmem:s30+$0x10]  }
0x9a: {  	v1 =	vld [tilespmem:s30+$0x0]  }
0x9b: {  	v3 =	vld [tilespmem:s30+$0xFFFFFFF0];
	_ =	sdelay $0x2  }
0x9c: {  	v4 =	vmul.f32 v4, v2  }
0x9d: {  	v5 =	vmul.f32 v5, v1  }
0x9e: {  	v7 =	vmul.f32 v7, v0;
	v6 =	vmul.f32 v6, v3;
	_ =	sdelay $0x1  }
0x9f: {  	v4 =	vadd.f32 v4, v5;
	v6 =	vadd.f32 v6, v7;
	_ =	sdelay $0x1  }
0xa0: {  	v4 =	vadd.f32 v4, v6;
	_ =	sdelay $0x1  }
0xa1: {  	(xrf2) =	vadd.scan.msk.f32 $0xffff, v4;
	_ =	sdelay $0x3  }
0xa2: {  	s31 =	sadd.s32 s0, s24  }
0xa3: {  	s9 =	sadd.s32 $0x2, s31;
	s0 =	sadd.s32 $0x3, s31;
	s1 =	sadd.s32 $0x1, s31;
	v4 =	vmov s31  }
0xa4: {  	v5 =	vmov s9;
	s9 =	sadd.s32 $0x4, s31;
	s31 =	sadd.s32 $0x5, s31;
	v4 =	vand.u32 $0xFFFFFFFE, v4  }
0xa5: {  	v5 =	vand.u32 $0xFFFFFFFE, v5;
	v6 =	vbroadcast v4, $0x0;
	v4 =	vmov s9  }
0xa6: {  	v4 =	vand.u32 $0xFFFFFFFE, v4;
	_ =	sdelay $0x1  }
0xa7: {  	v7, _, _ =	vpop (xrf2)  }
0xa8: {  	v7 =	vbroadcast v7, $0xF;
	_ =	sdelay $0x1  }
0xa9: {  	[tilespmem:v6+s19+$0x0] =	vst.idx.msk $0x1, v7  }
0xaa: {  	v6 =	vld [tilespmem:s28+$0xFFFFFFB0]  }
0xab: {  	v7 =	vld [tilespmem:s28+$0xFFFFFFA0]  }
0xac: {  	v8 =	vld [tilespmem:s28+$0xFFFFFF90]  }
0xad: {  	v9 =	vld [tilespmem:s28+$0xFFFFFF80];
	_ =	sdelay $0x1  }
0xae: {  	v6 =	vmul.f32 v6, v2  }
0xaf: {  	v7 =	vmul.f32 v7, v1  }
0xb0: {  	v8 =	vmul.f32 v8, v3  }
0xb1: {  	v9 =	vmul.f32 v9, v0;
	v6 =	vadd.f32 v6, v7;
	_ =	sdelay $0x1  }
0xb2: {  	v7 =	vadd.f32 v8, v9;
	_ =	sdelay $0x1  }
0xb3: {  	v6 =	vadd.f32 v6, v7;
	_ =	sdelay $0x1  }
0xb4: {  	(xrf2) =	vadd.scan.msk.f32 $0xffff, v6;
	_ =	sdelay $0x9  }
0xb5: {  	v6, _, _ =	vpop (xrf2)  }
0xb6: {  	(v2sf) =	vpush v6, $0xF;
	_ =	sdelay $0xd  }
0xb7: {  	v6 =	vmov s1  }
0xb8: {  	s1 =	spop (v2sf)  }
0xb9: {  	s1 =	ssub.f32 $0.0e+00, s1;
	_ =	sdelay $0x1  }
0xba: {  	v7 =	vmov s1  }
0xbb: {  	[tilespmem:v6+s19+$0x0] =	vst.idx.msk $0x1, v7  }
0xbc: {  	v6 =	vld [tilespmem:s28+$0xFFFFFFE0]  }
0xbd: {  	v7 =	vld [tilespmem:s28+$0xFFFFFFD0]  }
0xbe: {  	v8 =	vld [tilespmem:s28+$0xFFFFFFC0]  }
0xbf: {  	v9 =	vld [tilespmem:s28+$0xFFFFFFF0];
	_ =	sdelay $0x2  }
0xc0: {  	v7 =	vmul.f32 v7, v3  }
0xc1: {  	v6 =	vmul.f32 v6, v1  }
0xc2: {  	v8 =	vmul.f32 v8, v0;
	v9 =	vmul.f32 v9, v2;
	_ =	sdelay $0x1  }
0xc3: {  	v7 =	vadd.f32 v7, v8;
	v6 =	vadd.f32 v9, v6;
	_ =	sdelay $0x1  }
0xc4: {  	v6 =	vadd.f32 v6, v7;
	_ =	sdelay $0x1  }
0xc5: {  	(xrf2) =	vadd.scan.msk.f32 $0xffff, v6;
	_ =	sdelay $0x9  }
0xc6: {  	v6, _, _ =	vpop (xrf2)  }
0xc7: {  	(v2sf) =	vpush v6, $0xF;
	_ =	sdelay $0xc  }
0xc8: {  	v5 =	vbroadcast v5, $0x0;
	_ =	sdelay $0x1  }
0xc9: {  	s1 =	spop (v2sf)  }
0xca: {  	s1 =	ssub.f32 $0.0e+00, s1;
	_ =	sdelay $0x1  }
0xcb: {  	v6 =	vmov s1  }
0xcc: {  	[tilespmem:v5+s19+$0x0] =	vst.idx.msk $0x1, v6  }
0xcd: {  	v5 =	vld [tilespmem:s28+$0x30]  }
0xce: {  	v6 =	vld [tilespmem:s28+$0x0]  }
0xcf: {  	v7 =	vld [tilespmem:s28+$0x20]  }
0xd0: {  	v8 =	vld [tilespmem:s28+$0x10];
	_ =	sdelay $0x2  }
0xd1: {  	v5 =	vmul.f32 v5, v2  }
0xd2: {  	v6 =	vmul.f32 v6, v0;
	v7 =	vmul.f32 v7, v1  }
0xd3: {  	v8 =	vmul.f32 v8, v3  }
0xd4: {  	v5 =	vadd.f32 v5, v7  }
0xd5: {  	v6 =	vadd.f32 v8, v6;
	_ =	sdelay $0x1  }
0xd6: {  	v5 =	vadd.f32 v5, v6;
	_ =	sdelay $0x1  }
0xd7: {  	(xrf2) =	vadd.scan.msk.f32 $0xffff, v5;
	_ =	sdelay $0x9  }
0xd8: {  	v5, _, _ =	vpop (xrf2)  }
0xd9: {  	(v2sf) =	vpush v5, $0xF;
	_ =	sdelay $0xd  }
0xda: {  	v5 =	vmov s0  }
0xdb: {  	s0 =	spop (v2sf)  }
0xdc: {  	s0 =	ssub.f32 $0.0e+00, s0;
	_ =	sdelay $0x1  }
0xdd: {  	v6 =	vmov s0  }
0xde: {  	[tilespmem:v5+s19+$0x0] =	vst.idx.msk $0x1, v6  }
0xdf: {  	v5 =	vld [tilespmem:s28+$0x40]  }
0xe0: {  	v6 =	vld [tilespmem:s28+$0x50]  }
0xe1: {  	v7 =	vld [tilespmem:s28+$0x70]  }
0xe2: {  	v8 =	vld [tilespmem:s28+$0x60];
	_ =	sdelay $0x2  }
0xe3: {  	v6 =	vmul.f32 v6, v3  }
0xe4: {  	v5 =	vmul.f32 v5, v0;
	v7 =	vmul.f32 v7, v2  }
0xe5: {  	v8 =	vmul.f32 v8, v1  }
0xe6: {  	v5 =	vadd.f32 v6, v5  }
0xe7: {  	v6 =	vadd.f32 v7, v8;
	_ =	sdelay $0x1  }
0xe8: {  	v5 =	vadd.f32 v6, v5;
	_ =	sdelay $0x1  }
0xe9: {  	(xrf2) =	vadd.scan.msk.f32 $0xffff, v5;
	_ =	sdelay $0x9  }
0xea: {  	v5, _, _ =	vpop (xrf2)  }
0xeb: {  	(v2sf) =	vpush v5, $0xF;
	_ =	sdelay $0xc  }
0xec: {  	v4 =	vbroadcast v4, $0x0;
	_ =	sdelay $0x1  }
0xed: {  	s0 =	spop (v2sf)  }
0xee: {  	s0 =	ssub.f32 $0.0e+00, s0;
	_ =	sdelay $0x1  }
0xef: {  	v5 =	vmov s0  }
0xf0: {  	[tilespmem:v4+s19+$0x0] =	vst.idx.msk $0x1, v5  }
0xf1: {  	v4 =	vld [tilespmem:s28+$0x80]  }
0xf2: {  	v5 =	vld [tilespmem:s28+$0xB0]  }
0xf3: {  	v6 =	vld [tilespmem:s28+$0x90]  }
0xf4: {  	v7 =	vld [tilespmem:s28+$0xA0];
	_ =	sdelay $0x2  }
0xf5: {  	v2 =	vmul.f32 v5, v2  }
0xf6: {  	v0 =	vmul.f32 v4, v0;
	v3 =	vmul.f32 v6, v3  }
0xf7: {  	v1 =	vmul.f32 v7, v1  }
0xf8: {  	v0 =	vadd.f32 v3, v0  }
0xf9: {  	v1 =	vadd.f32 v2, v1;
	_ =	sdelay $0x1  }
0xfa: {  	v0 =	vadd.f32 v1, v0;
	_ =	sdelay $0x1  }
0xfb: {  	(xrf2) =	vadd.scan.msk.f32 $0xffff, v0;
	_ =	sdelay $0x6  }
.Ltmp0:
0xfc: {  	(pc) =	sbr.rel @p1 .LBB2_3-.Ltmp0, $3  }
0xfd: {  	_ =	sdelay $0x1  }
0xfe: {  	v0, _, _ =	vpop (xrf2)  }
0xff: {  	(v2sf) =	vpush v0, $0xF  }
0x100: {  	_ =	sdelay $0xc  }
0x101: {  	v0 =	vmov s31  }
0x102: {  	s0 =	spop (v2sf)  }
0x103: {  	s0 =	ssub.f32 $0.0e+00, s0;
	_ =	sdelay $0x1  }
0x104: {  	v1 =	vmov s0  }
0x105: {  	[tilespmem:v0+s19+$0x0] =	vst.idx.msk $0x1, v1  }
0x106: {  	_ =	swait.ge [sflag:s20], $0x2000  }
0x107: {  	[sflag:s20] =	ssyncset.done $0x0  }
0x108: {  	[sflag:s20] =	ssyncadd.s32 $0xFFFFE000  }
0x109: {  	_ =	swait.ge [sflag:s20], $0x1000  }
0x10a: {  	s1 =	simm.s32 @!p0 $0x80;
	[sflag:s20] =	ssyncset.done $0x0  }
0x10b: {  	s9 =	simm.s32 @!p0 $0x3C00;
	s0 =	sadd.s32 @!p0 $0x240, s26;
	[sflag:s20] =	ssyncadd.s32 $0xFFFFF000  }
0x10c: {  	[tilespmem:s9], [sflag:$0x2] =	stream.indirect.gather @!p0 [hbm4b:s3+s1], $0x40, s0, s1, $0xb8;
	[tilespmem:$0xF800] =	vst v63  }
0x10d: {  	s0 =	sadd.s32 @!p0 $0x2C0, s26  }
0x10e: {  	s1 =	simm.s32 @!p0 $0x40;
	s9 =	simm.s32 @!p0 $0x5C00;
	s26 =	simm.s32 $0x3D70  }
0x10f: {  	[tilespmem:s9], [sflag:$0x2] =	stream.indirect.gather @!p0 [hbm4b:s3+s1], $0x40, s0, s1, $0xb8;
	[tilespmem:$0xF800] =	vst v63  }
0x110: {  	v37 =	vld [tilespmem:s26+$0xFFFFFEC0]  }
0x111: {  	v38 =	vld [tilespmem:s23+$0xFFFFFFD0]  }
0x112: {  	v2 =	vld [tilespmem:s26+$0xFFFFFEB0]  }
0x113: {  	v3 =	vld [tilespmem:s26+$0xFFFFFEA0]  }
0x114: {  	v4 =	vld [tilespmem:s26+$0xFFFFFE90]  }
0x115: {  	v5 =	vld [tilespmem:s23+$0x0]  }
0x116: {  	v6 =	vld [tilespmem:s23+$0xFFFFFFF0]  }
0x117: {  	v7 =	vld [tilespmem:s23+$0xFFFFFFE0];
	_ =	sdelay $0x3  }
0x118: {  	v4 =	vmul.f32 v4, v38;
	v2 =	vmul.f32 v2, v6  }
0x119: {  	v3 =	vmul.f32 v3, v7;
	v0 =	vmul.f32 v37, v5;
	_ =	sdelay $0x1  }
0x11a: {  	v3 =	vadd.f32 v3, v4;
	v0 =	vadd.f32 v0, v2;
	_ =	sdelay $0x1  }
0x11b: {  	v0 =	vadd.f32 v0, v3;
	_ =	sdelay $0x1  }
0x11c: {  	(xrf2) =	vadd.scan.msk.f32 $0xffff, v0;
	_ =	sdelay $0x2  }
0x11d: {  	s0 =	sadd.s32 $0x0, s24  }
0x11e: {  	s31 =	sadd.s32 $0xC0, s0  }
0x11f: {  	v39 =	vmov s31  }
0x120: {  	v0 =	vand.u32 $0xFFFFFFFE, v39  }
0x121: {  	v0 =	vbroadcast v0, $0x0;
	_ =	sdelay $0x2  }
0x122: {  	v40, _, _ =	vpop (xrf2)  }
0x123: {  	v2 =	vbroadcast v40, $0xF;
	_ =	sdelay $0x1  }
0x124: {  	[tilespmem:v0+s19+$0x0] =	vst.idx.msk $0x1, v2  }
0x125: {  	v0 =	vld [tilespmem:s26+$0xFFFFFF00]  }
0x126: {  	v2 =	vld [tilespmem:s26+$0xFFFFFEF0]  }
0x127: {  	v41 =	vld [tilespmem:s26+$0xFFFFFEE0]  }
0x128: {  	v42 =	vld [tilespmem:s26+$0xFFFFFED0];
	_ =	sdelay $0x3  }
0x129: {  	v2 =	vmul.f32 v2, v6;
	v0 =	vmul.f32 v0, v5  }
0x12a: {  	v3 =	vmul.f32 v41, v7;
	v4 =	vmul.f32 v42, v38;
	_ =	sdelay $0x1  }
0x12b: {  	v0 =	vadd.f32 v0, v2;
	v43 =	vadd.f32 v3, v4;
	_ =	sdelay $0x1  }
0x12c: {  	v0 =	vadd.f32 v0, v43;
	_ =	sdelay $0x1  }
0x12d: {  	(xrf2) =	vadd.scan.msk.f32 $0xffff, v0;
	_ =	sdelay $0x9  }
0x12e: {  	v0, _, _ =	vpop (xrf2)  }
0x12f: {  	(v2sf) =	vpush v0, $0xF;
	_ =	sdelay $0xc  }
0x130: {  	s9 =	sadd.s32 $0xC1, s0  }
0x131: {  	v44 =	vmov s9  }
0x132: {  	s31 =	spop (v2sf)  }
0x133: {  	s1 =	ssub.f32 $0.0e+00, s31;
	_ =	sdelay $0x1  }
0x134: {  	v45 =	vmov s1  }
0x135: {  	[tilespmem:v44+s19+$0x0] =	vst.idx.msk $0x1, v45  }
0x136: {  	v0 =	vld [tilespmem:s26+$0xFFFFFF30]  }
0x137: {  	v2 =	vld [tilespmem:s26+$0xFFFFFF20]  }
0x138: {  	v46 =	vld [tilespmem:s26+$0xFFFFFF10]  }
0x139: {  	v47 =	vld [tilespmem:s26+$0xFFFFFF40];
	_ =	sdelay $0x3  }
0x13a: {  	v2 =	vmul.f32 v2, v7;
	v3 =	vmul.f32 v46, v38  }
0x13b: {  	v0 =	vmul.f32 v0, v6;
	v4 =	vmul.f32 v47, v5;
	_ =	sdelay $0x1  }
0x13c: {  	v2 =	vadd.f32 v2, v3;
	v0 =	vadd.f32 v4, v0;
	_ =	sdelay $0x1  }
0x13d: {  	v0 =	vadd.f32 v0, v2;
	_ =	sdelay $0x1  }
0x13e: {  	(xrf2) =	vadd.scan.msk.f32 $0xffff, v0;
	_ =	sdelay $0x9  }
0x13f: {  	v0, _, _ =	vpop (xrf2)  }
0x140: {  	(v2sf) =	vpush v0, $0xF;
	_ =	sdelay $0x9  }
0x141: {  	s9 =	sadd.s32 $0xC2, s0  }
0x142: {  	v48 =	vmov s9  }
0x143: {  	v0 =	vand.u32 $0xFFFFFFFE, v48  }
0x144: {  	v0 =	vbroadcast v0, $0x0;
	_ =	sdelay $0x1  }
0x145: {  	s31 =	spop (v2sf)  }
0x146: {  	s1 =	ssub.f32 $0.0e+00, s31;
	_ =	sdelay $0x1  }
0x147: {  	v49 =	vmov s1  }
0x148: {  	[tilespmem:v0+s19+$0x0] =	vst.idx.msk $0x1, v49  }
0x149: {  	v0 =	vld [tilespmem:s26+$0xFFFFFF80]  }
0x14a: {  	v2 =	vld [tilespmem:s26+$0xFFFFFF50]  }
0x14b: {  	v50 =	vld [tilespmem:s26+$0xFFFFFF60]  }
0x14c: {  	v51 =	vld [tilespmem:s26+$0xFFFFFF70];
	_ =	sdelay $0x3  }
0x14d: {  	v2 =	vmul.f32 v2, v38;
	v3 =	vmul.f32 v50, v7  }
0x14e: {  	v4 =	vmul.f32 v51, v6;
	v0 =	vmul.f32 v0, v5;
	_ =	sdelay $0x1  }
0x14f: {  	v2 =	vadd.f32 v3, v2;
	v0 =	vadd.f32 v0, v4;
	_ =	sdelay $0x1  }
0x150: {  	v0 =	vadd.f32 v0, v2;
	_ =	sdelay $0x1  }
0x151: {  	(xrf2) =	vadd.scan.msk.f32 $0xffff, v0;
	_ =	sdelay $0x9  }
0x152: {  	v0, _, _ =	vpop (xrf2)  }
0x153: {  	(v2sf) =	vpush v0, $0xF;
	_ =	sdelay $0xc  }
0x154: {  	s9 =	sadd.s32 $0xC3, s0  }
0x155: {  	v52 =	vmov s9  }
0x156: {  	s31 =	spop (v2sf)  }
0x157: {  	s1 =	ssub.f32 $0.0e+00, s31;
	_ =	sdelay $0x1  }
0x158: {  	v53 =	vmov s1  }
0x159: {  	[tilespmem:v52+s19+$0x0] =	vst.idx.msk $0x1, v53  }
0x15a: {  	v0 =	vld [tilespmem:s26+$0xFFFFFF90]  }
0x15b: {  	v2 =	vld [tilespmem:s26+$0xFFFFFFA0]  }
0x15c: {  	v54 =	vld [tilespmem:s26+$0xFFFFFFC0]  }
0x15d: {  	v55 =	vld [tilespmem:s26+$0xFFFFFFB0];
	_ =	sdelay $0x3  }
0x15e: {  	v2 =	vmul.f32 v2, v7;
	v0 =	vmul.f32 v0, v38  }
0x15f: {  	v3 =	vmul.f32 v54, v5;
	v4 =	vmul.f32 v55, v6;
	_ =	sdelay $0x1  }
0x160: {  	v0 =	vadd.f32 v2, v0;
	v56 =	vadd.f32 v3, v4;
	_ =	sdelay $0x1  }
0x161: {  	v0 =	vadd.f32 v56, v0;
	_ =	sdelay $0x1  }
0x162: {  	(xrf2) =	vadd.scan.msk.f32 $0xffff, v0;
	_ =	sdelay $0x9  }
0x163: {  	v0, _, _ =	vpop (xrf2)  }
0x164: {  	(v2sf) =	vpush v0, $0xF;
	_ =	sdelay $0x9  }
0x165: {  	s9 =	sadd.s32 $0xC4, s0  }
0x166: {  	v57 =	vmov s9  }
0x167: {  	v0 =	vand.u32 $0xFFFFFFFE, v57  }
0x168: {  	v0 =	vbroadcast v0, $0x0;
	_ =	sdelay $0x1  }
0x169: {  	s31 =	spop (v2sf)  }
0x16a: {  	s1 =	ssub.f32 $0.0e+00, s31;
	_ =	sdelay $0x1  }
0x16b: {  	v58 =	vmov s1  }
0x16c: {  	[tilespmem:v0+s19+$0x0] =	vst.idx.msk $0x1, v58  }
0x16d: {  	v0 =	vld [tilespmem:s26+$0xFFFFFFD0]  }
0x16e: {  	v2 =	vld [tilespmem:s26+$0x0]  }
0x16f: {  	v59 =	vld [tilespmem:s26+$0xFFFFFFE0]  }
0x170: {  	v60 =	vld [tilespmem:s26+$0xFFFFFFF0];
	_ =	sdelay $0x3  }
0x171: {  	v2 =	vmul.f32 v2, v5;
	v0 =	vmul.f32 v0, v38  }
0x172: {  	v61 =	vmul.f32 v59, v7;
	v62 =	vmul.f32 v60, v6;
	_ =	sdelay $0x1  }
0x173: {  	v0 =	vadd.f32 v61, v0;
	v63 =	vadd.f32 v2, v62;
	_ =	sdelay $0x1  }
0x174: {  	v0 =	vadd.f32 v63, v0;
	_ =	sdelay $0x1  }
0x175: {  	(xrf2) =	vadd.scan.msk.f32 $0xffff, v0;
	_ =	sdelay $0x9  }
0x176: {  	v0, _, _ =	vpop (xrf2)  }
0x177: {  	s28 =	simm.s32 $0x6;
	s29 =	smov.u32 s23;
	s30 =	sadd.s32 $0xC5, s0;
	(v2sf) =	vpush v0, $0xF  }
.LBB2_5:
0x178: {  	_ =	sdelay $0x2  }
0x179: {  	p0 =	sne.s32 s28, $0xBA;
	s29 =	sadd.s32 $0x40, s29;
	s26 =	sadd.s32 $0x180, s26  }
0x17a: {  	s0 =	smov.u32 s28;
	s28 =	sadd.s32 $0x6, s28;
	_ =	sdelay $0x7  }
0x17b: {  	v0 =	vmov s30;
	_ =	sdelay $0x1  }
0x17c: {  	s1 =	spop (v2sf)  }
0x17d: {  	s1 =	ssub.f32 $0.0e+00, s1;
	_ =	sdelay $0x1  }
0x17e: {  	v1 =	vmov s1  }
0x17f: {  	[tilespmem:v0+s19+$0x0] =	vst.idx.msk $0x1, v1  }
0x180: {  	v4 =	vld [tilespmem:s26+$0xFFFFFEC0]  }
0x181: {  	v0 =	vld [tilespmem:s29+$0xFFFFFFD0]  }
0x182: {  	v5 =	vld [tilespmem:s26+$0xFFFFFEB0]  }
0x183: {  	v6 =	vld [tilespmem:s26+$0xFFFFFEA0]  }
0x184: {  	v7 =	vld [tilespmem:s26+$0xFFFFFE90]  }
0x185: {  	v2 =	vld [tilespmem:s29+$0x0]  }
0x186: {  	v1 =	vld [tilespmem:s29+$0xFFFFFFF0]  }
0x187: {  	v3 =	vld [tilespmem:s29+$0xFFFFFFE0];
	_ =	sdelay $0x3  }
0x188: {  	v7 =	vmul.f32 v7, v0;
	v5 =	vmul.f32 v5, v1  }
0x189: {  	v4 =	vmul.f32 v4, v2;
	v6 =	vmul.f32 v6, v3;
	_ =	sdelay $0x1  }
0x18a: {  	v4 =	vadd.f32 v4, v5;
	v6 =	vadd.f32 v6, v7;
	_ =	sdelay $0x1  }
0x18b: {  	v4 =	vadd.f32 v4, v6;
	_ =	sdelay $0x1  }
0x18c: {  	(xrf2) =	vadd.scan.msk.f32 $0xffff, v4;
	_ =	sdelay $0x2  }
0x18d: {  	s1 =	sadd.s32 s0, s24  }
0x18e: {  	s0 =	sadd.s32 $0xC0, s1;
	s31 =	sadd.s32 $0xC1, s1;
	s9 =	sadd.s32 $0xC2, s1  }
0x18f: {  	s30 =	sadd.s32 $0xC5, s1;
	v5 =	vmov s9;
	s9 =	sadd.s32 $0xC4, s1;
	v4 =	vmov s0;
	s0 =	sadd.s32 $0xC3, s1  }
0x190: {  	v5 =	vand.u32 $0xFFFFFFFE, v5;
	v6 =	vmov s9;
	v4 =	vand.u32 $0xFFFFFFFE, v4  }
0x191: {  	v7 =	vbroadcast v4, $0x0;
	v4 =	vand.u32 $0xFFFFFFFE, v6;
	_ =	sdelay $0x2  }
0x192: {  	v6, _, _ =	vpop (xrf2)  }
0x193: {  	v6 =	vbroadcast v6, $0xF;
	_ =	sdelay $0x1  }
0x194: {  	[tilespmem:v7+s19+$0x0] =	vst.idx.msk $0x1, v6  }
0x195: {  	v6 =	vld [tilespmem:s26+$0xFFFFFF00]  }
0x196: {  	v7 =	vld [tilespmem:s26+$0xFFFFFEF0]  }
0x197: {  	v8 =	vld [tilespmem:s26+$0xFFFFFEE0]  }
0x198: {  	v9 =	vld [tilespmem:s26+$0xFFFFFED0];
	_ =	sdelay $0x2  }
0x199: {  	v6 =	vmul.f32 v6, v2;
	v7 =	vmul.f32 v7, v1  }
0x19a: {  	v8 =	vmul.f32 v8, v3  }
0x19b: {  	v9 =	vmul.f32 v9, v0;
	v6 =	vadd.f32 v6, v7;
	_ =	sdelay $0x1  }
0x19c: {  	v7 =	vadd.f32 v8, v9;
	_ =	sdelay $0x1  }
0x19d: {  	v6 =	vadd.f32 v6, v7;
	_ =	sdelay $0x1  }
0x19e: {  	(xrf2) =	vadd.scan.msk.f32 $0xffff, v6;
	_ =	sdelay $0x9  }
0x19f: {  	v6, _, _ =	vpop (xrf2)  }
0x1a0: {  	(v2sf) =	vpush v6, $0xF;
	_ =	sdelay $0xd  }
0x1a1: {  	v6 =	vmov s31  }
0x1a2: {  	s1 =	spop (v2sf)  }
0x1a3: {  	s1 =	ssub.f32 $0.0e+00, s1;
	_ =	sdelay $0x1  }
0x1a4: {  	v7 =	vmov s1  }
0x1a5: {  	[tilespmem:v6+s19+$0x0] =	vst.idx.msk $0x1, v7  }
0x1a6: {  	v6 =	vld [tilespmem:s26+$0xFFFFFF30]  }
0x1a7: {  	v7 =	vld [tilespmem:s26+$0xFFFFFF20]  }
0x1a8: {  	v8 =	vld [tilespmem:s26+$0xFFFFFF10]  }
0x1a9: {  	v9 =	vld [tilespmem:s26+$0xFFFFFF40];
	_ =	sdelay $0x2  }
0x1aa: {  	v7 =	vmul.f32 v7, v3  }
0x1ab: {  	v6 =	vmul.f32 v6, v1;
	v8 =	vmul.f32 v8, v0  }
0x1ac: {  	v9 =	vmul.f32 v9, v2  }
0x1ad: {  	v7 =	vadd.f32 v7, v8  }
0x1ae: {  	v6 =	vadd.f32 v9, v6;
	_ =	sdelay $0x1  }
0x1af: {  	v6 =	vadd.f32 v6, v7;
	_ =	sdelay $0x1  }
0x1b0: {  	(xrf2) =	vadd.scan.msk.f32 $0xffff, v6;
	_ =	sdelay $0x9  }
0x1b1: {  	v6, _, _ =	vpop (xrf2)  }
0x1b2: {  	(v2sf) =	vpush v6, $0xF;
	_ =	sdelay $0xc  }
0x1b3: {  	v5 =	vbroadcast v5, $0x0;
	_ =	sdelay $0x1  }
0x1b4: {  	s1 =	spop (v2sf)  }
0x1b5: {  	s1 =	ssub.f32 $0.0e+00, s1;
	_ =	sdelay $0x1  }
0x1b6: {  	v6 =	vmov s1  }
0x1b7: {  	[tilespmem:v5+s19+$0x0] =	vst.idx.msk $0x1, v6  }
0x1b8: {  	v5 =	vld [tilespmem:s26+$0xFFFFFF80]  }
0x1b9: {  	v6 =	vld [tilespmem:s26+$0xFFFFFF50]  }
0x1ba: {  	v7 =	vld [tilespmem:s26+$0xFFFFFF60]  }
0x1bb: {  	v8 =	vld [tilespmem:s26+$0xFFFFFF70];
	_ =	sdelay $0x2  }
0x1bc: {  	v6 =	vmul.f32 v6, v0  }
0x1bd: {  	v7 =	vmul.f32 v7, v3  }
0x1be: {  	v5 =	vmul.f32 v5, v2;
	v8 =	vmul.f32 v8, v1  }
0x1bf: {  	v6 =	vadd.f32 v7, v6  }
0x1c0: {  	v5 =	vadd.f32 v5, v8;
	_ =	sdelay $0x1  }
0x1c1: {  	v5 =	vadd.f32 v5, v6;
	_ =	sdelay $0x1  }
0x1c2: {  	(xrf2) =	vadd.scan.msk.f32 $0xffff, v5;
	_ =	sdelay $0x9  }
0x1c3: {  	v5, _, _ =	vpop (xrf2)  }
0x1c4: {  	(v2sf) =	vpush v5, $0xF;
	_ =	sdelay $0xd  }
0x1c5: {  	v5 =	vmov s0  }
0x1c6: {  	s0 =	spop (v2sf)  }
0x1c7: {  	s0 =	ssub.f32 $0.0e+00, s0;
	_ =	sdelay $0x1  }
0x1c8: {  	v6 =	vmov s0  }
0x1c9: {  	[tilespmem:v5+s19+$0x0] =	vst.idx.msk $0x1, v6  }
0x1ca: {  	v5 =	vld [tilespmem:s26+$0xFFFFFF90]  }
0x1cb: {  	v6 =	vld [tilespmem:s26+$0xFFFFFFA0]  }
0x1cc: {  	v7 =	vld [tilespmem:s26+$0xFFFFFFC0]  }
0x1cd: {  	v8 =	vld [tilespmem:s26+$0xFFFFFFB0];
	_ =	sdelay $0x2  }
0x1ce: {  	v6 =	vmul.f32 v6, v3  }
0x1cf: {  	v5 =	vmul.f32 v5, v0;
	v7 =	vmul.f32 v7, v2  }
0x1d0: {  	v8 =	vmul.f32 v8, v1  }
0x1d1: {  	v5 =	vadd.f32 v6, v5  }
0x1d2: {  	v6 =	vadd.f32 v7, v8;
	_ =	sdelay $0x1  }
0x1d3: {  	v5 =	vadd.f32 v6, v5;
	_ =	sdelay $0x1  }
0x1d4: {  	(xrf2) =	vadd.scan.msk.f32 $0xffff, v5;
	_ =	sdelay $0x9  }
0x1d5: {  	v5, _, _ =	vpop (xrf2)  }
0x1d6: {  	(v2sf) =	vpush v5, $0xF;
	_ =	sdelay $0xc  }
0x1d7: {  	v4 =	vbroadcast v4, $0x0;
	_ =	sdelay $0x1  }
0x1d8: {  	s0 =	spop (v2sf)  }
0x1d9: {  	s0 =	ssub.f32 $0.0e+00, s0;
	_ =	sdelay $0x1  }
0x1da: {  	v5 =	vmov s0  }
0x1db: {  	[tilespmem:v4+s19+$0x0] =	vst.idx.msk $0x1, v5  }
0x1dc: {  	v4 =	vld [tilespmem:s26+$0xFFFFFFD0]  }
0x1dd: {  	v5 =	vld [tilespmem:s26+$0x0]  }
0x1de: {  	v6 =	vld [tilespmem:s26+$0xFFFFFFE0]  }
0x1df: {  	v7 =	vld [tilespmem:s26+$0xFFFFFFF0];
	_ =	sdelay $0x2  }
0x1e0: {  	v2 =	vmul.f32 v5, v2  }
0x1e1: {  	v0 =	vmul.f32 v4, v0;
	v3 =	vmul.f32 v6, v3  }
0x1e2: {  	v1 =	vmul.f32 v7, v1  }
0x1e3: {  	v0 =	vadd.f32 v3, v0  }
0x1e4: {  	v1 =	vadd.f32 v2, v1;
	_ =	sdelay $0x1  }
0x1e5: {  	v0 =	vadd.f32 v1, v0;
	_ =	sdelay $0x1  }
0x1e6: {  	(xrf2) =	vadd.scan.msk.f32 $0xffff, v0;
	_ =	sdelay $0x6  }
.Ltmp1:
0x1e7: {  	(pc) =	sbr.rel @p0 .LBB2_5-.Ltmp1, $3  }
0x1e8: {  	_ =	sdelay $0x1  }
0x1e9: {  	v0, _, _ =	vpop (xrf2)  }
0x1ea: {  	(v2sf) =	vpush v0, $0xF  }
0x1eb: {  	_ =	sdelay $0xb  }
0x1ec: {  	s25 =	sadd.s32 $0x1, s25  }
0x1ed: {  	v0 =	vmov s30;
	p0 =	sne.s32 s25, $0x8  }
.Ltmp2:
0x1ee: {  	s0 =	spop (v2sf);
	(pc) =	sbr.rel @p0 .LBB2_2-.Ltmp2, $3  }
0x1ef: {  	s0 =	ssub.f32 $0.0e+00, s0;
	_ =	sdelay $0x1  }
0x1f0: {  	v1 =	vmov s0  }
0x1f1: {  	s22 =	sadd.s32 $0x1000, s22;
	s24 =	sadd.s32 $0x180, s24;
	s23 =	sadd.s32 $0x1000, s23;
	[tilespmem:v0+s19+$0x0] =	vst.idx.msk $0x1, v1  }
0x1f2: {  	s21 =	sadd.s32 $0x1, s21  }
0x1f3: {  	p0 =	sne.s32 s21, s7  }
.Ltmp3:
0x1f4: {  	_ = 	snop;
	(pc) =	sbr.rel @p0 .LBB2_1-.Ltmp3, $4  }
0x1f5: {  	[hbm4b:s6+s2] =	stream.linear.scatter [tilespmem:s19], [sflag:$0x3], $0xC00, $0x38;
	[tilespmem:$0xF800] =	vst v63  }
0x1f6: {  	_ =	swait.ge [sflag:s8], $0xC00  }
0x1f7: {  	[sflag:s8] =	ssyncset.done $0x0  }
0x1f8: {  	[sflag:s8] =	ssyncadd.s32 $0xFFFFF400  }
0x1f9: {  	_ =	sfence.sel $0x180000  }
0x1fa: {  	[bflag:$0x0] =	sbarrier.arrive $0xFFFF  }
0x1fb: {  	_ =	strace $0x9000004A  }
0x1fc: {  	s0 =	stileid.u32;
	[bflag:$0x2] =	sbarrier.arrive $0xFFFF  }
0x1fd: {  	p0 =	sne.s32 s0, $0x0;
	s0 =	rddreg [dreg:$0x1]  }
0x1fe: {  	s0 =	sadd.s32 @!p0 $0x100000, s0  }
0x1ff: {  	[sflag:s0] =	ssyncadd.tile.s32 @!p0 $0x1;
	_ =	shalt  }
.Lfunc_end2:
_tile_overlayer_lowered:
.L_overlay_start_2:
0x200: {  	(tag) =	ssettag $0x2  }
0x201: {  	s0 =	rddreg [dreg:$0x0];
	s2 =	stileid.u32  }
0x202: {  	s1 =	rddreg [dreg:$0x1];
	p0 =	sne.s32 s2, $0x0  }
0x203: {  	s3 =	rddreg [dreg:$0x2];
	[bflag:$0x3] =	sbarrier.arrive $0xFFFF;
	s2 =	simm.s32 @!p0 $0x1C03  }
0x204: {  	[timem:s3], [sflag:s2] =	dma.local @!p0 [hbm:s0], s1  }
0x205: {  	s0 =	simm.s32 @!p0 $0x3  }
0x206: {  	_ =	swait.ge @!p0 [sflag:s0], s1  }
0x207: {  	s1 =	ssub.s32 @!p0 $0x0, s1;
	[sflag:s0] =	ssyncset.done @!p0 $0x0  }
0x208: {  	[sflag:s0] =	ssyncadd.s32 @!p0 s1  }
0x209: {  	[bflag:$0x3] =	sbarrier.arrive $0xFFFF  }
0x20a: {  	_ =	shalt  }

</sc_bundles>
